<compile_context>
chip_gen: v7x
topology: tpu7x:2x2x1
jax: 0.10.2.dev20260603
libtpu: 0.0.44.dev20260713+nightly
codegen_flags: <defaults>
</compile_context>

<pallas_src>
import dataclasses
import functools

import jax
import jax.numpy as jnp
from jax import lax
from jax.experimental import pallas as pl
from jax.experimental.pallas import tpu as pltpu
from jax.experimental.pallas import tpu_sc as plsc

N = 4096
E = 131072
HID = 128
NW = 32
PLANE = N * N

NCHUNK = 2
EC = E // NCHUNK

_EBLK = 8192
_GSPLIT = 4



def _gather_body(rel_hbm, force_hbm, t_hbm, s_hbm, out_hbm, ts_v, idx_v,
                 rel_stage, cbuf2, cbuf3, force_v, sem, *, ew, base):
    cid = lax.axis_index("c")
    sid = lax.axis_index("s")
    wid = sid * 2 + cid
    pltpu.sync_copy(t_hbm.at[pl.ds(base + wid * ew, ew)], ts_v.at[pl.ds(0, ew)])
    pltpu.sync_copy(s_hbm.at[pl.ds(base + wid * ew, ew)],
                    ts_v.at[pl.ds(ew, ew)])
    pltpu.sync_copy(force_hbm, force_v)

    @pl.loop(0, ew // 16)
    def _(g):
        tr = ts_v[pl.ds(g * 16, 16)]
        sr = ts_v[pl.ds(ew + g * 16, 16)]
        off = ((tr >> 3) * 32768 + (sr >> 7) * 1024
               + (tr & 7) * 128 + (sr & 127))
        idx_v[pl.ds(g * 16, 16)] = off
        idx_v[pl.ds(ew + g * 16, 16)] = off + PLANE
        idx_v[pl.ds(2 * ew + g * 16, 16)] = off + 2 * PLANE

    sub = ew // _GSPLIT
    handles = []
    for k in range(3):
        for j in range(_GSPLIT):
            o = k * ew + j * sub
            handles.append(pltpu.async_copy(
                rel_hbm.at[idx_v.at[pl.ds(o, sub)]],
                rel_stage.at[pl.ds(o, sub)], sem))

    @pl.loop(0, ew // 16)
    def _(g):
        cgo = (g // 8) * 1024 + (g % 8) * 16
        tr = ts_v[pl.ds(g * 16, 16)]
        sr = ts_v[pl.ds(ew + g * 16, 16)]
        cbuf2[pl.ds(cgo + 3 * 128, 16)] = plsc.load_gather(force_v, [tr])
        cbuf2[pl.ds(cgo + 4 * 128, 16)] = plsc.load_gather(force_v, [tr + N])
        cbuf2[pl.ds(cgo + 5 * 128, 16)] = plsc.load_gather(force_v,
                                                           [tr + 2 * N])
        cbuf2[pl.ds(cgo + 6 * 128, 16)] = plsc.load_gather(force_v, [sr])
        cbuf2[pl.ds(cgo + 7 * 128, 16)] = plsc.load_gather(force_v, [sr + N])
        cbuf3[pl.ds(cgo, 16)] = plsc.load_gather(force_v, [sr + 2 * N])

    for h in handles:
        h.wait()

    @pl.loop(0, ew // 16)
    def _(g):
        cgo = (g // 8) * 1024 + (g % 8) * 16
        for c in range(3):
            cbuf2[pl.ds(cgo + c * 128, 16)] = rel_stage[
                pl.ds(c * ew + g * 16, 16)]

    h1 = pltpu.async_copy(cbuf2, out_hbm.at[pl.ds(wid * 8 * ew, 8 * ew)], sem)
    h2 = pltpu.async_copy(
        cbuf3, out_hbm.at[pl.ds((NW + wid) * 8 * ew, 8 * ew)], sem)
    h1.wait()
    h2.wait()



def _mlp_body(med_ref, x_ref, w1t_ref, beff_ref, w2t_ref, b2_ref, out_ref):
    a = x_ref[...]
    d2 = a[0:1] * a[0:1] + a[1:2] * a[1:2] + a[2:3] * a[2:3]
    dist = jnp.maximum(jnp.sqrt(d2), 1e-8)
    rsh = dist - med_ref[0]
    r2 = rsh * rsh
    r4 = r2 * r2
    x = jnp.concatenate([a[0:9], dist, r2, r4], axis=0)
    h = jnp.tanh(
        lax.dot_general(w1t_ref[...], x, (((1,), (0,)), ((), ())),
                        preferred_element_type=jnp.float32) + beff_ref[...])
    v = lax.dot_general(w2t_ref[...], h, (((1,), (0,)), ((), ())),
                        preferred_element_type=jnp.float32) + b2_ref[...]
    out_ref[...] = jnp.concatenate(
        [v, jnp.zeros((5, v.shape[1]), jnp.float32)], axis=0)



def _scatter_body(vel_hbm, t_hbm, zeros_hbm, out_hbm, vel_v, vs, tv,
                  sidx_v0, sidx_v1, sidx_v2, acc, sem, *, ew, base):
    cid = lax.axis_index("c")
    sid = lax.axis_index("s")
    wid = sid * 2 + cid
    pltpu.sync_copy(vel_hbm.at[pl.ds(wid * 8 * ew, 8 * ew)], vel_v)
    pltpu.sync_copy(t_hbm.at[pl.ds(base + wid * ew, ew)], tv)

    @pl.loop(0, ew // 16)
    def _(g):
        cgo = (g // 8) * 1024 + (g % 8) * 16
        for c, sv in enumerate((sidx_v0, sidx_v1, sidx_v2)):
            vs[pl.ds(c * ew + g * 16, 16)] = vel_v[pl.ds(cgo + c * 128, 16)]
            sv[pl.ds(g * 16, 16)] = tv[pl.ds(g * 16, 16)] * 3 + c

    @pl.when(sid == 0)
    def _():
        pltpu.sync_copy(zeros_hbm, acc)

    plsc.subcore_barrier()
    hs = [pltpu.async_copy(vs.at[pl.ds(c * ew, ew)], acc.at[sv], sem,
                           add=True)
          for c, sv in enumerate((sidx_v0, sidx_v1, sidx_v2))]
    for hcopy in hs:
        hcopy.wait()
    plsc.subcore_barrier()

    @pl.when(sid < 12)
    def _():
        pltpu.sync_copy(acc.at[pl.ds(sid * 1024, 1024)],
                        out_hbm.at[pl.ds(cid * 12288 + sid * 1024, 1024)])



def kernel(rel_vecs, target_indices, source_indices, force, viscosity,
           W1, b1, W2, b2, median, contact_distance):
    t = target_indices.astype(jnp.int32)
    s = source_indices.astype(jnp.int32)

    rel_flat = (rel_vecs.transpose(2, 0, 1)
                .reshape(3, N // 8, 8, N // 128, 128)
                .transpose(0, 1, 3, 2, 4)
                .reshape(3 * PLANE))
    force_pl = force.T.reshape(3 * N)

    mu = jnp.asarray(viscosity, jnp.float32)
    w1x = jnp.concatenate(
        [W1[0:3], W1[7:10], W1[10:13], (W1[3] + W1[6])[None],
         W1[4:5], W1[5:6]], axis=0)
    w1t = w1x.T
    beff = (b1 + mu * W1[13] - contact_distance * W1[6]).reshape(HID, 1)
    w2t = W2.T
    b2c = b2.reshape(3, 1)
    med = jnp.asarray(median, jnp.float32).reshape(1)
    zeros = jnp.zeros((3 * N,), jnp.float32)

    mesh = plsc.VectorSubcoreMesh(core_axis_name="c", subcore_axis_name="s")
    cp = pltpu.CompilerParams()
    if "needs_layout_passes" in pltpu.CompilerParams.__dataclass_fields__:
        cp = dataclasses.replace(cp, needs_layout_passes=False)

    ew = EC // NW

    def gather_k(h):
        return pl.kernel(
            functools.partial(_gather_body, ew=ew, base=h * EC), mesh=mesh,
            out_type=jax.ShapeDtypeStruct((16 * EC,), jnp.float32),
            scratch_types=[pltpu.VMEM((2 * ew,), jnp.int32),
                           pltpu.VMEM((3 * ew,), jnp.int32),
                           pltpu.VMEM((3 * ew,), jnp.float32),
                           pltpu.VMEM((8 * ew,), jnp.float32),
                           pltpu.VMEM((8 * ew,), jnp.float32),
                           pltpu.VMEM((3 * N,), jnp.float32),
                           pltpu.SemaphoreType.DMA],
            compiler_params=cp,
        )

    def scatter_k(h):
        return pl.kernel(
            functools.partial(_scatter_body, ew=ew, base=h * EC), mesh=mesh,
            out_type=jax.ShapeDtypeStruct((2 * 3 * N,), jnp.float32),
            scratch_types=[pltpu.VMEM((8 * ew,), jnp.float32),
                           pltpu.VMEM((3 * ew,), jnp.float32),
                           pltpu.VMEM((ew,), jnp.int32),
                           pltpu.VMEM((ew,), jnp.int32),
                           pltpu.VMEM((ew,), jnp.int32),
                           pltpu.VMEM((ew,), jnp.int32),
                           pltpu.VMEM_SHARED((3 * N,), jnp.float32),
                           pltpu.SemaphoreType.DMA],
            compiler_params=cp,
        )

    mlp_k = pl.pallas_call(
        _mlp_body,
        grid=(EC // _EBLK,),
        in_specs=[pl.BlockSpec(memory_space=pltpu.SMEM),
                  pl.BlockSpec((16, _EBLK), lambda i: (0, i)),
                  pl.BlockSpec((HID, 12), lambda i: (0, 0)),
                  pl.BlockSpec((HID, 1), lambda i: (0, 0)),
                  pl.BlockSpec((3, HID), lambda i: (0, 0)),
                  pl.BlockSpec((3, 1), lambda i: (0, 0))],
        out_specs=pl.BlockSpec((8, _EBLK), lambda i: (0, i)),
        out_shape=jax.ShapeDtypeStruct((8, EC), jnp.float32),
    )

    partial_sums = []
    for h in range(NCHUNK):
        planes = gather_k(h)(rel_flat, force_pl, t, s)
        x_tc = (planes.reshape(2, NW * (ew // 128), 8, 128)
                .transpose(0, 2, 1, 3).reshape(16, EC))
        vel = mlp_k(med, x_tc, w1t, beff, w2t, b2c)
        vel1d = (vel.reshape(8, NW * (ew // 128), 128)
                 .transpose(1, 0, 2).reshape(8 * EC))
        partial_sums.append(scatter_k(h)(vel1d, t, zeros))

    p = sum(partial_sums).reshape(2, 3 * N)
    return (p[0] + p[1]).reshape(N, 3)

# --- scband reference (transcript-rebuilt; emitter-appended) ---
"""Pipeline reference for scband-pair-vel-kernel-39118562132370 (READ-ONLY COPY).

The authoritative reference and input builder live on the scoring server;
editing this copy changes nothing except your own understanding.
"""

import jax, jax.numpy as jnp
import numpy as np

N = 4096
E = 131072
HID = 128
D_IN = 14  # 7 features + 3 force_target + 3 force_source + 1 mu


def setup_inputs(seed: int = 0) -> dict:
    key = jax.random.key(seed)
    ks = jax.random.split(key, 8)
    rel_vecs = jax.random.normal(ks[0], (N, N, 3), dtype=jnp.float32)
    target_indices = jax.random.randint(ks[1], (E,), 0, N, dtype=jnp.int64)
    source_indices = jax.random.randint(ks[2], (E,), 0, N, dtype=jnp.int64)
    force = jax.random.normal(ks[3], (N, 3), dtype=jnp.float32)
    viscosity = jnp.ones((), dtype=jnp.float32)
    # learned parameters of the wrapped model.predict_velocity (2-layer MLP)
    W1 = jax.random.normal(ks[4], (D_IN, HID), dtype=jnp.float32) * 0.1
    b1 = jnp.zeros((HID,), dtype=jnp.float32)
    W2 = jax.random.normal(ks[5], (HID, 3), dtype=jnp.float32) * 0.1
    b2 = jnp.zeros((3,), dtype=jnp.float32)
    # registered buffers
    median = jnp.asarray(1.0, dtype=jnp.float32)
    contact_distance = jnp.asarray(0.2, dtype=jnp.float32)
    return {
        'rel_vecs': rel_vecs,
        'target_indices': target_indices,
        'source_indices': source_indices,
        'force': force,
        'viscosity': viscosity,
        'W1': W1, 'b1': b1, 'W2': W2, 'b2': b2,
        'median': median, 'contact_distance': contact_distance,
    }


def _predict_velocity(features, force_target, force_source, mu, W1, b1, W2, b2):
    mu_col = jnp.full((features.shape[0], 1), 1.0, dtype=features.dtype) * mu
    x = jnp.concatenate([features, force_target, force_source, mu_col], axis=-1)
    h = jnp.tanh(x @ W1 + b1)
    return h @ W2 + b2


def reference(rel_vecs, target_indices, source_indices, force, viscosity,
              W1, b1, W2, b2, median, contact_distance):
    # gather pairwise displacement vectors for selected (target, source) pairs
    rel_selected = rel_vecs[target_indices, source_indices]  # [E, 3]
    dist = jnp.clip(jnp.linalg.norm(rel_selected, axis=-1, keepdims=True), 1e-08, None)
    r_shift = dist - median
    r_sq = r_shift * r_shift
    r_quad = r_sq * r_sq
    min_dist = dist - contact_distance
    features = jnp.concatenate([rel_selected, dist, r_sq, r_quad, min_dist], axis=-1)  # [E, 7]
    force_target = force[target_indices]
    force_source = force[source_indices]
    mu_tensor = jnp.asarray(viscosity, dtype=force.dtype)
    # torch.no_grad() around the model call -> stop_gradient
    vel = jax.lax.stop_gradient(
        _predict_velocity(features, force_target, force_source, mu_tensor, W1, b1, W2, b2)
    )
    contribution = jnp.zeros_like(force).at[target_indices].add(vel)
    return contribution

if __name__ == "__main__":
    import jax
    _d = setup_inputs()
    print(jax.jit(kernel)(*tuple(_d.values())))

</pallas_src>

<mosaic_0001>
#map = affine_map<(d0, d1) -> (0)>
module attributes {stable_mosaic.version = 14 : i64} {
  func.func @_gather_body(%arg0: i32, %arg1: i32, %arg2: memref<50331648xf32, #tpu.memory_space<hbm>>, %arg3: memref<12288xf32, #tpu.memory_space<hbm>>, %arg4: memref<131072xi32, #tpu.memory_space<hbm>>, %arg5: memref<131072xi32, #tpu.memory_space<hbm>>, %arg6: memref<1048576xf32, #tpu.memory_space<hbm>>, %arg7: memref<4096xi32, #tpu.memory_space<vmem>>, %arg8: memref<6144xi32, #tpu.memory_space<vmem>>, %arg9: memref<6144xf32, #tpu.memory_space<vmem>>, %arg10: memref<16384xf32, #tpu.memory_space<vmem>>, %arg11: memref<16384xf32, #tpu.memory_space<vmem>>, %arg12: memref<12288xf32, #tpu.memory_space<vmem>>, %arg13: memref<!tpu.dma_semaphore, #tpu.memory_space<semaphore_mem>>) attributes {dimension_semantics = [#tpu.dimension_semantics<core_parallel>, #tpu.dimension_semantics<subcore_parallel>], iteration_bounds = array<i64: 2, 16>, scalar_prefetch = 0 : i64, scratch_operands = 7 : i64, tpu.core_type = #tpu.core_type<sc_vector_subcore>, window_params = [{transform_indices = #map}, {transform_indices = #map}, {transform_indices = #map}, {transform_indices = #map}, {transform_indices = #map}]} {
    %mul3A = arith.constant 2 : i32
    %mul3A_0 = arith.muli %arg1, %mul3A : i32
    %add3A = arith.addi %mul3A_0, %arg0 : i32
    %mul3A_1 = arith.constant 2048 : i32
    %mul3A_2 = arith.muli %add3A, %mul3A_1 : i32
    %add3A_3 = arith.constant 65536 : i32
    %add3A_4 = arith.addi %add3A_3, %mul3A_2 : i32
    "tpu.region"() ({
      %run_scoped3A = tpu.sem_alloc : memref<!tpu.dma_semaphore, #tpu.memory_space<semaphore_mem>>
      %dma_start3A_183 = arith.constant 0 : i32
      %dma_start3A_184 = tpu.memref_slice %arg7[%dma_start3A_183] : memref<4096xi32, #tpu.memory_space<vmem>> -> memref<2048xi32, #tpu.memory_space<vmem>>
      %dma_start3A_185 = tpu.memref_slice %arg4[%add3A_4] : memref<131072xi32, #tpu.memory_space<hbm>> -> memref<2048xi32, #tpu.memory_space<hbm>>
      %dma_start3A_186 = arith.constant 0 : i32
      %dma_start3A_187 = tpu.memref_slice %arg7[%dma_start3A_186] : memref<4096xi32, #tpu.memory_space<vmem>> -> memref<2048xi32, #tpu.memory_space<vmem>>
      %dma_start3A_188 = tpu.memref_slice %arg4[%add3A_4] : memref<131072xi32, #tpu.memory_space<hbm>> -> memref<2048xi32, #tpu.memory_space<hbm>>
      tpu.enqueue_dma source(%dma_start3A_188 : memref<2048xi32, #tpu.memory_space<hbm>>) target(%dma_start3A_187 : memref<2048xi32, #tpu.memory_space<vmem>>) target_semaphore(%run_scoped3A : memref<!tpu.dma_semaphore, #tpu.memory_space<semaphore_mem>>)
      %dma_wait3A_189 = arith.constant 0 : i32
      %dma_wait3A_190 = tpu.memref_slice %arg7[%dma_wait3A_189] : memref<4096xi32, #tpu.memory_space<vmem>> -> memref<2048xi32, #tpu.memory_space<vmem>>
      %dma_wait3A_191 = tpu.memref_slice %arg4[%add3A_4] : memref<131072xi32, #tpu.memory_space<hbm>> -> memref<2048xi32, #tpu.memory_space<hbm>>
      %dma_wait3A_192 = arith.constant 0 : i32
      %dma_wait3A_193 = tpu.memref_slice %arg7[%dma_wait3A_192] : memref<4096xi32, #tpu.memory_space<vmem>> -> memref<2048xi32, #tpu.memory_space<vmem>>
      %dma_wait3A_194 = tpu.memref_slice %arg4[%add3A_4] : memref<131072xi32, #tpu.memory_space<hbm>> -> memref<2048xi32, #tpu.memory_space<hbm>>
      tpu.wait_dma2 semaphore(%run_scoped3A : memref<!tpu.dma_semaphore, #tpu.memory_space<semaphore_mem>>) src(%dma_wait3A_194 : memref<2048xi32, #tpu.memory_space<hbm>>) dst(%dma_wait3A_193 : memref<2048xi32, #tpu.memory_space<vmem>>)
      tpu.yield
    }) : () -> ()
    %mul3A_5 = arith.constant 2048 : i32
    %mul3A_6 = arith.muli %add3A, %mul3A_5 : i32
    %add3A_7 = arith.constant 65536 : i32
    %add3A_8 = arith.addi %add3A_7, %mul3A_6 : i32
    "tpu.region"() ({
      %run_scoped3A = tpu.sem_alloc : memref<!tpu.dma_semaphore, #tpu.memory_space<semaphore_mem>>
      %dma_start3A_183 = arith.constant 2048 : i32
      %dma_start3A_184 = tpu.memref_slice %arg7[%dma_start3A_183] : memref<4096xi32, #tpu.memory_space<vmem>> -> memref<2048xi32, #tpu.memory_space<vmem>>
      %dma_start3A_185 = tpu.memref_slice %arg5[%add3A_8] : memref<131072xi32, #tpu.memory_space<hbm>> -> memref<2048xi32, #tpu.memory_space<hbm>>
      %dma_start3A_186 = arith.constant 2048 : i32
      %dma_start3A_187 = tpu.memref_slice %arg7[%dma_start3A_186] : memref<4096xi32, #tpu.memory_space<vmem>> -> memref<2048xi32, #tpu.memory_space<vmem>>
      %dma_start3A_188 = tpu.memref_slice %arg5[%add3A_8] : memref<131072xi32, #tpu.memory_space<hbm>> -> memref<2048xi32, #tpu.memory_space<hbm>>
      tpu.enqueue_dma source(%dma_start3A_188 : memref<2048xi32, #tpu.memory_space<hbm>>) target(%dma_start3A_187 : memref<2048xi32, #tpu.memory_space<vmem>>) target_semaphore(%run_scoped3A : memref<!tpu.dma_semaphore, #tpu.memory_space<semaphore_mem>>)
      %dma_wait3A_189 = arith.constant 2048 : i32
      %dma_wait3A_190 = tpu.memref_slice %arg7[%dma_wait3A_189] : memref<4096xi32, #tpu.memory_space<vmem>> -> memref<2048xi32, #tpu.memory_space<vmem>>
      %dma_wait3A_191 = tpu.memref_slice %arg5[%add3A_8] : memref<131072xi32, #tpu.memory_space<hbm>> -> memref<2048xi32, #tpu.memory_space<hbm>>
      %dma_wait3A_192 = arith.constant 2048 : i32
      %dma_wait3A_193 = tpu.memref_slice %arg7[%dma_wait3A_192] : memref<4096xi32, #tpu.memory_space<vmem>> -> memref<2048xi32, #tpu.memory_space<vmem>>
      %dma_wait3A_194 = tpu.memref_slice %arg5[%add3A_8] : memref<131072xi32, #tpu.memory_space<hbm>> -> memref<2048xi32, #tpu.memory_space<hbm>>
      tpu.wait_dma2 semaphore(%run_scoped3A : memref<!tpu.dma_semaphore, #tpu.memory_space<semaphore_mem>>) src(%dma_wait3A_194 : memref<2048xi32, #tpu.memory_space<hbm>>) dst(%dma_wait3A_193 : memref<2048xi32, #tpu.memory_space<vmem>>)
      tpu.yield
    }) : () -> ()
    "tpu.region"() ({
      %run_scoped3A = tpu.sem_alloc : memref<!tpu.dma_semaphore, #tpu.memory_space<semaphore_mem>>
      tpu.enqueue_dma source(%arg3 : memref<12288xf32, #tpu.memory_space<hbm>>) target(%arg12 : memref<12288xf32, #tpu.memory_space<vmem>>) target_semaphore(%run_scoped3A : memref<!tpu.dma_semaphore, #tpu.memory_space<semaphore_mem>>)
      tpu.wait_dma2 semaphore(%run_scoped3A : memref<!tpu.dma_semaphore, #tpu.memory_space<semaphore_mem>>) src(%arg3 : memref<12288xf32, #tpu.memory_space<hbm>>) dst(%arg12 : memref<12288xf32, #tpu.memory_space<vmem>>)
      tpu.yield
    }) : () -> ()
    %scan3A = arith.constant 0 : i32
    %scan3A_9 = arith.constant 128 : i32
    %scan3A_10 = arith.addi %scan3A, %scan3A_9 : i32
    %scan3A_11 = arith.constant 1 : i32
    scf.for %scan3A_183 = %scan3A to %scan3A_10 step %scan3A_11  : i32 {
      %mul3A_184 = arith.constant 1 : i32
      %mul3A_185 = arith.muli %scan3A_183, %mul3A_184 : i32
      %add3A_186 = arith.constant 0 : i32
      %add3A_187 = arith.addi %add3A_186, %mul3A_185 : i32
      %mul3A_188 = arith.constant 16 : i32
      %mul3A_189 = arith.muli %add3A_187, %mul3A_188 : i32
      %get3A = arith.index_cast %mul3A_189 : i32 to index
      %get3A_190 = tpu.vector_load %arg7[%get3A] {strides = array<i32>} : memref<4096xi32, #tpu.memory_space<vmem>>, vector<16xi32>,
      %mul3A_191 = arith.constant 16 : i32
      %mul3A_192 = arith.muli %add3A_187, %mul3A_191 : i32
      %add3A_193 = arith.constant 2048 : i32
      %add3A_194 = arith.addi %add3A_193, %mul3A_192 : i32
      %get3A_195 = arith.index_cast %add3A_194 : i32 to index
      %get3A_196 = tpu.vector_load %arg7[%get3A_195] {strides = array<i32>} : memref<4096xi32, #tpu.memory_space<vmem>>, vector<16xi32>,
      %shift_right_arithmetic3A = arith.constant 3 : i32
      %shift_right_arithmetic3A_197 = vector.broadcast %shift_right_arithmetic3A : i32 to vector<16xi32>
      %shift_right_arithmetic3A_198 = arith.shrsi %get3A_190, %shift_right_arithmetic3A_197 : vector<16xi32>
      %mul3A_199 = arith.constant 32768 : i32
      %mul3A_200 = vector.broadcast %mul3A_199 : i32 to vector<16xi32>
      %mul3A_201 = arith.muli %shift_right_arithmetic3A_198, %mul3A_200 : vector<16xi32>
      %shift_right_arithmetic3A_202 = arith.constant 7 : i32
      %shift_right_arithmetic3A_203 = vector.broadcast %shift_right_arithmetic3A_202 : i32 to vector<16xi32>
      %shift_right_arithmetic3A_204 = arith.shrsi %get3A_196, %shift_right_arithmetic3A_203 : vector<16xi32>
      %mul3A_205 = arith.constant 1024 : i32
      %mul3A_206 = vector.broadcast %mul3A_205 : i32 to vector<16xi32>
      %mul3A_207 = arith.muli %shift_right_arithmetic3A_204, %mul3A_206 : vector<16xi32>
      %add3A_208 = arith.addi %mul3A_201, %mul3A_207 : vector<16xi32>
      %and3A = arith.constant 7 : i32
      %and3A_209 = vector.broadcast %and3A : i32 to vector<16xi32>
      %and3A_210 = arith.andi %get3A_190, %and3A_209 : vector<16xi32>
      %mul3A_211 = arith.constant 128 : i32
      %mul3A_212 = vector.broadcast %mul3A_211 : i32 to vector<16xi32>
      %mul3A_213 = arith.muli %and3A_210, %mul3A_212 : vector<16xi32>
      %add3A_214 = arith.addi %add3A_208, %mul3A_213 : vector<16xi32>
      %and3A_215 = arith.constant 127 : i32
      %and3A_216 = vector.broadcast %and3A_215 : i32 to vector<16xi32>
      %and3A_217 = arith.andi %get3A_196, %and3A_216 : vector<16xi32>
      %add3A_218 = arith.addi %add3A_214, %and3A_217 : vector<16xi32>
      %mul3A_219 = arith.constant 16 : i32
      %mul3A_220 = arith.muli %add3A_187, %mul3A_219 : i32
      %swap3A = arith.index_cast %mul3A_220 : i32 to index
      %swap3A_221 = tpu.vector_load %arg8[%swap3A] {strides = array<i32>} : memref<6144xi32, #tpu.memory_space<vmem>>, vector<16xi32>,
      tpu.vector_store %arg8[%swap3A], %add3A_218 {strides = array<i32>} : memref<6144xi32, #tpu.memory_space<vmem>>, vector<16xi32>,
      %add3A_222 = arith.constant 16777216 : i32
      %add3A_223 = vector.broadcast %add3A_222 : i32 to vector<16xi32>
      %add3A_224 = arith.addi %add3A_218, %add3A_223 : vector<16xi32>
      %mul3A_225 = arith.constant 16 : i32
      %mul3A_226 = arith.muli %add3A_187, %mul3A_225 : i32
      %add3A_227 = arith.constant 2048 : i32
      %add3A_228 = arith.addi %add3A_227, %mul3A_226 : i32
      %swap3A_229 = arith.index_cast %add3A_228 : i32 to index
      %swap3A_230 = tpu.vector_load %arg8[%swap3A_229] {strides = array<i32>} : memref<6144xi32, #tpu.memory_space<vmem>>, vector<16xi32>,
      tpu.vector_store %arg8[%swap3A_229], %add3A_224 {strides = array<i32>} : memref<6144xi32, #tpu.memory_space<vmem>>, vector<16xi32>,
      %add3A_231 = arith.constant 33554432 : i32
      %add3A_232 = vector.broadcast %add3A_231 : i32 to vector<16xi32>
      %add3A_233 = arith.addi %add3A_218, %add3A_232 : vector<16xi32>
      %mul3A_234 = arith.constant 16 : i32
      %mul3A_235 = arith.muli %add3A_187, %mul3A_234 : i32
      %add3A_236 = arith.constant 4096 : i32
      %add3A_237 = arith.addi %add3A_236, %mul3A_235 : i32
      %swap3A_238 = arith.index_cast %add3A_237 : i32 to index
      %swap3A_239 = tpu.vector_load %arg8[%swap3A_238] {strides = array<i32>} : memref<6144xi32, #tpu.memory_space<vmem>>, vector<16xi32>,
      tpu.vector_store %arg8[%swap3A_238], %add3A_233 {strides = array<i32>} : memref<6144xi32, #tpu.memory_space<vmem>>, vector<16xi32>,
    }
    %scan3A_12 = arith.constant 128 : i32
    %dma_start3A = arith.constant 0 : i32
    %dma_start3A_13 = tpu.memref_slice %arg9[%dma_start3A] : memref<6144xf32, #tpu.memory_space<vmem>> -> memref<512xf32, #tpu.memory_space<vmem>>
    %dma_start3A_14 = arith.constant 0 : i32
    %dma_start3A_15 = tpu.memref_slice %arg8[%dma_start3A_14] : memref<6144xi32, #tpu.memory_space<vmem>> -> memref<512xi32, #tpu.memory_space<vmem>>
    %dma_start3A_16 = arith.constant 0 : i32
    %dma_start3A_17 = tpu.memref_slice %arg2[%dma_start3A_16] : memref<50331648xf32, #tpu.memory_space<hbm>> -> memref<50331648xf32, #tpu.memory_space<hbm>>
    tpu.enqueue_indirect_dma source(%dma_start3A_17 : memref<50331648xf32, #tpu.memory_space<hbm>>) target(%dma_start3A_13 : memref<512xf32, #tpu.memory_space<vmem>>) offsets(%dma_start3A_15 : memref<512xi32, #tpu.memory_space<vmem>>) semaphore(%arg13 : memref<!tpu.dma_semaphore, #tpu.memory_space<semaphore_mem>>)
    %dma_start3A_18 = arith.constant 512 : i32
    %dma_start3A_19 = tpu.memref_slice %arg9[%dma_start3A_18] : memref<6144xf32, #tpu.memory_space<vmem>> -> memref<512xf32, #tpu.memory_space<vmem>>
    %dma_start3A_20 = arith.constant 512 : i32
    %dma_start3A_21 = tpu.memref_slice %arg8[%dma_start3A_20] : memref<6144xi32, #tpu.memory_space<vmem>> -> memref<512xi32, #tpu.memory_space<vmem>>
    %dma_start3A_22 = arith.constant 0 : i32
    %dma_start3A_23 = tpu.memref_slice %arg2[%dma_start3A_22] : memref<50331648xf32, #tpu.memory_space<hbm>> -> memref<50331648xf32, #tpu.memory_space<hbm>>
    tpu.enqueue_indirect_dma source(%dma_start3A_23 : memref<50331648xf32, #tpu.memory_space<hbm>>) target(%dma_start3A_19 : memref<512xf32, #tpu.memory_space<vmem>>) offsets(%dma_start3A_21 : memref<512xi32, #tpu.memory_space<vmem>>) semaphore(%arg13 : memref<!tpu.dma_semaphore, #tpu.memory_space<semaphore_mem>>)
    %dma_start3A_24 = arith.constant 1024 : i32
    %dma_start3A_25 = tpu.memref_slice %arg9[%dma_start3A_24] : memref<6144xf32, #tpu.memory_space<vmem>> -> memref<512xf32, #tpu.memory_space<vmem>>
    %dma_start3A_26 = arith.constant 1024 : i32
    %dma_start3A_27 = tpu.memref_slice %arg8[%dma_start3A_26] : memref<6144xi32, #tpu.memory_space<vmem>> -> memref<512xi32, #tpu.memory_space<vmem>>
    %dma_start3A_28 = arith.constant 0 : i32
    %dma_start3A_29 = tpu.memref_slice %arg2[%dma_start3A_28] : memref<50331648xf32, #tpu.memory_space<hbm>> -> memref<50331648xf32, #tpu.memory_space<hbm>>
    tpu.enqueue_indirect_dma source(%dma_start3A_29 : memref<50331648xf32, #tpu.memory_space<hbm>>) target(%dma_start3A_25 : memref<512xf32, #tpu.memory_space<vmem>>) offsets(%dma_start3A_27 : memref<512xi32, #tpu.memory_space<vmem>>) semaphore(%arg13 : memref<!tpu.dma_semaphore, #tpu.memory_space<semaphore_mem>>)
    %dma_start3A_30 = arith.constant 1536 : i32
    %dma_start3A_31 = tpu.memref_slice %arg9[%dma_start3A_30] : memref<6144xf32, #tpu.memory_space<vmem>> -> memref<512xf32, #tpu.memory_space<vmem>>
    %dma_start3A_32 = arith.constant 1536 : i32
    %dma_start3A_33 = tpu.memref_slice %arg8[%dma_start3A_32] : memref<6144xi32, #tpu.memory_space<vmem>> -> memref<512xi32, #tpu.memory_space<vmem>>
    %dma_start3A_34 = arith.constant 0 : i32
    %dma_start3A_35 = tpu.memref_slice %arg2[%dma_start3A_34] : memref<50331648xf32, #tpu.memory_space<hbm>> -> memref<50331648xf32, #tpu.memory_space<hbm>>
    tpu.enqueue_indirect_dma source(%dma_start3A_35 : memref<50331648xf32, #tpu.memory_space<hbm>>) target(%dma_start3A_31 : memref<512xf32, #tpu.memory_space<vmem>>) offsets(%dma_start3A_33 : memref<512xi32, #tpu.memory_space<vmem>>) semaphore(%arg13 : memref<!tpu.dma_semaphore, #tpu.memory_space<semaphore_mem>>)
    %dma_start3A_36 = arith.constant 2048 : i32
    %dma_start3A_37 = tpu.memref_slice %arg9[%dma_start3A_36] : memref<6144xf32, #tpu.memory_space<vmem>> -> memref<512xf32, #tpu.memory_space<vmem>>
    %dma_start3A_38 = arith.constant 2048 : i32
    %dma_start3A_39 = tpu.memref_slice %arg8[%dma_start3A_38] : memref<6144xi32, #tpu.memory_space<vmem>> -> memref<512xi32, #tpu.memory_space<vmem>>
    %dma_start3A_40 = arith.constant 0 : i32
    %dma_start3A_41 = tpu.memref_slice %arg2[%dma_start3A_40] : memref<50331648xf32, #tpu.memory_space<hbm>> -> memref<50331648xf32, #tpu.memory_space<hbm>>
    tpu.enqueue_indirect_dma source(%dma_start3A_41 : memref<50331648xf32, #tpu.memory_space<hbm>>) target(%dma_start3A_37 : memref<512xf32, #tpu.memory_space<vmem>>) offsets(%dma_start3A_39 : memref<512xi32, #tpu.memory_space<vmem>>) semaphore(%arg13 : memref<!tpu.dma_semaphore, #tpu.memory_space<semaphore_mem>>)
    %dma_start3A_42 = arith.constant 2560 : i32
    %dma_start3A_43 = tpu.memref_slice %arg9[%dma_start3A_42] : memref<6144xf32, #tpu.memory_space<vmem>> -> memref<512xf32, #tpu.memory_space<vmem>>
    %dma_start3A_44 = arith.constant 2560 : i32
    %dma_start3A_45 = tpu.memref_slice %arg8[%dma_start3A_44] : memref<6144xi32, #tpu.memory_space<vmem>> -> memref<512xi32, #tpu.memory_space<vmem>>
    %dma_start3A_46 = arith.constant 0 : i32
    %dma_start3A_47 = tpu.memref_slice %arg2[%dma_start3A_46] : memref<50331648xf32, #tpu.memory_space<hbm>> -> memref<50331648xf32, #tpu.memory_space<hbm>>
    tpu.enqueue_indirect_dma source(%dma_start3A_47 : memref<50331648xf32, #tpu.memory_space<hbm>>) target(%dma_start3A_43 : memref<512xf32, #tpu.memory_space<vmem>>) offsets(%dma_start3A_45 : memref<512xi32, #tpu.memory_space<vmem>>) semaphore(%arg13 : memref<!tpu.dma_semaphore, #tpu.memory_space<semaphore_mem>>)
    %dma_start3A_48 = arith.constant 3072 : i32
    %dma_start3A_49 = tpu.memref_slice %arg9[%dma_start3A_48] : memref<6144xf32, #tpu.memory_space<vmem>> -> memref<512xf32, #tpu.memory_space<vmem>>
    %dma_start3A_50 = arith.constant 3072 : i32
    %dma_start3A_51 = tpu.memref_slice %arg8[%dma_start3A_50] : memref<6144xi32, #tpu.memory_space<vmem>> -> memref<512xi32, #tpu.memory_space<vmem>>
    %dma_start3A_52 = arith.constant 0 : i32
    %dma_start3A_53 = tpu.memref_slice %arg2[%dma_start3A_52] : memref<50331648xf32, #tpu.memory_space<hbm>> -> memref<50331648xf32, #tpu.memory_space<hbm>>
    tpu.enqueue_indirect_dma source(%dma_start3A_53 : memref<50331648xf32, #tpu.memory_space<hbm>>) target(%dma_start3A_49 : memref<512xf32, #tpu.memory_space<vmem>>) offsets(%dma_start3A_51 : memref<512xi32, #tpu.memory_space<vmem>>) semaphore(%arg13 : memref<!tpu.dma_semaphore, #tpu.memory_space<semaphore_mem>>)
    %dma_start3A_54 = arith.constant 3584 : i32
    %dma_start3A_55 = tpu.memref_slice %arg9[%dma_start3A_54] : memref<6144xf32, #tpu.memory_space<vmem>> -> memref<512xf32, #tpu.memory_space<vmem>>
    %dma_start3A_56 = arith.constant 3584 : i32
    %dma_start3A_57 = tpu.memref_slice %arg8[%dma_start3A_56] : memref<6144xi32, #tpu.memory_space<vmem>> -> memref<512xi32, #tpu.memory_space<vmem>>
    %dma_start3A_58 = arith.constant 0 : i32
    %dma_start3A_59 = tpu.memref_slice %arg2[%dma_start3A_58] : memref<50331648xf32, #tpu.memory_space<hbm>> -> memref<50331648xf32, #tpu.memory_space<hbm>>
    tpu.enqueue_indirect_dma source(%dma_start3A_59 : memref<50331648xf32, #tpu.memory_space<hbm>>) target(%dma_start3A_55 : memref<512xf32, #tpu.memory_space<vmem>>) offsets(%dma_start3A_57 : memref<512xi32, #tpu.memory_space<vmem>>) semaphore(%arg13 : memref<!tpu.dma_semaphore, #tpu.memory_space<semaphore_mem>>)
    %dma_start3A_60 = arith.constant 4096 : i32
    %dma_start3A_61 = tpu.memref_slice %arg9[%dma_start3A_60] : memref<6144xf32, #tpu.memory_space<vmem>> -> memref<512xf32, #tpu.memory_space<vmem>>
    %dma_start3A_62 = arith.constant 4096 : i32
    %dma_start3A_63 = tpu.memref_slice %arg8[%dma_start3A_62] : memref<6144xi32, #tpu.memory_space<vmem>> -> memref<512xi32, #tpu.memory_space<vmem>>
    %dma_start3A_64 = arith.constant 0 : i32
    %dma_start3A_65 = tpu.memref_slice %arg2[%dma_start3A_64] : memref<50331648xf32, #tpu.memory_space<hbm>> -> memref<50331648xf32, #tpu.memory_space<hbm>>
    tpu.enqueue_indirect_dma source(%dma_start3A_65 : memref<50331648xf32, #tpu.memory_space<hbm>>) target(%dma_start3A_61 : memref<512xf32, #tpu.memory_space<vmem>>) offsets(%dma_start3A_63 : memref<512xi32, #tpu.memory_space<vmem>>) semaphore(%arg13 : memref<!tpu.dma_semaphore, #tpu.memory_space<semaphore_mem>>)
    %dma_start3A_66 = arith.constant 4608 : i32
    %dma_start3A_67 = tpu.memref_slice %arg9[%dma_start3A_66] : memref<6144xf32, #tpu.memory_space<vmem>> -> memref<512xf32, #tpu.memory_space<vmem>>
    %dma_start3A_68 = arith.constant 4608 : i32
    %dma_start3A_69 = tpu.memref_slice %arg8[%dma_start3A_68] : memref<6144xi32, #tpu.memory_space<vmem>> -> memref<512xi32, #tpu.memory_space<vmem>>
    %dma_start3A_70 = arith.constant 0 : i32
    %dma_start3A_71 = tpu.memref_slice %arg2[%dma_start3A_70] : memref<50331648xf32, #tpu.memory_space<hbm>> -> memref<50331648xf32, #tpu.memory_space<hbm>>
    tpu.enqueue_indirect_dma source(%dma_start3A_71 : memref<50331648xf32, #tpu.memory_space<hbm>>) target(%dma_start3A_67 : memref<512xf32, #tpu.memory_space<vmem>>) offsets(%dma_start3A_69 : memref<512xi32, #tpu.memory_space<vmem>>) semaphore(%arg13 : memref<!tpu.dma_semaphore, #tpu.memory_space<semaphore_mem>>)
    %dma_start3A_72 = arith.constant 5120 : i32
    %dma_start3A_73 = tpu.memref_slice %arg9[%dma_start3A_72] : memref<6144xf32, #tpu.memory_space<vmem>> -> memref<512xf32, #tpu.memory_space<vmem>>
    %dma_start3A_74 = arith.constant 5120 : i32
    %dma_start3A_75 = tpu.memref_slice %arg8[%dma_start3A_74] : memref<6144xi32, #tpu.memory_space<vmem>> -> memref<512xi32, #tpu.memory_space<vmem>>
    %dma_start3A_76 = arith.constant 0 : i32
    %dma_start3A_77 = tpu.memref_slice %arg2[%dma_start3A_76] : memref<50331648xf32, #tpu.memory_space<hbm>> -> memref<50331648xf32, #tpu.memory_space<hbm>>
    tpu.enqueue_indirect_dma source(%dma_start3A_77 : memref<50331648xf32, #tpu.memory_space<hbm>>) target(%dma_start3A_73 : memref<512xf32, #tpu.memory_space<vmem>>) offsets(%dma_start3A_75 : memref<512xi32, #tpu.memory_space<vmem>>) semaphore(%arg13 : memref<!tpu.dma_semaphore, #tpu.memory_space<semaphore_mem>>)
    %dma_start3A_78 = arith.constant 5632 : i32
    %dma_start3A_79 = tpu.memref_slice %arg9[%dma_start3A_78] : memref<6144xf32, #tpu.memory_space<vmem>> -> memref<512xf32, #tpu.memory_space<vmem>>
    %dma_start3A_80 = arith.constant 5632 : i32
    %dma_start3A_81 = tpu.memref_slice %arg8[%dma_start3A_80] : memref<6144xi32, #tpu.memory_space<vmem>> -> memref<512xi32, #tpu.memory_space<vmem>>
    %dma_start3A_82 = arith.constant 0 : i32
    %dma_start3A_83 = tpu.memref_slice %arg2[%dma_start3A_82] : memref<50331648xf32, #tpu.memory_space<hbm>> -> memref<50331648xf32, #tpu.memory_space<hbm>>
    tpu.enqueue_indirect_dma source(%dma_start3A_83 : memref<50331648xf32, #tpu.memory_space<hbm>>) target(%dma_start3A_79 : memref<512xf32, #tpu.memory_space<vmem>>) offsets(%dma_start3A_81 : memref<512xi32, #tpu.memory_space<vmem>>) semaphore(%arg13 : memref<!tpu.dma_semaphore, #tpu.memory_space<semaphore_mem>>)
    %scan3A_84 = arith.constant 0 : i32
    %scan3A_85 = arith.constant 128 : i32
    %scan3A_86 = arith.addi %scan3A_84, %scan3A_85 : i32
    %scan3A_87 = arith.constant 1 : i32
    scf.for %scan3A_183 = %scan3A_84 to %scan3A_86 step %scan3A_87  : i32 {
      %mul3A_184 = arith.constant 1 : i32
      %mul3A_185 = arith.muli %scan3A_183, %mul3A_184 : i32
      %add3A_186 = arith.constant 0 : i32
      %add3A_187 = arith.addi %add3A_186, %mul3A_185 : i32
      %jit3A = arith.constant 8 : i32
      %div3A = arith.divsi %add3A_187, %jit3A : i32
      %sign3A = arith.constant 0 : i32
      %sign3A_188 = arith.cmpi sgt, %add3A_187, %sign3A : i32
      %sign3A_189 = arith.extui %sign3A_188 : i1 to i32
      %sign3A_190 = arith.constant 0 : i32
      %sign3A_191 = arith.cmpi slt, %add3A_187, %sign3A_190 : i32
      %sign3A_192 = arith.extui %sign3A_191 : i1 to i32
      %sign3A_193 = arith.subi %sign3A_189, %sign3A_192 : i32
      %sign3A_194 = arith.constant 0 : i32
      %sign3A_195 = arith.cmpi sgt, %jit3A, %sign3A_194 : i32
      %sign3A_196 = arith.extui %sign3A_195 : i1 to i32
      %sign3A_197 = arith.constant 0 : i32
      %sign3A_198 = arith.cmpi slt, %jit3A, %sign3A_197 : i32
      %sign3A_199 = arith.extui %sign3A_198 : i1 to i32
      %sign3A_200 = arith.subi %sign3A_196, %sign3A_199 : i32
      %ne3A = arith.cmpi ne, %sign3A_193, %sign3A_200 : i32
      %rem3A = arith.remsi %add3A_187, %jit3A : i32
      %ne3A_201 = arith.constant 0 : i32
      %ne3A_202 = arith.cmpi ne, %rem3A, %ne3A_201 : i32
      %and3A = arith.andi %ne3A, %ne3A_202 : i1
      %sub3A = arith.constant 1 : i32
      %sub3A_203 = arith.subi %div3A, %sub3A : i32
      %select_n3A = arith.select %and3A, %sub3A_203, %div3A : i32
      %mul3A_204 = arith.constant 1024 : i32
      %mul3A_205 = arith.muli %select_n3A, %mul3A_204 : i32
      %jit3A_206 = arith.constant 8 : i32
      %eq3A = arith.constant 0 : i32
      %eq3A_207 = arith.cmpi eq, %jit3A_206, %eq3A : i32
      %jit3A_208 = arith.constant 1 : i32
      %select_n3A_209 = arith.select %eq3A_207, %jit3A_208, %jit3A_206 : i32
      %rem3A_210 = arith.remsi %add3A_187, %select_n3A_209 : i32
      %ne3A_211 = arith.constant 0 : i32
      %ne3A_212 = arith.cmpi ne, %rem3A_210, %ne3A_211 : i32
      %lt3A = arith.constant 0 : i32
      %lt3A_213 = arith.cmpi slt, %rem3A_210, %lt3A : i32
      %lt3A_214 = arith.constant 0 : i32
      %lt3A_215 = arith.cmpi slt, %select_n3A_209, %lt3A_214 : i32
      %ne3A_216 = arith.xori %lt3A_213, %lt3A_215 : i1
      %and3A_217 = arith.andi %ne3A_216, %ne3A_212 : i1
      %add3A_218 = arith.addi %rem3A_210, %select_n3A_209 : i32
      %select_n3A_219 = arith.select %and3A_217, %add3A_218, %rem3A_210 : i32
      %mul3A_220 = arith.constant 16 : i32
      %mul3A_221 = arith.muli %select_n3A_219, %mul3A_220 : i32
      %add3A_222 = arith.addi %mul3A_205, %mul3A_221 : i32
      %mul3A_223 = arith.constant 16 : i32
      %mul3A_224 = arith.muli %add3A_187, %mul3A_223 : i32
      %get3A = arith.index_cast %mul3A_224 : i32 to index
      %get3A_225 = tpu.vector_load %arg7[%get3A] {strides = array<i32>} : memref<4096xi32, #tpu.memory_space<vmem>>, vector<16xi32>,
      %mul3A_226 = arith.constant 16 : i32
      %mul3A_227 = arith.muli %add3A_187, %mul3A_226 : i32
      %add3A_228 = arith.constant 2048 : i32
      %add3A_229 = arith.addi %add3A_228, %mul3A_227 : i32
      %get3A_230 = arith.index_cast %add3A_229 : i32 to index
      %get3A_231 = tpu.vector_load %arg7[%get3A_230] {strides = array<i32>} : memref<4096xi32, #tpu.memory_space<vmem>>, vector<16xi32>,
      %gather3A = tpu.vector_load_idx %arg12[%get3A_225] : memref<12288xf32, #tpu.memory_space<vmem>>[vector<16xi32>], vector<16xf32>,
      %add3A_232 = arith.constant 384 : i32
      %add3A_233 = arith.addi %add3A_222, %add3A_232 : i32
      %swap3A = arith.index_cast %add3A_233 : i32 to index
      %swap3A_234 = tpu.vector_load %arg10[%swap3A] {strides = array<i32>} : memref<16384xf32, #tpu.memory_space<vmem>>, vector<16xf32>,
      tpu.vector_store %arg10[%swap3A], %gather3A {strides = array<i32>} : memref<16384xf32, #tpu.memory_space<vmem>>, vector<16xf32>,
      %add3A_235 = arith.constant 4096 : i32
      %add3A_236 = vector.broadcast %add3A_235 : i32 to vector<16xi32>
      %add3A_237 = arith.addi %get3A_225, %add3A_236 : vector<16xi32>
      %gather3A_238 = tpu.vector_load_idx %arg12[%add3A_237] : memref<12288xf32, #tpu.memory_space<vmem>>[vector<16xi32>], vector<16xf32>,
      %add3A_239 = arith.constant 512 : i32
      %add3A_240 = arith.addi %add3A_222, %add3A_239 : i32
      %swap3A_241 = arith.index_cast %add3A_240 : i32 to index
      %swap3A_242 = tpu.vector_load %arg10[%swap3A_241] {strides = array<i32>} : memref<16384xf32, #tpu.memory_space<vmem>>, vector<16xf32>,
      tpu.vector_store %arg10[%swap3A_241], %gather3A_238 {strides = array<i32>} : memref<16384xf32, #tpu.memory_space<vmem>>, vector<16xf32>,
      %add3A_243 = arith.constant 8192 : i32
      %add3A_244 = vector.broadcast %add3A_243 : i32 to vector<16xi32>
      %add3A_245 = arith.addi %get3A_225, %add3A_244 : vector<16xi32>
      %gather3A_246 = tpu.vector_load_idx %arg12[%add3A_245] : memref<12288xf32, #tpu.memory_space<vmem>>[vector<16xi32>], vector<16xf32>,
      %add3A_247 = arith.constant 640 : i32
      %add3A_248 = arith.addi %add3A_222, %add3A_247 : i32
      %swap3A_249 = arith.index_cast %add3A_248 : i32 to index
      %swap3A_250 = tpu.vector_load %arg10[%swap3A_249] {strides = array<i32>} : memref<16384xf32, #tpu.memory_space<vmem>>, vector<16xf32>,
      tpu.vector_store %arg10[%swap3A_249], %gather3A_246 {strides = array<i32>} : memref<16384xf32, #tpu.memory_space<vmem>>, vector<16xf32>,
      %gather3A_251 = tpu.vector_load_idx %arg12[%get3A_231] : memref<12288xf32, #tpu.memory_space<vmem>>[vector<16xi32>], vector<16xf32>,
      %add3A_252 = arith.constant 768 : i32
      %add3A_253 = arith.addi %add3A_222, %add3A_252 : i32
      %swap3A_254 = arith.index_cast %add3A_253 : i32 to index
      %swap3A_255 = tpu.vector_load %arg10[%swap3A_254] {strides = array<i32>} : memref<16384xf32, #tpu.memory_space<vmem>>, vector<16xf32>,
      tpu.vector_store %arg10[%swap3A_254], %gather3A_251 {strides = array<i32>} : memref<16384xf32, #tpu.memory_space<vmem>>, vector<16xf32>,
      %add3A_256 = arith.constant 4096 : i32
      %add3A_257 = vector.broadcast %add3A_256 : i32 to vector<16xi32>
      %add3A_258 = arith.addi %get3A_231, %add3A_257 : vector<16xi32>
      %gather3A_259 = tpu.vector_load_idx %arg12[%add3A_258] : memref<12288xf32, #tpu.memory_space<vmem>>[vector<16xi32>], vector<16xf32>,
      %add3A_260 = arith.constant 896 : i32
      %add3A_261 = arith.addi %add3A_222, %add3A_260 : i32
      %swap3A_262 = arith.index_cast %add3A_261 : i32 to index
      %swap3A_263 = tpu.vector_load %arg10[%swap3A_262] {strides = array<i32>} : memref<16384xf32, #tpu.memory_space<vmem>>, vector<16xf32>,
      tpu.vector_store %arg10[%swap3A_262], %gather3A_259 {strides = array<i32>} : memref<16384xf32, #tpu.memory_space<vmem>>, vector<16xf32>,
      %add3A_264 = arith.constant 8192 : i32
      %add3A_265 = vector.broadcast %add3A_264 : i32 to vector<16xi32>
      %add3A_266 = arith.addi %get3A_231, %add3A_265 : vector<16xi32>
      %gather3A_267 = tpu.vector_load_idx %arg12[%add3A_266] : memref<12288xf32, #tpu.memory_space<vmem>>[vector<16xi32>], vector<16xf32>,
      %swap3A_268 = arith.index_cast %add3A_222 : i32 to index
      %swap3A_269 = tpu.vector_load %arg11[%swap3A_268] {strides = array<i32>} : memref<16384xf32, #tpu.memory_space<vmem>>, vector<16xf32>,
      tpu.vector_store %arg11[%swap3A_268], %gather3A_267 {strides = array<i32>} : memref<16384xf32, #tpu.memory_space<vmem>>, vector<16xf32>,
    }
    %scan3A_88 = arith.constant 128 : i32
    %dma_wait3A = arith.constant 0 : i32
    %dma_wait3A_89 = tpu.memref_slice %arg9[%dma_wait3A] : memref<6144xf32, #tpu.memory_space<vmem>> -> memref<512xf32, #tpu.memory_space<vmem>>
    %dma_wait3A_90 = arith.constant 0 : i32
    %dma_wait3A_91 = tpu.memref_slice %arg8[%dma_wait3A_90] : memref<6144xi32, #tpu.memory_space<vmem>> -> memref<512xi32, #tpu.memory_space<vmem>>
    %dma_wait3A_92 = arith.constant 0 : i32
    %dma_wait3A_93 = tpu.memref_slice %arg2[%dma_wait3A_92] : memref<50331648xf32, #tpu.memory_space<hbm>> -> memref<50331648xf32, #tpu.memory_space<hbm>>
    tpu.wait_indirect_dma semaphore(%arg13 : memref<!tpu.dma_semaphore, #tpu.memory_space<semaphore_mem>>) src(%dma_wait3A_93 : memref<50331648xf32, #tpu.memory_space<hbm>>) dst(%dma_wait3A_89 : memref<512xf32, #tpu.memory_space<vmem>>)
    %dma_wait3A_94 = arith.constant 512 : i32
    %dma_wait3A_95 = tpu.memref_slice %arg9[%dma_wait3A_94] : memref<6144xf32, #tpu.memory_space<vmem>> -> memref<512xf32, #tpu.memory_space<vmem>>
    %dma_wait3A_96 = arith.constant 512 : i32
    %dma_wait3A_97 = tpu.memref_slice %arg8[%dma_wait3A_96] : memref<6144xi32, #tpu.memory_space<vmem>> -> memref<512xi32, #tpu.memory_space<vmem>>
    %dma_wait3A_98 = arith.constant 0 : i32
    %dma_wait3A_99 = tpu.memref_slice %arg2[%dma_wait3A_98] : memref<50331648xf32, #tpu.memory_space<hbm>> -> memref<50331648xf32, #tpu.memory_space<hbm>>
    tpu.wait_indirect_dma semaphore(%arg13 : memref<!tpu.dma_semaphore, #tpu.memory_space<semaphore_mem>>) src(%dma_wait3A_99 : memref<50331648xf32, #tpu.memory_space<hbm>>) dst(%dma_wait3A_95 : memref<512xf32, #tpu.memory_space<vmem>>)
    %dma_wait3A_100 = arith.constant 1024 : i32
    %dma_wait3A_101 = tpu.memref_slice %arg9[%dma_wait3A_100] : memref<6144xf32, #tpu.memory_space<vmem>> -> memref<512xf32, #tpu.memory_space<vmem>>
    %dma_wait3A_102 = arith.constant 1024 : i32
    %dma_wait3A_103 = tpu.memref_slice %arg8[%dma_wait3A_102] : memref<6144xi32, #tpu.memory_space<vmem>> -> memref<512xi32, #tpu.memory_space<vmem>>
    %dma_wait3A_104 = arith.constant 0 : i32
    %dma_wait3A_105 = tpu.memref_slice %arg2[%dma_wait3A_104] : memref<50331648xf32, #tpu.memory_space<hbm>> -> memref<50331648xf32, #tpu.memory_space<hbm>>
    tpu.wait_indirect_dma semaphore(%arg13 : memref<!tpu.dma_semaphore, #tpu.memory_space<semaphore_mem>>) src(%dma_wait3A_105 : memref<50331648xf32, #tpu.memory_space<hbm>>) dst(%dma_wait3A_101 : memref<512xf32, #tpu.memory_space<vmem>>)
    %dma_wait3A_106 = arith.constant 1536 : i32
    %dma_wait3A_107 = tpu.memref_slice %arg9[%dma_wait3A_106] : memref<6144xf32, #tpu.memory_space<vmem>> -> memref<512xf32, #tpu.memory_space<vmem>>
    %dma_wait3A_108 = arith.constant 1536 : i32
    %dma_wait3A_109 = tpu.memref_slice %arg8[%dma_wait3A_108] : memref<6144xi32, #tpu.memory_space<vmem>> -> memref<512xi32, #tpu.memory_space<vmem>>
    %dma_wait3A_110 = arith.constant 0 : i32
    %dma_wait3A_111 = tpu.memref_slice %arg2[%dma_wait3A_110] : memref<50331648xf32, #tpu.memory_space<hbm>> -> memref<50331648xf32, #tpu.memory_space<hbm>>
    tpu.wait_indirect_dma semaphore(%arg13 : memref<!tpu.dma_semaphore, #tpu.memory_space<semaphore_mem>>) src(%dma_wait3A_111 : memref<50331648xf32, #tpu.memory_space<hbm>>) dst(%dma_wait3A_107 : memref<512xf32, #tpu.memory_space<vmem>>)
    %dma_wait3A_112 = arith.constant 2048 : i32
    %dma_wait3A_113 = tpu.memref_slice %arg9[%dma_wait3A_112] : memref<6144xf32, #tpu.memory_space<vmem>> -> memref<512xf32, #tpu.memory_space<vmem>>
    %dma_wait3A_114 = arith.constant 2048 : i32
    %dma_wait3A_115 = tpu.memref_slice %arg8[%dma_wait3A_114] : memref<6144xi32, #tpu.memory_space<vmem>> -> memref<512xi32, #tpu.memory_space<vmem>>
    %dma_wait3A_116 = arith.constant 0 : i32
    %dma_wait3A_117 = tpu.memref_slice %arg2[%dma_wait3A_116] : memref<50331648xf32, #tpu.memory_space<hbm>> -> memref<50331648xf32, #tpu.memory_space<hbm>>
    tpu.wait_indirect_dma semaphore(%arg13 : memref<!tpu.dma_semaphore, #tpu.memory_space<semaphore_mem>>) src(%dma_wait3A_117 : memref<50331648xf32, #tpu.memory_space<hbm>>) dst(%dma_wait3A_113 : memref<512xf32, #tpu.memory_space<vmem>>)
    %dma_wait3A_118 = arith.constant 2560 : i32
    %dma_wait3A_119 = tpu.memref_slice %arg9[%dma_wait3A_118] : memref<6144xf32, #tpu.memory_space<vmem>> -> memref<512xf32, #tpu.memory_space<vmem>>
    %dma_wait3A_120 = arith.constant 2560 : i32
    %dma_wait3A_121 = tpu.memref_slice %arg8[%dma_wait3A_120] : memref<6144xi32, #tpu.memory_space<vmem>> -> memref<512xi32, #tpu.memory_space<vmem>>
    %dma_wait3A_122 = arith.constant 0 : i32
    %dma_wait3A_123 = tpu.memref_slice %arg2[%dma_wait3A_122] : memref<50331648xf32, #tpu.memory_space<hbm>> -> memref<50331648xf32, #tpu.memory_space<hbm>>
    tpu.wait_indirect_dma semaphore(%arg13 : memref<!tpu.dma_semaphore, #tpu.memory_space<semaphore_mem>>) src(%dma_wait3A_123 : memref<50331648xf32, #tpu.memory_space<hbm>>) dst(%dma_wait3A_119 : memref<512xf32, #tpu.memory_space<vmem>>)
    %dma_wait3A_124 = arith.constant 3072 : i32
    %dma_wait3A_125 = tpu.memref_slice %arg9[%dma_wait3A_124] : memref<6144xf32, #tpu.memory_space<vmem>> -> memref<512xf32, #tpu.memory_space<vmem>>
    %dma_wait3A_126 = arith.constant 3072 : i32
    %dma_wait3A_127 = tpu.memref_slice %arg8[%dma_wait3A_126] : memref<6144xi32, #tpu.memory_space<vmem>> -> memref<512xi32, #tpu.memory_space<vmem>>
    %dma_wait3A_128 = arith.constant 0 : i32
    %dma_wait3A_129 = tpu.memref_slice %arg2[%dma_wait3A_128] : memref<50331648xf32, #tpu.memory_space<hbm>> -> memref<50331648xf32, #tpu.memory_space<hbm>>
    tpu.wait_indirect_dma semaphore(%arg13 : memref<!tpu.dma_semaphore, #tpu.memory_space<semaphore_mem>>) src(%dma_wait3A_129 : memref<50331648xf32, #tpu.memory_space<hbm>>) dst(%dma_wait3A_125 : memref<512xf32, #tpu.memory_space<vmem>>)
    %dma_wait3A_130 = arith.constant 3584 : i32
    %dma_wait3A_131 = tpu.memref_slice %arg9[%dma_wait3A_130] : memref<6144xf32, #tpu.memory_space<vmem>> -> memref<512xf32, #tpu.memory_space<vmem>>
    %dma_wait3A_132 = arith.constant 3584 : i32
    %dma_wait3A_133 = tpu.memref_slice %arg8[%dma_wait3A_132] : memref<6144xi32, #tpu.memory_space<vmem>> -> memref<512xi32, #tpu.memory_space<vmem>>
    %dma_wait3A_134 = arith.constant 0 : i32
    %dma_wait3A_135 = tpu.memref_slice %arg2[%dma_wait3A_134] : memref<50331648xf32, #tpu.memory_space<hbm>> -> memref<50331648xf32, #tpu.memory_space<hbm>>
    tpu.wait_indirect_dma semaphore(%arg13 : memref<!tpu.dma_semaphore, #tpu.memory_space<semaphore_mem>>) src(%dma_wait3A_135 : memref<50331648xf32, #tpu.memory_space<hbm>>) dst(%dma_wait3A_131 : memref<512xf32, #tpu.memory_space<vmem>>)
    %dma_wait3A_136 = arith.constant 4096 : i32
    %dma_wait3A_137 = tpu.memref_slice %arg9[%dma_wait3A_136] : memref<6144xf32, #tpu.memory_space<vmem>> -> memref<512xf32, #tpu.memory_space<vmem>>
    %dma_wait3A_138 = arith.constant 4096 : i32
    %dma_wait3A_139 = tpu.memref_slice %arg8[%dma_wait3A_138] : memref<6144xi32, #tpu.memory_space<vmem>> -> memref<512xi32, #tpu.memory_space<vmem>>
    %dma_wait3A_140 = arith.constant 0 : i32
    %dma_wait3A_141 = tpu.memref_slice %arg2[%dma_wait3A_140] : memref<50331648xf32, #tpu.memory_space<hbm>> -> memref<50331648xf32, #tpu.memory_space<hbm>>
    tpu.wait_indirect_dma semaphore(%arg13 : memref<!tpu.dma_semaphore, #tpu.memory_space<semaphore_mem>>) src(%dma_wait3A_141 : memref<50331648xf32, #tpu.memory_space<hbm>>) dst(%dma_wait3A_137 : memref<512xf32, #tpu.memory_space<vmem>>)
    %dma_wait3A_142 = arith.constant 4608 : i32
    %dma_wait3A_143 = tpu.memref_slice %arg9[%dma_wait3A_142] : memref<6144xf32, #tpu.memory_space<vmem>> -> memref<512xf32, #tpu.memory_space<vmem>>
    %dma_wait3A_144 = arith.constant 4608 : i32
    %dma_wait3A_145 = tpu.memref_slice %arg8[%dma_wait3A_144] : memref<6144xi32, #tpu.memory_space<vmem>> -> memref<512xi32, #tpu.memory_space<vmem>>
    %dma_wait3A_146 = arith.constant 0 : i32
    %dma_wait3A_147 = tpu.memref_slice %arg2[%dma_wait3A_146] : memref<50331648xf32, #tpu.memory_space<hbm>> -> memref<50331648xf32, #tpu.memory_space<hbm>>
    tpu.wait_indirect_dma semaphore(%arg13 : memref<!tpu.dma_semaphore, #tpu.memory_space<semaphore_mem>>) src(%dma_wait3A_147 : memref<50331648xf32, #tpu.memory_space<hbm>>) dst(%dma_wait3A_143 : memref<512xf32, #tpu.memory_space<vmem>>)
    %dma_wait3A_148 = arith.constant 5120 : i32
    %dma_wait3A_149 = tpu.memref_slice %arg9[%dma_wait3A_148] : memref<6144xf32, #tpu.memory_space<vmem>> -> memref<512xf32, #tpu.memory_space<vmem>>
    %dma_wait3A_150 = arith.constant 5120 : i32
    %dma_wait3A_151 = tpu.memref_slice %arg8[%dma_wait3A_150] : memref<6144xi32, #tpu.memory_space<vmem>> -> memref<512xi32, #tpu.memory_space<vmem>>
    %dma_wait3A_152 = arith.constant 0 : i32
    %dma_wait3A_153 = tpu.memref_slice %arg2[%dma_wait3A_152] : memref<50331648xf32, #tpu.memory_space<hbm>> -> memref<50331648xf32, #tpu.memory_space<hbm>>
    tpu.wait_indirect_dma semaphore(%arg13 : memref<!tpu.dma_semaphore, #tpu.memory_space<semaphore_mem>>) src(%dma_wait3A_153 : memref<50331648xf32, #tpu.memory_space<hbm>>) dst(%dma_wait3A_149 : memref<512xf32, #tpu.memory_space<vmem>>)
    %dma_wait3A_154 = arith.constant 5632 : i32
    %dma_wait3A_155 = tpu.memref_slice %arg9[%dma_wait3A_154] : memref<6144xf32, #tpu.memory_space<vmem>> -> memref<512xf32, #tpu.memory_space<vmem>>
    %dma_wait3A_156 = arith.constant 5632 : i32
    %dma_wait3A_157 = tpu.memref_slice %arg8[%dma_wait3A_156] : memref<6144xi32, #tpu.memory_space<vmem>> -> memref<512xi32, #tpu.memory_space<vmem>>
    %dma_wait3A_158 = arith.constant 0 : i32
    %dma_wait3A_159 = tpu.memref_slice %arg2[%dma_wait3A_158] : memref<50331648xf32, #tpu.memory_space<hbm>> -> memref<50331648xf32, #tpu.memory_space<hbm>>
    tpu.wait_indirect_dma semaphore(%arg13 : memref<!tpu.dma_semaphore, #tpu.memory_space<semaphore_mem>>) src(%dma_wait3A_159 : memref<50331648xf32, #tpu.memory_space<hbm>>) dst(%dma_wait3A_155 : memref<512xf32, #tpu.memory_space<vmem>>)
    %scan3A_160 = arith.constant 0 : i32
    %scan3A_161 = arith.constant 128 : i32
    %scan3A_162 = arith.addi %scan3A_160, %scan3A_161 : i32
    %scan3A_163 = arith.constant 1 : i32
    scf.for %scan3A_183 = %scan3A_160 to %scan3A_162 step %scan3A_163  : i32 {
      %mul3A_184 = arith.constant 1 : i32
      %mul3A_185 = arith.muli %scan3A_183, %mul3A_184 : i32
      %add3A_186 = arith.constant 0 : i32
      %add3A_187 = arith.addi %add3A_186, %mul3A_185 : i32
      %jit3A = arith.constant 8 : i32
      %div3A = arith.divsi %add3A_187, %jit3A : i32
      %sign3A = arith.constant 0 : i32
      %sign3A_188 = arith.cmpi sgt, %add3A_187, %sign3A : i32
      %sign3A_189 = arith.extui %sign3A_188 : i1 to i32
      %sign3A_190 = arith.constant 0 : i32
      %sign3A_191 = arith.cmpi slt, %add3A_187, %sign3A_190 : i32
      %sign3A_192 = arith.extui %sign3A_191 : i1 to i32
      %sign3A_193 = arith.subi %sign3A_189, %sign3A_192 : i32
      %sign3A_194 = arith.constant 0 : i32
      %sign3A_195 = arith.cmpi sgt, %jit3A, %sign3A_194 : i32
      %sign3A_196 = arith.extui %sign3A_195 : i1 to i32
      %sign3A_197 = arith.constant 0 : i32
      %sign3A_198 = arith.cmpi slt, %jit3A, %sign3A_197 : i32
      %sign3A_199 = arith.extui %sign3A_198 : i1 to i32
      %sign3A_200 = arith.subi %sign3A_196, %sign3A_199 : i32
      %ne3A = arith.cmpi ne, %sign3A_193, %sign3A_200 : i32
      %rem3A = arith.remsi %add3A_187, %jit3A : i32
      %ne3A_201 = arith.constant 0 : i32
      %ne3A_202 = arith.cmpi ne, %rem3A, %ne3A_201 : i32
      %and3A = arith.andi %ne3A, %ne3A_202 : i1
      %sub3A = arith.constant 1 : i32
      %sub3A_203 = arith.subi %div3A, %sub3A : i32
      %select_n3A = arith.select %and3A, %sub3A_203, %div3A : i32
      %mul3A_204 = arith.constant 1024 : i32
      %mul3A_205 = arith.muli %select_n3A, %mul3A_204 : i32
      %jit3A_206 = arith.constant 8 : i32
      %eq3A = arith.constant 0 : i32
      %eq3A_207 = arith.cmpi eq, %jit3A_206, %eq3A : i32
      %jit3A_208 = arith.constant 1 : i32
      %select_n3A_209 = arith.select %eq3A_207, %jit3A_208, %jit3A_206 : i32
      %rem3A_210 = arith.remsi %add3A_187, %select_n3A_209 : i32
      %ne3A_211 = arith.constant 0 : i32
      %ne3A_212 = arith.cmpi ne, %rem3A_210, %ne3A_211 : i32
      %lt3A = arith.constant 0 : i32
      %lt3A_213 = arith.cmpi slt, %rem3A_210, %lt3A : i32
      %lt3A_214 = arith.constant 0 : i32
      %lt3A_215 = arith.cmpi slt, %select_n3A_209, %lt3A_214 : i32
      %ne3A_216 = arith.xori %lt3A_213, %lt3A_215 : i1
      %and3A_217 = arith.andi %ne3A_216, %ne3A_212 : i1
      %add3A_218 = arith.addi %rem3A_210, %select_n3A_209 : i32
      %select_n3A_219 = arith.select %and3A_217, %add3A_218, %rem3A_210 : i32
      %mul3A_220 = arith.constant 16 : i32
      %mul3A_221 = arith.muli %select_n3A_219, %mul3A_220 : i32
      %add3A_222 = arith.addi %mul3A_205, %mul3A_221 : i32
      %mul3A_223 = arith.constant 16 : i32
      %mul3A_224 = arith.muli %add3A_187, %mul3A_223 : i32
      %add3A_225 = arith.constant 0 : i32
      %add3A_226 = arith.addi %add3A_225, %mul3A_224 : i32
      %get3A = arith.index_cast %add3A_226 : i32 to index
      %get3A_227 = tpu.vector_load %arg9[%get3A] {strides = array<i32>} : memref<6144xf32, #tpu.memory_space<vmem>>, vector<16xf32>,
      %add3A_228 = arith.constant 0 : i32
      %add3A_229 = arith.addi %add3A_222, %add3A_228 : i32
      %swap3A = arith.index_cast %add3A_229 : i32 to index
      %swap3A_230 = tpu.vector_load %arg10[%swap3A] {strides = array<i32>} : memref<16384xf32, #tpu.memory_space<vmem>>, vector<16xf32>,
      tpu.vector_store %arg10[%swap3A], %get3A_227 {strides = array<i32>} : memref<16384xf32, #tpu.memory_space<vmem>>, vector<16xf32>,
      %mul3A_231 = arith.constant 16 : i32
      %mul3A_232 = arith.muli %add3A_187, %mul3A_231 : i32
      %add3A_233 = arith.constant 2048 : i32
      %add3A_234 = arith.addi %add3A_233, %mul3A_232 : i32
      %get3A_235 = arith.index_cast %add3A_234 : i32 to index
      %get3A_236 = tpu.vector_load %arg9[%get3A_235] {strides = array<i32>} : memref<6144xf32, #tpu.memory_space<vmem>>, vector<16xf32>,
      %add3A_237 = arith.constant 128 : i32
      %add3A_238 = arith.addi %add3A_222, %add3A_237 : i32
      %swap3A_239 = arith.index_cast %add3A_238 : i32 to index
      %swap3A_240 = tpu.vector_load %arg10[%swap3A_239] {strides = array<i32>} : memref<16384xf32, #tpu.memory_space<vmem>>, vector<16xf32>,
      tpu.vector_store %arg10[%swap3A_239], %get3A_236 {strides = array<i32>} : memref<16384xf32, #tpu.memory_space<vmem>>, vector<16xf32>,
      %mul3A_241 = arith.constant 16 : i32
      %mul3A_242 = arith.muli %add3A_187, %mul3A_241 : i32
      %add3A_243 = arith.constant 4096 : i32
      %add3A_244 = arith.addi %add3A_243, %mul3A_242 : i32
      %get3A_245 = arith.index_cast %add3A_244 : i32 to index
      %get3A_246 = tpu.vector_load %arg9[%get3A_245] {strides = array<i32>} : memref<6144xf32, #tpu.memory_space<vmem>>, vector<16xf32>,
      %add3A_247 = arith.constant 256 : i32
      %add3A_248 = arith.addi %add3A_222, %add3A_247 : i32
      %swap3A_249 = arith.index_cast %add3A_248 : i32 to index
      %swap3A_250 = tpu.vector_load %arg10[%swap3A_249] {strides = array<i32>} : memref<16384xf32, #tpu.memory_space<vmem>>, vector<16xf32>,
      tpu.vector_store %arg10[%swap3A_249], %get3A_246 {strides = array<i32>} : memref<16384xf32, #tpu.memory_space<vmem>>, vector<16xf32>,
    }
    %scan3A_164 = arith.constant 128 : i32
    %mul3A_165 = arith.constant 8 : i32
    %mul3A_166 = arith.muli %add3A, %mul3A_165 : i32
    %mul3A_167 = arith.constant 2048 : i32
    %mul3A_168 = arith.muli %mul3A_166, %mul3A_167 : i32
    %dma_start3A_169 = tpu.memref_slice %arg6[%mul3A_168] : memref<1048576xf32, #tpu.memory_space<hbm>> -> memref<16384xf32, #tpu.memory_space<hbm>>
    %dma_start3A_170 = tpu.memref_slice %arg6[%mul3A_168] : memref<1048576xf32, #tpu.memory_space<hbm>> -> memref<16384xf32, #tpu.memory_space<hbm>>
    tpu.enqueue_dma source(%arg10 : memref<16384xf32, #tpu.memory_space<vmem>>) target(%dma_start3A_170 : memref<16384xf32, #tpu.memory_space<hbm>>) target_semaphore(%arg13 : memref<!tpu.dma_semaphore, #tpu.memory_space<semaphore_mem>>)
    %add3A_171 = arith.constant 32 : i32
    %add3A_172 = arith.addi %add3A_171, %add3A : i32
    %mul3A_173 = arith.constant 8 : i32
    %mul3A_174 = arith.muli %add3A_172, %mul3A_173 : i32
    %mul3A_175 = arith.constant 2048 : i32
    %mul3A_176 = arith.muli %mul3A_174, %mul3A_175 : i32
    %dma_start3A_177 = tpu.memref_slice %arg6[%mul3A_176] : memref<1048576xf32, #tpu.memory_space<hbm>> -> memref<16384xf32, #tpu.memory_space<hbm>>
    %dma_start3A_178 = tpu.memref_slice %arg6[%mul3A_176] : memref<1048576xf32, #tpu.memory_space<hbm>> -> memref<16384xf32, #tpu.memory_space<hbm>>
    tpu.enqueue_dma source(%arg11 : memref<16384xf32, #tpu.memory_space<vmem>>) target(%dma_start3A_178 : memref<16384xf32, #tpu.memory_space<hbm>>) target_semaphore(%arg13 : memref<!tpu.dma_semaphore, #tpu.memory_space<semaphore_mem>>)
    %dma_wait3A_179 = tpu.memref_slice %arg6[%mul3A_168] : memref<1048576xf32, #tpu.memory_space<hbm>> -> memref<16384xf32, #tpu.memory_space<hbm>>
    %dma_wait3A_180 = tpu.memref_slice %arg6[%mul3A_168] : memref<1048576xf32, #tpu.memory_space<hbm>> -> memref<16384xf32, #tpu.memory_space<hbm>>
    tpu.wait_dma2 semaphore(%arg13 : memref<!tpu.dma_semaphore, #tpu.memory_space<semaphore_mem>>) src(%arg10 : memref<16384xf32, #tpu.memory_space<vmem>>) dst(%dma_wait3A_180 : memref<16384xf32, #tpu.memory_space<hbm>>)
    %dma_wait3A_181 = tpu.memref_slice %arg6[%mul3A_176] : memref<1048576xf32, #tpu.memory_space<hbm>> -> memref<16384xf32, #tpu.memory_space<hbm>>
    %dma_wait3A_182 = tpu.memref_slice %arg6[%mul3A_176] : memref<1048576xf32, #tpu.memory_space<hbm>> -> memref<16384xf32, #tpu.memory_space<hbm>>
    tpu.wait_dma2 semaphore(%arg13 : memref<!tpu.dma_semaphore, #tpu.memory_space<semaphore_mem>>) src(%arg11 : memref<16384xf32, #tpu.memory_space<vmem>>) dst(%dma_wait3A_182 : memref<16384xf32, #tpu.memory_space<hbm>>)
    return
  }
}

#map = affine_map<(d0, d1) -> (0)>
module attributes {stable_mosaic.version = 14 : i64} {
  func.func @_scatter_body(%arg0: i32, %arg1: i32, %arg2: memref<524288xf32, #tpu.memory_space<hbm>>, %arg3: memref<131072xi32, #tpu.memory_space<hbm>>, %arg4: memref<12288xf32, #tpu.memory_space<hbm>>, %arg5: memref<24576xf32, #tpu.memory_space<hbm>>, %arg6: memref<16384xf32, #tpu.memory_space<vmem>>, %arg7: memref<6144xf32, #tpu.memory_space<vmem>>, %arg8: memref<2048xi32, #tpu.memory_space<vmem>>, %arg9: memref<2048xi32, #tpu.memory_space<vmem>>, %arg10: memref<2048xi32, #tpu.memory_space<vmem>>, %arg11: memref<2048xi32, #tpu.memory_space<vmem>>, %arg12: memref<12288xf32, #tpu.memory_space<vmem_shared>>, %arg13: memref<!tpu.dma_semaphore, #tpu.memory_space<semaphore_mem>>) attributes {dimension_semantics = [#tpu.dimension_semantics<core_parallel>, #tpu.dimension_semantics<subcore_parallel>], iteration_bounds = array<i64: 2, 16>, scalar_prefetch = 0 : i64, scratch_operands = 8 : i64, tpu.core_type = #tpu.core_type<sc_vector_subcore>, window_params = [{transform_indices = #map}, {transform_indices = #map}, {transform_indices = #map}, {transform_indices = #map}]} {
    %mul3A = arith.constant 2 : i32
    %mul3A_0 = arith.muli %arg1, %mul3A : i32
    %add3A = arith.addi %mul3A_0, %arg0 : i32
    %mul3A_1 = arith.constant 8 : i32
    %mul3A_2 = arith.muli %add3A, %mul3A_1 : i32
    %mul3A_3 = arith.constant 2048 : i32
    %mul3A_4 = arith.muli %mul3A_2, %mul3A_3 : i32
    "tpu.region"() ({
      %run_scoped3A = tpu.sem_alloc : memref<!tpu.dma_semaphore, #tpu.memory_space<semaphore_mem>>
      %dma_start3A_42 = tpu.memref_slice %arg2[%mul3A_4] : memref<524288xf32, #tpu.memory_space<hbm>> -> memref<16384xf32, #tpu.memory_space<hbm>>
      %dma_start3A_43 = tpu.memref_slice %arg2[%mul3A_4] : memref<524288xf32, #tpu.memory_space<hbm>> -> memref<16384xf32, #tpu.memory_space<hbm>>
      tpu.enqueue_dma source(%dma_start3A_43 : memref<16384xf32, #tpu.memory_space<hbm>>) target(%arg6 : memref<16384xf32, #tpu.memory_space<vmem>>) target_semaphore(%run_scoped3A : memref<!tpu.dma_semaphore, #tpu.memory_space<semaphore_mem>>)
      %dma_wait3A_44 = tpu.memref_slice %arg2[%mul3A_4] : memref<524288xf32, #tpu.memory_space<hbm>> -> memref<16384xf32, #tpu.memory_space<hbm>>
      %dma_wait3A_45 = tpu.memref_slice %arg2[%mul3A_4] : memref<524288xf32, #tpu.memory_space<hbm>> -> memref<16384xf32, #tpu.memory_space<hbm>>
      tpu.wait_dma2 semaphore(%run_scoped3A : memref<!tpu.dma_semaphore, #tpu.memory_space<semaphore_mem>>) src(%dma_wait3A_45 : memref<16384xf32, #tpu.memory_space<hbm>>) dst(%arg6 : memref<16384xf32, #tpu.memory_space<vmem>>)
      tpu.yield
    }) : () -> ()
    %mul3A_5 = arith.constant 2048 : i32
    %mul3A_6 = arith.muli %add3A, %mul3A_5 : i32
    %add3A_7 = arith.constant 65536 : i32
    %add3A_8 = arith.addi %add3A_7, %mul3A_6 : i32
    "tpu.region"() ({
      %run_scoped3A = tpu.sem_alloc : memref<!tpu.dma_semaphore, #tpu.memory_space<semaphore_mem>>
      %dma_start3A_42 = tpu.memref_slice %arg3[%add3A_8] : memref<131072xi32, #tpu.memory_space<hbm>> -> memref<2048xi32, #tpu.memory_space<hbm>>
      %dma_start3A_43 = tpu.memref_slice %arg3[%add3A_8] : memref<131072xi32, #tpu.memory_space<hbm>> -> memref<2048xi32, #tpu.memory_space<hbm>>
      tpu.enqueue_dma source(%dma_start3A_43 : memref<2048xi32, #tpu.memory_space<hbm>>) target(%arg8 : memref<2048xi32, #tpu.memory_space<vmem>>) target_semaphore(%run_scoped3A : memref<!tpu.dma_semaphore, #tpu.memory_space<semaphore_mem>>)
      %dma_wait3A_44 = tpu.memref_slice %arg3[%add3A_8] : memref<131072xi32, #tpu.memory_space<hbm>> -> memref<2048xi32, #tpu.memory_space<hbm>>
      %dma_wait3A_45 = tpu.memref_slice %arg3[%add3A_8] : memref<131072xi32, #tpu.memory_space<hbm>> -> memref<2048xi32, #tpu.memory_space<hbm>>
      tpu.wait_dma2 semaphore(%run_scoped3A : memref<!tpu.dma_semaphore, #tpu.memory_space<semaphore_mem>>) src(%dma_wait3A_45 : memref<2048xi32, #tpu.memory_space<hbm>>) dst(%arg8 : memref<2048xi32, #tpu.memory_space<vmem>>)
      tpu.yield
    }) : () -> ()
    %scan3A = arith.constant 0 : i32
    %scan3A_9 = arith.constant 128 : i32
    %scan3A_10 = arith.addi %scan3A, %scan3A_9 : i32
    %scan3A_11 = arith.constant 1 : i32
    scf.for %scan3A_42 = %scan3A to %scan3A_10 step %scan3A_11  : i32 {
      %mul3A_43 = arith.constant 1 : i32
      %mul3A_44 = arith.muli %scan3A_42, %mul3A_43 : i32
      %add3A_45 = arith.constant 0 : i32
      %add3A_46 = arith.addi %add3A_45, %mul3A_44 : i32
      %jit3A = arith.constant 8 : i32
      %div3A = arith.divsi %add3A_46, %jit3A : i32
      %sign3A = arith.constant 0 : i32
      %sign3A_47 = arith.cmpi sgt, %add3A_46, %sign3A : i32
      %sign3A_48 = arith.extui %sign3A_47 : i1 to i32
      %sign3A_49 = arith.constant 0 : i32
      %sign3A_50 = arith.cmpi slt, %add3A_46, %sign3A_49 : i32
      %sign3A_51 = arith.extui %sign3A_50 : i1 to i32
      %sign3A_52 = arith.subi %sign3A_48, %sign3A_51 : i32
      %sign3A_53 = arith.constant 0 : i32
      %sign3A_54 = arith.cmpi sgt, %jit3A, %sign3A_53 : i32
      %sign3A_55 = arith.extui %sign3A_54 : i1 to i32
      %sign3A_56 = arith.constant 0 : i32
      %sign3A_57 = arith.cmpi slt, %jit3A, %sign3A_56 : i32
      %sign3A_58 = arith.extui %sign3A_57 : i1 to i32
      %sign3A_59 = arith.subi %sign3A_55, %sign3A_58 : i32
      %ne3A = arith.cmpi ne, %sign3A_52, %sign3A_59 : i32
      %rem3A = arith.remsi %add3A_46, %jit3A : i32
      %ne3A_60 = arith.constant 0 : i32
      %ne3A_61 = arith.cmpi ne, %rem3A, %ne3A_60 : i32
      %and3A = arith.andi %ne3A, %ne3A_61 : i1
      %sub3A = arith.constant 1 : i32
      %sub3A_62 = arith.subi %div3A, %sub3A : i32
      %select_n3A = arith.select %and3A, %sub3A_62, %div3A : i32
      %mul3A_63 = arith.constant 1024 : i32
      %mul3A_64 = arith.muli %select_n3A, %mul3A_63 : i32
      %jit3A_65 = arith.constant 8 : i32
      %eq3A_66 = arith.constant 0 : i32
      %eq3A_67 = arith.cmpi eq, %jit3A_65, %eq3A_66 : i32
      %jit3A_68 = arith.constant 1 : i32
      %select_n3A_69 = arith.select %eq3A_67, %jit3A_68, %jit3A_65 : i32
      %rem3A_70 = arith.remsi %add3A_46, %select_n3A_69 : i32
      %ne3A_71 = arith.constant 0 : i32
      %ne3A_72 = arith.cmpi ne, %rem3A_70, %ne3A_71 : i32
      %lt3A_73 = arith.constant 0 : i32
      %lt3A_74 = arith.cmpi slt, %rem3A_70, %lt3A_73 : i32
      %lt3A_75 = arith.constant 0 : i32
      %lt3A_76 = arith.cmpi slt, %select_n3A_69, %lt3A_75 : i32
      %ne3A_77 = arith.xori %lt3A_74, %lt3A_76 : i1
      %and3A_78 = arith.andi %ne3A_77, %ne3A_72 : i1
      %add3A_79 = arith.addi %rem3A_70, %select_n3A_69 : i32
      %select_n3A_80 = arith.select %and3A_78, %add3A_79, %rem3A_70 : i32
      %mul3A_81 = arith.constant 16 : i32
      %mul3A_82 = arith.muli %select_n3A_80, %mul3A_81 : i32
      %add3A_83 = arith.addi %mul3A_64, %mul3A_82 : i32
      %add3A_84 = arith.constant 0 : i32
      %add3A_85 = arith.addi %add3A_83, %add3A_84 : i32
      %get3A = arith.index_cast %add3A_85 : i32 to index
      %get3A_86 = tpu.vector_load %arg6[%get3A] {strides = array<i32>} : memref<16384xf32, #tpu.memory_space<vmem>>, vector<16xf32>,
      %mul3A_87 = arith.constant 16 : i32
      %mul3A_88 = arith.muli %add3A_46, %mul3A_87 : i32
      %add3A_89 = arith.constant 0 : i32
      %add3A_90 = arith.addi %add3A_89, %mul3A_88 : i32
      %swap3A = arith.index_cast %add3A_90 : i32 to index
      %swap3A_91 = tpu.vector_load %arg7[%swap3A] {strides = array<i32>} : memref<6144xf32, #tpu.memory_space<vmem>>, vector<16xf32>,
      tpu.vector_store %arg7[%swap3A], %get3A_86 {strides = array<i32>} : memref<6144xf32, #tpu.memory_space<vmem>>, vector<16xf32>,
      %mul3A_92 = arith.constant 16 : i32
      %mul3A_93 = arith.muli %add3A_46, %mul3A_92 : i32
      %get3A_94 = arith.index_cast %mul3A_93 : i32 to index
      %get3A_95 = tpu.vector_load %arg8[%get3A_94] {strides = array<i32>} : memref<2048xi32, #tpu.memory_space<vmem>>, vector<16xi32>,
      %mul3A_96 = arith.constant 3 : i32
      %mul3A_97 = vector.broadcast %mul3A_96 : i32 to vector<16xi32>
      %mul3A_98 = arith.muli %get3A_95, %mul3A_97 : vector<16xi32>
      %add3A_99 = arith.constant 0 : i32
      %add3A_100 = vector.broadcast %add3A_99 : i32 to vector<16xi32>
      %add3A_101 = arith.addi %mul3A_98, %add3A_100 : vector<16xi32>
      %mul3A_102 = arith.constant 16 : i32
      %mul3A_103 = arith.muli %add3A_46, %mul3A_102 : i32
      %swap3A_104 = arith.index_cast %mul3A_103 : i32 to index
      %swap3A_105 = tpu.vector_load %arg9[%swap3A_104] {strides = array<i32>} : memref<2048xi32, #tpu.memory_space<vmem>>, vector<16xi32>,
      tpu.vector_store %arg9[%swap3A_104], %add3A_101 {strides = array<i32>} : memref<2048xi32, #tpu.memory_space<vmem>>, vector<16xi32>,
      %add3A_106 = arith.constant 128 : i32
      %add3A_107 = arith.addi %add3A_83, %add3A_106 : i32
      %get3A_108 = arith.index_cast %add3A_107 : i32 to index
      %get3A_109 = tpu.vector_load %arg6[%get3A_108] {strides = array<i32>} : memref<16384xf32, #tpu.memory_space<vmem>>, vector<16xf32>,
      %mul3A_110 = arith.constant 16 : i32
      %mul3A_111 = arith.muli %add3A_46, %mul3A_110 : i32
      %add3A_112 = arith.constant 2048 : i32
      %add3A_113 = arith.addi %add3A_112, %mul3A_111 : i32
      %swap3A_114 = arith.index_cast %add3A_113 : i32 to index
      %swap3A_115 = tpu.vector_load %arg7[%swap3A_114] {strides = array<i32>} : memref<6144xf32, #tpu.memory_space<vmem>>, vector<16xf32>,
      tpu.vector_store %arg7[%swap3A_114], %get3A_109 {strides = array<i32>} : memref<6144xf32, #tpu.memory_space<vmem>>, vector<16xf32>,
      %mul3A_116 = arith.constant 16 : i32
      %mul3A_117 = arith.muli %add3A_46, %mul3A_116 : i32
      %get3A_118 = arith.index_cast %mul3A_117 : i32 to index
      %get3A_119 = tpu.vector_load %arg8[%get3A_118] {strides = array<i32>} : memref<2048xi32, #tpu.memory_space<vmem>>, vector<16xi32>,
      %mul3A_120 = arith.constant 3 : i32
      %mul3A_121 = vector.broadcast %mul3A_120 : i32 to vector<16xi32>
      %mul3A_122 = arith.muli %get3A_119, %mul3A_121 : vector<16xi32>
      %add3A_123 = arith.constant 1 : i32
      %add3A_124 = vector.broadcast %add3A_123 : i32 to vector<16xi32>
      %add3A_125 = arith.addi %mul3A_122, %add3A_124 : vector<16xi32>
      %mul3A_126 = arith.constant 16 : i32
      %mul3A_127 = arith.muli %add3A_46, %mul3A_126 : i32
      %swap3A_128 = arith.index_cast %mul3A_127 : i32 to index
      %swap3A_129 = tpu.vector_load %arg10[%swap3A_128] {strides = array<i32>} : memref<2048xi32, #tpu.memory_space<vmem>>, vector<16xi32>,
      tpu.vector_store %arg10[%swap3A_128], %add3A_125 {strides = array<i32>} : memref<2048xi32, #tpu.memory_space<vmem>>, vector<16xi32>,
      %add3A_130 = arith.constant 256 : i32
      %add3A_131 = arith.addi %add3A_83, %add3A_130 : i32
      %get3A_132 = arith.index_cast %add3A_131 : i32 to index
      %get3A_133 = tpu.vector_load %arg6[%get3A_132] {strides = array<i32>} : memref<16384xf32, #tpu.memory_space<vmem>>, vector<16xf32>,
      %mul3A_134 = arith.constant 16 : i32
      %mul3A_135 = arith.muli %add3A_46, %mul3A_134 : i32
      %add3A_136 = arith.constant 4096 : i32
      %add3A_137 = arith.addi %add3A_136, %mul3A_135 : i32
      %swap3A_138 = arith.index_cast %add3A_137 : i32 to index
      %swap3A_139 = tpu.vector_load %arg7[%swap3A_138] {strides = array<i32>} : memref<6144xf32, #tpu.memory_space<vmem>>, vector<16xf32>,
      tpu.vector_store %arg7[%swap3A_138], %get3A_133 {strides = array<i32>} : memref<6144xf32, #tpu.memory_space<vmem>>, vector<16xf32>,
      %mul3A_140 = arith.constant 16 : i32
      %mul3A_141 = arith.muli %add3A_46, %mul3A_140 : i32
      %get3A_142 = arith.index_cast %mul3A_141 : i32 to index
      %get3A_143 = tpu.vector_load %arg8[%get3A_142] {strides = array<i32>} : memref<2048xi32, #tpu.memory_space<vmem>>, vector<16xi32>,
      %mul3A_144 = arith.constant 3 : i32
      %mul3A_145 = vector.broadcast %mul3A_144 : i32 to vector<16xi32>
      %mul3A_146 = arith.muli %get3A_143, %mul3A_145 : vector<16xi32>
      %add3A_147 = arith.constant 2 : i32
      %add3A_148 = vector.broadcast %add3A_147 : i32 to vector<16xi32>
      %add3A_149 = arith.addi %mul3A_146, %add3A_148 : vector<16xi32>
      %mul3A_150 = arith.constant 16 : i32
      %mul3A_151 = arith.muli %add3A_46, %mul3A_150 : i32
      %swap3A_152 = arith.index_cast %mul3A_151 : i32 to index
      %swap3A_153 = tpu.vector_load %arg11[%swap3A_152] {strides = array<i32>} : memref<2048xi32, #tpu.memory_space<vmem>>, vector<16xi32>,
      tpu.vector_store %arg11[%swap3A_152], %add3A_149 {strides = array<i32>} : memref<2048xi32, #tpu.memory_space<vmem>>, vector<16xi32>,
    }
    %scan3A_12 = arith.constant 128 : i32
    %eq3A = arith.constant 0 : i32
    %eq3A_13 = arith.cmpi eq, %arg1, %eq3A : i32
    %convert_element_type3A = arith.extui %eq3A_13 : i1 to i32
    %cond3A = arith.constant 0 : i32
    %cond3A_14 = arith.cmpi ne, %convert_element_type3A, %cond3A : i32
    scf.if %cond3A_14 {
      "tpu.region"() ({
        %run_scoped3A = tpu.sem_alloc : memref<!tpu.dma_semaphore, #tpu.memory_space<semaphore_mem>>
        tpu.enqueue_dma source(%arg4 : memref<12288xf32, #tpu.memory_space<hbm>>) target(%arg12 : memref<12288xf32, #tpu.memory_space<vmem_shared>>) target_semaphore(%run_scoped3A : memref<!tpu.dma_semaphore, #tpu.memory_space<semaphore_mem>>)
        tpu.wait_dma2 semaphore(%run_scoped3A : memref<!tpu.dma_semaphore, #tpu.memory_space<semaphore_mem>>) src(%arg4 : memref<12288xf32, #tpu.memory_space<hbm>>) dst(%arg12 : memref<12288xf32, #tpu.memory_space<vmem_shared>>)
        tpu.yield
      }) : () -> ()
    } else {
    }
    %barrier3A = arith.constant 0 : index
    tpu.barrier barrier_id(%barrier3A)
    %dma_start3A = arith.constant 0 : i32
    %dma_start3A_15 = tpu.memref_slice %arg7[%dma_start3A] : memref<6144xf32, #tpu.memory_space<vmem>> -> memref<2048xf32, #tpu.memory_space<vmem>>
    %dma_start3A_16 = arith.constant 0 : i32
    %dma_start3A_17 = tpu.memref_slice %arg12[%dma_start3A_16] : memref<12288xf32, #tpu.memory_space<vmem_shared>> -> memref<12288xf32, #tpu.memory_space<vmem_shared>>
    tpu.enqueue_indirect_dma source(%dma_start3A_15 : memref<2048xf32, #tpu.memory_space<vmem>>) target(%dma_start3A_17 : memref<12288xf32, #tpu.memory_space<vmem_shared>>) offsets(%arg9 : memref<2048xi32, #tpu.memory_space<vmem>>) semaphore(%arg13 : memref<!tpu.dma_semaphore, #tpu.memory_space<semaphore_mem>>) {add = true}
    %dma_start3A_18 = arith.constant 2048 : i32
    %dma_start3A_19 = tpu.memref_slice %arg7[%dma_start3A_18] : memref<6144xf32, #tpu.memory_space<vmem>> -> memref<2048xf32, #tpu.memory_space<vmem>>
    %dma_start3A_20 = arith.constant 0 : i32
    %dma_start3A_21 = tpu.memref_slice %arg12[%dma_start3A_20] : memref<12288xf32, #tpu.memory_space<vmem_shared>> -> memref<12288xf32, #tpu.memory_space<vmem_shared>>
    tpu.enqueue_indirect_dma source(%dma_start3A_19 : memref<2048xf32, #tpu.memory_space<vmem>>) target(%dma_start3A_21 : memref<12288xf32, #tpu.memory_space<vmem_shared>>) offsets(%arg10 : memref<2048xi32, #tpu.memory_space<vmem>>) semaphore(%arg13 : memref<!tpu.dma_semaphore, #tpu.memory_space<semaphore_mem>>) {add = true}
    %dma_start3A_22 = arith.constant 4096 : i32
    %dma_start3A_23 = tpu.memref_slice %arg7[%dma_start3A_22] : memref<6144xf32, #tpu.memory_space<vmem>> -> memref<2048xf32, #tpu.memory_space<vmem>>
    %dma_start3A_24 = arith.constant 0 : i32
    %dma_start3A_25 = tpu.memref_slice %arg12[%dma_start3A_24] : memref<12288xf32, #tpu.memory_space<vmem_shared>> -> memref<12288xf32, #tpu.memory_space<vmem_shared>>
    tpu.enqueue_indirect_dma source(%dma_start3A_23 : memref<2048xf32, #tpu.memory_space<vmem>>) target(%dma_start3A_25 : memref<12288xf32, #tpu.memory_space<vmem_shared>>) offsets(%arg11 : memref<2048xi32, #tpu.memory_space<vmem>>) semaphore(%arg13 : memref<!tpu.dma_semaphore, #tpu.memory_space<semaphore_mem>>) {add = true}
    %dma_wait3A = arith.constant 0 : i32
    %dma_wait3A_26 = tpu.memref_slice %arg7[%dma_wait3A] : memref<6144xf32, #tpu.memory_space<vmem>> -> memref<2048xf32, #tpu.memory_space<vmem>>
    %dma_wait3A_27 = arith.constant 0 : i32
    %dma_wait3A_28 = tpu.memref_slice %arg12[%dma_wait3A_27] : memref<12288xf32, #tpu.memory_space<vmem_shared>> -> memref<12288xf32, #tpu.memory_space<vmem_shared>>
    tpu.wait_indirect_dma semaphore(%arg13 : memref<!tpu.dma_semaphore, #tpu.memory_space<semaphore_mem>>) src(%dma_wait3A_26 : memref<2048xf32, #tpu.memory_space<vmem>>) dst(%dma_wait3A_28 : memref<12288xf32, #tpu.memory_space<vmem_shared>>)
    %dma_wait3A_29 = arith.constant 2048 : i32
    %dma_wait3A_30 = tpu.memref_slice %arg7[%dma_wait3A_29] : memref<6144xf32, #tpu.memory_space<vmem>> -> memref<2048xf32, #tpu.memory_space<vmem>>
    %dma_wait3A_31 = arith.constant 0 : i32
    %dma_wait3A_32 = tpu.memref_slice %arg12[%dma_wait3A_31] : memref<12288xf32, #tpu.memory_space<vmem_shared>> -> memref<12288xf32, #tpu.memory_space<vmem_shared>>
    tpu.wait_indirect_dma semaphore(%arg13 : memref<!tpu.dma_semaphore, #tpu.memory_space<semaphore_mem>>) src(%dma_wait3A_30 : memref<2048xf32, #tpu.memory_space<vmem>>) dst(%dma_wait3A_32 : memref<12288xf32, #tpu.memory_space<vmem_shared>>)
    %dma_wait3A_33 = arith.constant 4096 : i32
    %dma_wait3A_34 = tpu.memref_slice %arg7[%dma_wait3A_33] : memref<6144xf32, #tpu.memory_space<vmem>> -> memref<2048xf32, #tpu.memory_space<vmem>>
    %dma_wait3A_35 = arith.constant 0 : i32
    %dma_wait3A_36 = tpu.memref_slice %arg12[%dma_wait3A_35] : memref<12288xf32, #tpu.memory_space<vmem_shared>> -> memref<12288xf32, #tpu.memory_space<vmem_shared>>
    tpu.wait_indirect_dma semaphore(%arg13 : memref<!tpu.dma_semaphore, #tpu.memory_space<semaphore_mem>>) src(%dma_wait3A_34 : memref<2048xf32, #tpu.memory_space<vmem>>) dst(%dma_wait3A_36 : memref<12288xf32, #tpu.memory_space<vmem_shared>>)
    %barrier3A_37 = arith.constant 0 : index
    tpu.barrier barrier_id(%barrier3A_37)
    %lt3A = arith.constant 12 : i32
    %lt3A_38 = arith.cmpi slt, %arg1, %lt3A : i32
    %convert_element_type3A_39 = arith.extui %lt3A_38 : i1 to i32
    %cond3A_40 = arith.constant 0 : i32
    %cond3A_41 = arith.cmpi ne, %convert_element_type3A_39, %cond3A_40 : i32
    scf.if %cond3A_41 {
      %mul3A_42 = arith.constant 1024 : i32
      %mul3A_43 = arith.muli %arg1, %mul3A_42 : i32
      %mul3A_44 = arith.constant 12288 : i32
      %mul3A_45 = arith.muli %arg0, %mul3A_44 : i32
      %mul3A_46 = arith.constant 1024 : i32
      %mul3A_47 = arith.muli %arg1, %mul3A_46 : i32
      %add3A_48 = arith.addi %mul3A_45, %mul3A_47 : i32
      "tpu.region"() ({
        %run_scoped3A = tpu.sem_alloc : memref<!tpu.dma_semaphore, #tpu.memory_space<semaphore_mem>>
        %dma_start3A_49 = tpu.memref_slice %arg5[%add3A_48] : memref<24576xf32, #tpu.memory_space<hbm>> -> memref<1024xf32, #tpu.memory_space<hbm>>
        %dma_start3A_50 = tpu.memref_slice %arg12[%mul3A_43] : memref<12288xf32, #tpu.memory_space<vmem_shared>> -> memref<1024xf32, #tpu.memory_space<vmem_shared>>
        tpu.enqueue_dma source(%dma_start3A_50 : memref<1024xf32, #tpu.memory_space<vmem_shared>>) target(%dma_start3A_49 : memref<1024xf32, #tpu.memory_space<hbm>>) target_semaphore(%run_scoped3A : memref<!tpu.dma_semaphore, #tpu.memory_space<semaphore_mem>>)
        %dma_wait3A_51 = tpu.memref_slice %arg5[%add3A_48] : memref<24576xf32, #tpu.memory_space<hbm>> -> memref<1024xf32, #tpu.memory_space<hbm>>
        %dma_wait3A_52 = tpu.memref_slice %arg12[%mul3A_43] : memref<12288xf32, #tpu.memory_space<vmem_shared>> -> memref<1024xf32, #tpu.memory_space<vmem_shared>>
        tpu.wait_dma2 semaphore(%run_scoped3A : memref<!tpu.dma_semaphore, #tpu.memory_space<semaphore_mem>>) src(%dma_wait3A_52 : memref<1024xf32, #tpu.memory_space<vmem_shared>>) dst(%dma_wait3A_51 : memref<1024xf32, #tpu.memory_space<hbm>>)
        tpu.yield
      }) : () -> ()
    } else {
    }
    return
  }
}

#map = affine_map<(d0, d1) -> (0)>
module attributes {stable_mosaic.version = 14 : i64} {
  func.func @_gather_body(%arg0: i32, %arg1: i32, %arg2: memref<50331648xf32, #tpu.memory_space<hbm>>, %arg3: memref<12288xf32, #tpu.memory_space<hbm>>, %arg4: memref<131072xi32, #tpu.memory_space<hbm>>, %arg5: memref<131072xi32, #tpu.memory_space<hbm>>, %arg6: memref<1048576xf32, #tpu.memory_space<hbm>>, %arg7: memref<4096xi32, #tpu.memory_space<vmem>>, %arg8: memref<6144xi32, #tpu.memory_space<vmem>>, %arg9: memref<6144xf32, #tpu.memory_space<vmem>>, %arg10: memref<16384xf32, #tpu.memory_space<vmem>>, %arg11: memref<16384xf32, #tpu.memory_space<vmem>>, %arg12: memref<12288xf32, #tpu.memory_space<vmem>>, %arg13: memref<!tpu.dma_semaphore, #tpu.memory_space<semaphore_mem>>) attributes {dimension_semantics = [#tpu.dimension_semantics<core_parallel>, #tpu.dimension_semantics<subcore_parallel>], iteration_bounds = array<i64: 2, 16>, scalar_prefetch = 0 : i64, scratch_operands = 7 : i64, tpu.core_type = #tpu.core_type<sc_vector_subcore>, window_params = [{transform_indices = #map}, {transform_indices = #map}, {transform_indices = #map}, {transform_indices = #map}, {transform_indices = #map}]} {
    %mul3A = arith.constant 2 : i32
    %mul3A_0 = arith.muli %arg1, %mul3A : i32
    %add3A = arith.addi %mul3A_0, %arg0 : i32
    %mul3A_1 = arith.constant 2048 : i32
    %mul3A_2 = arith.muli %add3A, %mul3A_1 : i32
    %add3A_3 = arith.constant 0 : i32
    %add3A_4 = arith.addi %add3A_3, %mul3A_2 : i32
    "tpu.region"() ({
      %run_scoped3A = tpu.sem_alloc : memref<!tpu.dma_semaphore, #tpu.memory_space<semaphore_mem>>
      %dma_start3A_183 = arith.constant 0 : i32
      %dma_start3A_184 = tpu.memref_slice %arg7[%dma_start3A_183] : memref<4096xi32, #tpu.memory_space<vmem>> -> memref<2048xi32, #tpu.memory_space<vmem>>
      %dma_start3A_185 = tpu.memref_slice %arg4[%add3A_4] : memref<131072xi32, #tpu.memory_space<hbm>> -> memref<2048xi32, #tpu.memory_space<hbm>>
      %dma_start3A_186 = arith.constant 0 : i32
      %dma_start3A_187 = tpu.memref_slice %arg7[%dma_start3A_186] : memref<4096xi32, #tpu.memory_space<vmem>> -> memref<2048xi32, #tpu.memory_space<vmem>>
      %dma_start3A_188 = tpu.memref_slice %arg4[%add3A_4] : memref<131072xi32, #tpu.memory_space<hbm>> -> memref<2048xi32, #tpu.memory_space<hbm>>
      tpu.enqueue_dma source(%dma_start3A_188 : memref<2048xi32, #tpu.memory_space<hbm>>) target(%dma_start3A_187 : memref<2048xi32, #tpu.memory_space<vmem>>) target_semaphore(%run_scoped3A : memref<!tpu.dma_semaphore, #tpu.memory_space<semaphore_mem>>)
      %dma_wait3A_189 = arith.constant 0 : i32
      %dma_wait3A_190 = tpu.memref_slice %arg7[%dma_wait3A_189] : memref<4096xi32, #tpu.memory_space<vmem>> -> memref<2048xi32, #tpu.memory_space<vmem>>
      %dma_wait3A_191 = tpu.memref_slice %arg4[%add3A_4] : memref<131072xi32, #tpu.memory_space<hbm>> -> memref<2048xi32, #tpu.memory_space<hbm>>
      %dma_wait3A_192 = arith.constant 0 : i32
      %dma_wait3A_193 = tpu.memref_slice %arg7[%dma_wait3A_192] : memref<4096xi32, #tpu.memory_space<vmem>> -> memref<2048xi32, #tpu.memory_space<vmem>>
      %dma_wait3A_194 = tpu.memref_slice %arg4[%add3A_4] : memref<131072xi32, #tpu.memory_space<hbm>> -> memref<2048xi32, #tpu.memory_space<hbm>>
      tpu.wait_dma2 semaphore(%run_scoped3A : memref<!tpu.dma_semaphore, #tpu.memory_space<semaphore_mem>>) src(%dma_wait3A_194 : memref<2048xi32, #tpu.memory_space<hbm>>) dst(%dma_wait3A_193 : memref<2048xi32, #tpu.memory_space<vmem>>)
      tpu.yield
    }) : () -> ()
    %mul3A_5 = arith.constant 2048 : i32
    %mul3A_6 = arith.muli %add3A, %mul3A_5 : i32
    %add3A_7 = arith.constant 0 : i32
    %add3A_8 = arith.addi %add3A_7, %mul3A_6 : i32
    "tpu.region"() ({
      %run_scoped3A = tpu.sem_alloc : memref<!tpu.dma_semaphore, #tpu.memory_space<semaphore_mem>>
      %dma_start3A_183 = arith.constant 2048 : i32
      %dma_start3A_184 = tpu.memref_slice %arg7[%dma_start3A_183] : memref<4096xi32, #tpu.memory_space<vmem>> -> memref<2048xi32, #tpu.memory_space<vmem>>
      %dma_start3A_185 = tpu.memref_slice %arg5[%add3A_8] : memref<131072xi32, #tpu.memory_space<hbm>> -> memref<2048xi32, #tpu.memory_space<hbm>>
      %dma_start3A_186 = arith.constant 2048 : i32
      %dma_start3A_187 = tpu.memref_slice %arg7[%dma_start3A_186] : memref<4096xi32, #tpu.memory_space<vmem>> -> memref<2048xi32, #tpu.memory_space<vmem>>
      %dma_start3A_188 = tpu.memref_slice %arg5[%add3A_8] : memref<131072xi32, #tpu.memory_space<hbm>> -> memref<2048xi32, #tpu.memory_space<hbm>>
      tpu.enqueue_dma source(%dma_start3A_188 : memref<2048xi32, #tpu.memory_space<hbm>>) target(%dma_start3A_187 : memref<2048xi32, #tpu.memory_space<vmem>>) target_semaphore(%run_scoped3A : memref<!tpu.dma_semaphore, #tpu.memory_space<semaphore_mem>>)
      %dma_wait3A_189 = arith.constant 2048 : i32
      %dma_wait3A_190 = tpu.memref_slice %arg7[%dma_wait3A_189] : memref<4096xi32, #tpu.memory_space<vmem>> -> memref<2048xi32, #tpu.memory_space<vmem>>
      %dma_wait3A_191 = tpu.memref_slice %arg5[%add3A_8] : memref<131072xi32, #tpu.memory_space<hbm>> -> memref<2048xi32, #tpu.memory_space<hbm>>
      %dma_wait3A_192 = arith.constant 2048 : i32
      %dma_wait3A_193 = tpu.memref_slice %arg7[%dma_wait3A_192] : memref<4096xi32, #tpu.memory_space<vmem>> -> memref<2048xi32, #tpu.memory_space<vmem>>
      %dma_wait3A_194 = tpu.memref_slice %arg5[%add3A_8] : memref<131072xi32, #tpu.memory_space<hbm>> -> memref<2048xi32, #tpu.memory_space<hbm>>
      tpu.wait_dma2 semaphore(%run_scoped3A : memref<!tpu.dma_semaphore, #tpu.memory_space<semaphore_mem>>) src(%dma_wait3A_194 : memref<2048xi32, #tpu.memory_space<hbm>>) dst(%dma_wait3A_193 : memref<2048xi32, #tpu.memory_space<vmem>>)
      tpu.yield
    }) : () -> ()
    "tpu.region"() ({
      %run_scoped3A = tpu.sem_alloc : memref<!tpu.dma_semaphore, #tpu.memory_space<semaphore_mem>>
      tpu.enqueue_dma source(%arg3 : memref<12288xf32, #tpu.memory_space<hbm>>) target(%arg12 : memref<12288xf32, #tpu.memory_space<vmem>>) target_semaphore(%run_scoped3A : memref<!tpu.dma_semaphore, #tpu.memory_space<semaphore_mem>>)
      tpu.wait_dma2 semaphore(%run_scoped3A : memref<!tpu.dma_semaphore, #tpu.memory_space<semaphore_mem>>) src(%arg3 : memref<12288xf32, #tpu.memory_space<hbm>>) dst(%arg12 : memref<12288xf32, #tpu.memory_space<vmem>>)
      tpu.yield
    }) : () -> ()
    %scan3A = arith.constant 0 : i32
    %scan3A_9 = arith.constant 128 : i32
    %scan3A_10 = arith.addi %scan3A, %scan3A_9 : i32
    %scan3A_11 = arith.constant 1 : i32
    scf.for %scan3A_183 = %scan3A to %scan3A_10 step %scan3A_11  : i32 {
      %mul3A_184 = arith.constant 1 : i32
      %mul3A_185 = arith.muli %scan3A_183, %mul3A_184 : i32
      %add3A_186 = arith.constant 0 : i32
      %add3A_187 = arith.addi %add3A_186, %mul3A_185 : i32
      %mul3A_188 = arith.constant 16 : i32
      %mul3A_189 = arith.muli %add3A_187, %mul3A_188 : i32
      %get3A = arith.index_cast %mul3A_189 : i32 to index
      %get3A_190 = tpu.vector_load %arg7[%get3A] {strides = array<i32>} : memref<4096xi32, #tpu.memory_space<vmem>>, vector<16xi32>,
      %mul3A_191 = arith.constant 16 : i32
      %mul3A_192 = arith.muli %add3A_187, %mul3A_191 : i32
      %add3A_193 = arith.constant 2048 : i32
      %add3A_194 = arith.addi %add3A_193, %mul3A_192 : i32
      %get3A_195 = arith.index_cast %add3A_194 : i32 to index
      %get3A_196 = tpu.vector_load %arg7[%get3A_195] {strides = array<i32>} : memref<4096xi32, #tpu.memory_space<vmem>>, vector<16xi32>,
      %shift_right_arithmetic3A = arith.constant 3 : i32
      %shift_right_arithmetic3A_197 = vector.broadcast %shift_right_arithmetic3A : i32 to vector<16xi32>
      %shift_right_arithmetic3A_198 = arith.shrsi %get3A_190, %shift_right_arithmetic3A_197 : vector<16xi32>
      %mul3A_199 = arith.constant 32768 : i32
      %mul3A_200 = vector.broadcast %mul3A_199 : i32 to vector<16xi32>
      %mul3A_201 = arith.muli %shift_right_arithmetic3A_198, %mul3A_200 : vector<16xi32>
      %shift_right_arithmetic3A_202 = arith.constant 7 : i32
      %shift_right_arithmetic3A_203 = vector.broadcast %shift_right_arithmetic3A_202 : i32 to vector<16xi32>
      %shift_right_arithmetic3A_204 = arith.shrsi %get3A_196, %shift_right_arithmetic3A_203 : vector<16xi32>
      %mul3A_205 = arith.constant 1024 : i32
      %mul3A_206 = vector.broadcast %mul3A_205 : i32 to vector<16xi32>
      %mul3A_207 = arith.muli %shift_right_arithmetic3A_204, %mul3A_206 : vector<16xi32>
      %add3A_208 = arith.addi %mul3A_201, %mul3A_207 : vector<16xi32>
      %and3A = arith.constant 7 : i32
      %and3A_209 = vector.broadcast %and3A : i32 to vector<16xi32>
      %and3A_210 = arith.andi %get3A_190, %and3A_209 : vector<16xi32>
      %mul3A_211 = arith.constant 128 : i32
      %mul3A_212 = vector.broadcast %mul3A_211 : i32 to vector<16xi32>
      %mul3A_213 = arith.muli %and3A_210, %mul3A_212 : vector<16xi32>
      %add3A_214 = arith.addi %add3A_208, %mul3A_213 : vector<16xi32>
      %and3A_215 = arith.constant 127 : i32
      %and3A_216 = vector.broadcast %and3A_215 : i32 to vector<16xi32>
      %and3A_217 = arith.andi %get3A_196, %and3A_216 : vector<16xi32>
      %add3A_218 = arith.addi %add3A_214, %and3A_217 : vector<16xi32>
      %mul3A_219 = arith.constant 16 : i32
      %mul3A_220 = arith.muli %add3A_187, %mul3A_219 : i32
      %swap3A = arith.index_cast %mul3A_220 : i32 to index
      %swap3A_221 = tpu.vector_load %arg8[%swap3A] {strides = array<i32>} : memref<6144xi32, #tpu.memory_space<vmem>>, vector<16xi32>,
      tpu.vector_store %arg8[%swap3A], %add3A_218 {strides = array<i32>} : memref<6144xi32, #tpu.memory_space<vmem>>, vector<16xi32>,
      %add3A_222 = arith.constant 16777216 : i32
      %add3A_223 = vector.broadcast %add3A_222 : i32 to vector<16xi32>
      %add3A_224 = arith.addi %add3A_218, %add3A_223 : vector<16xi32>
      %mul3A_225 = arith.constant 16 : i32
      %mul3A_226 = arith.muli %add3A_187, %mul3A_225 : i32
      %add3A_227 = arith.constant 2048 : i32
      %add3A_228 = arith.addi %add3A_227, %mul3A_226 : i32
      %swap3A_229 = arith.index_cast %add3A_228 : i32 to index
      %swap3A_230 = tpu.vector_load %arg8[%swap3A_229] {strides = array<i32>} : memref<6144xi32, #tpu.memory_space<vmem>>, vector<16xi32>,
      tpu.vector_store %arg8[%swap3A_229], %add3A_224 {strides = array<i32>} : memref<6144xi32, #tpu.memory_space<vmem>>, vector<16xi32>,
      %add3A_231 = arith.constant 33554432 : i32
      %add3A_232 = vector.broadcast %add3A_231 : i32 to vector<16xi32>
      %add3A_233 = arith.addi %add3A_218, %add3A_232 : vector<16xi32>
      %mul3A_234 = arith.constant 16 : i32
      %mul3A_235 = arith.muli %add3A_187, %mul3A_234 : i32
      %add3A_236 = arith.constant 4096 : i32
      %add3A_237 = arith.addi %add3A_236, %mul3A_235 : i32
      %swap3A_238 = arith.index_cast %add3A_237 : i32 to index
      %swap3A_239 = tpu.vector_load %arg8[%swap3A_238] {strides = array<i32>} : memref<6144xi32, #tpu.memory_space<vmem>>, vector<16xi32>,
      tpu.vector_store %arg8[%swap3A_238], %add3A_233 {strides = array<i32>} : memref<6144xi32, #tpu.memory_space<vmem>>, vector<16xi32>,
    }
    %scan3A_12 = arith.constant 128 : i32
    %dma_start3A = arith.constant 0 : i32
    %dma_start3A_13 = tpu.memref_slice %arg9[%dma_start3A] : memref<6144xf32, #tpu.memory_space<vmem>> -> memref<512xf32, #tpu.memory_space<vmem>>
    %dma_start3A_14 = arith.constant 0 : i32
    %dma_start3A_15 = tpu.memref_slice %arg8[%dma_start3A_14] : memref<6144xi32, #tpu.memory_space<vmem>> -> memref<512xi32, #tpu.memory_space<vmem>>
    %dma_start3A_16 = arith.constant 0 : i32
    %dma_start3A_17 = tpu.memref_slice %arg2[%dma_start3A_16] : memref<50331648xf32, #tpu.memory_space<hbm>> -> memref<50331648xf32, #tpu.memory_space<hbm>>
    tpu.enqueue_indirect_dma source(%dma_start3A_17 : memref<50331648xf32, #tpu.memory_space<hbm>>) target(%dma_start3A_13 : memref<512xf32, #tpu.memory_space<vmem>>) offsets(%dma_start3A_15 : memref<512xi32, #tpu.memory_space<vmem>>) semaphore(%arg13 : memref<!tpu.dma_semaphore, #tpu.memory_space<semaphore_mem>>)
    %dma_start3A_18 = arith.constant 512 : i32
    %dma_start3A_19 = tpu.memref_slice %arg9[%dma_start3A_18] : memref<6144xf32, #tpu.memory_space<vmem>> -> memref<512xf32, #tpu.memory_space<vmem>>
    %dma_start3A_20 = arith.constant 512 : i32
    %dma_start3A_21 = tpu.memref_slice %arg8[%dma_start3A_20] : memref<6144xi32, #tpu.memory_space<vmem>> -> memref<512xi32, #tpu.memory_space<vmem>>
    %dma_start3A_22 = arith.constant 0 : i32
    %dma_start3A_23 = tpu.memref_slice %arg2[%dma_start3A_22] : memref<50331648xf32, #tpu.memory_space<hbm>> -> memref<50331648xf32, #tpu.memory_space<hbm>>
    tpu.enqueue_indirect_dma source(%dma_start3A_23 : memref<50331648xf32, #tpu.memory_space<hbm>>) target(%dma_start3A_19 : memref<512xf32, #tpu.memory_space<vmem>>) offsets(%dma_start3A_21 : memref<512xi32, #tpu.memory_space<vmem>>) semaphore(%arg13 : memref<!tpu.dma_semaphore, #tpu.memory_space<semaphore_mem>>)
    %dma_start3A_24 = arith.constant 1024 : i32
    %dma_start3A_25 = tpu.memref_slice %arg9[%dma_start3A_24] : memref<6144xf32, #tpu.memory_space<vmem>> -> memref<512xf32, #tpu.memory_space<vmem>>
    %dma_start3A_26 = arith.constant 1024 : i32
    %dma_start3A_27 = tpu.memref_slice %arg8[%dma_start3A_26] : memref<6144xi32, #tpu.memory_space<vmem>> -> memref<512xi32, #tpu.memory_space<vmem>>
    %dma_start3A_28 = arith.constant 0 : i32
    %dma_start3A_29 = tpu.memref_slice %arg2[%dma_start3A_28] : memref<50331648xf32, #tpu.memory_space<hbm>> -> memref<50331648xf32, #tpu.memory_space<hbm>>
    tpu.enqueue_indirect_dma source(%dma_start3A_29 : memref<50331648xf32, #tpu.memory_space<hbm>>) target(%dma_start3A_25 : memref<512xf32, #tpu.memory_space<vmem>>) offsets(%dma_start3A_27 : memref<512xi32, #tpu.memory_space<vmem>>) semaphore(%arg13 : memref<!tpu.dma_semaphore, #tpu.memory_space<semaphore_mem>>)
    %dma_start3A_30 = arith.constant 1536 : i32
    %dma_start3A_31 = tpu.memref_slice %arg9[%dma_start3A_30] : memref<6144xf32, #tpu.memory_space<vmem>> -> memref<512xf32, #tpu.memory_space<vmem>>
    %dma_start3A_32 = arith.constant 1536 : i32
    %dma_start3A_33 = tpu.memref_slice %arg8[%dma_start3A_32] : memref<6144xi32, #tpu.memory_space<vmem>> -> memref<512xi32, #tpu.memory_space<vmem>>
    %dma_start3A_34 = arith.constant 0 : i32
    %dma_start3A_35 = tpu.memref_slice %arg2[%dma_start3A_34] : memref<50331648xf32, #tpu.memory_space<hbm>> -> memref<50331648xf32, #tpu.memory_space<hbm>>
    tpu.enqueue_indirect_dma source(%dma_start3A_35 : memref<50331648xf32, #tpu.memory_space<hbm>>) target(%dma_start3A_31 : memref<512xf32, #tpu.memory_space<vmem>>) offsets(%dma_start3A_33 : memref<512xi32, #tpu.memory_space<vmem>>) semaphore(%arg13 : memref<!tpu.dma_semaphore, #tpu.memory_space<semaphore_mem>>)
    %dma_start3A_36 = arith.constant 2048 : i32
    %dma_start3A_37 = tpu.memref_slice %arg9[%dma_start3A_36] : memref<6144xf32, #tpu.memory_space<vmem>> -> memref<512xf32, #tpu.memory_space<vmem>>
    %dma_start3A_38 = arith.constant 2048 : i32
    %dma_start3A_39 = tpu.memref_slice %arg8[%dma_start3A_38] : memref<6144xi32, #tpu.memory_space<vmem>> -> memref<512xi32, #tpu.memory_space<vmem>>
    %dma_start3A_40 = arith.constant 0 : i32
    %dma_start3A_41 = tpu.memref_slice %arg2[%dma_start3A_40] : memref<50331648xf32, #tpu.memory_space<hbm>> -> memref<50331648xf32, #tpu.memory_space<hbm>>
    tpu.enqueue_indirect_dma source(%dma_start3A_41 : memref<50331648xf32, #tpu.memory_space<hbm>>) target(%dma_start3A_37 : memref<512xf32, #tpu.memory_space<vmem>>) offsets(%dma_start3A_39 : memref<512xi32, #tpu.memory_space<vmem>>) semaphore(%arg13 : memref<!tpu.dma_semaphore, #tpu.memory_space<semaphore_mem>>)
    %dma_start3A_42 = arith.constant 2560 : i32
    %dma_start3A_43 = tpu.memref_slice %arg9[%dma_start3A_42] : memref<6144xf32, #tpu.memory_space<vmem>> -> memref<512xf32, #tpu.memory_space<vmem>>
    %dma_start3A_44 = arith.constant 2560 : i32
    %dma_start3A_45 = tpu.memref_slice %arg8[%dma_start3A_44] : memref<6144xi32, #tpu.memory_space<vmem>> -> memref<512xi32, #tpu.memory_space<vmem>>
    %dma_start3A_46 = arith.constant 0 : i32
    %dma_start3A_47 = tpu.memref_slice %arg2[%dma_start3A_46] : memref<50331648xf32, #tpu.memory_space<hbm>> -> memref<50331648xf32, #tpu.memory_space<hbm>>
    tpu.enqueue_indirect_dma source(%dma_start3A_47 : memref<50331648xf32, #tpu.memory_space<hbm>>) target(%dma_start3A_43 : memref<512xf32, #tpu.memory_space<vmem>>) offsets(%dma_start3A_45 : memref<512xi32, #tpu.memory_space<vmem>>) semaphore(%arg13 : memref<!tpu.dma_semaphore, #tpu.memory_space<semaphore_mem>>)
    %dma_start3A_48 = arith.constant 3072 : i32
    %dma_start3A_49 = tpu.memref_slice %arg9[%dma_start3A_48] : memref<6144xf32, #tpu.memory_space<vmem>> -> memref<512xf32, #tpu.memory_space<vmem>>
    %dma_start3A_50 = arith.constant 3072 : i32
    %dma_start3A_51 = tpu.memref_slice %arg8[%dma_start3A_50] : memref<6144xi32, #tpu.memory_space<vmem>> -> memref<512xi32, #tpu.memory_space<vmem>>
    %dma_start3A_52 = arith.constant 0 : i32
    %dma_start3A_53 = tpu.memref_slice %arg2[%dma_start3A_52] : memref<50331648xf32, #tpu.memory_space<hbm>> -> memref<50331648xf32, #tpu.memory_space<hbm>>
    tpu.enqueue_indirect_dma source(%dma_start3A_53 : memref<50331648xf32, #tpu.memory_space<hbm>>) target(%dma_start3A_49 : memref<512xf32, #tpu.memory_space<vmem>>) offsets(%dma_start3A_51 : memref<512xi32, #tpu.memory_space<vmem>>) semaphore(%arg13 : memref<!tpu.dma_semaphore, #tpu.memory_space<semaphore_mem>>)
    %dma_start3A_54 = arith.constant 3584 : i32
    %dma_start3A_55 = tpu.memref_slice %arg9[%dma_start3A_54] : memref<6144xf32, #tpu.memory_space<vmem>> -> memref<512xf32, #tpu.memory_space<vmem>>
    %dma_start3A_56 = arith.constant 3584 : i32
    %dma_start3A_57 = tpu.memref_slice %arg8[%dma_start3A_56] : memref<6144xi32, #tpu.memory_space<vmem>> -> memref<512xi32, #tpu.memory_space<vmem>>
    %dma_start3A_58 = arith.constant 0 : i32
    %dma_start3A_59 = tpu.memref_slice %arg2[%dma_start3A_58] : memref<50331648xf32, #tpu.memory_space<hbm>> -> memref<50331648xf32, #tpu.memory_space<hbm>>
    tpu.enqueue_indirect_dma source(%dma_start3A_59 : memref<50331648xf32, #tpu.memory_space<hbm>>) target(%dma_start3A_55 : memref<512xf32, #tpu.memory_space<vmem>>) offsets(%dma_start3A_57 : memref<512xi32, #tpu.memory_space<vmem>>) semaphore(%arg13 : memref<!tpu.dma_semaphore, #tpu.memory_space<semaphore_mem>>)
    %dma_start3A_60 = arith.constant 4096 : i32
    %dma_start3A_61 = tpu.memref_slice %arg9[%dma_start3A_60] : memref<6144xf32, #tpu.memory_space<vmem>> -> memref<512xf32, #tpu.memory_space<vmem>>
    %dma_start3A_62 = arith.constant 4096 : i32
    %dma_start3A_63 = tpu.memref_slice %arg8[%dma_start3A_62] : memref<6144xi32, #tpu.memory_space<vmem>> -> memref<512xi32, #tpu.memory_space<vmem>>
    %dma_start3A_64 = arith.constant 0 : i32
    %dma_start3A_65 = tpu.memref_slice %arg2[%dma_start3A_64] : memref<50331648xf32, #tpu.memory_space<hbm>> -> memref<50331648xf32, #tpu.memory_space<hbm>>
    tpu.enqueue_indirect_dma source(%dma_start3A_65 : memref<50331648xf32, #tpu.memory_space<hbm>>) target(%dma_start3A_61 : memref<512xf32, #tpu.memory_space<vmem>>) offsets(%dma_start3A_63 : memref<512xi32, #tpu.memory_space<vmem>>) semaphore(%arg13 : memref<!tpu.dma_semaphore, #tpu.memory_space<semaphore_mem>>)
    %dma_start3A_66 = arith.constant 4608 : i32
    %dma_start3A_67 = tpu.memref_slice %arg9[%dma_start3A_66] : memref<6144xf32, #tpu.memory_space<vmem>> -> memref<512xf32, #tpu.memory_space<vmem>>
    %dma_start3A_68 = arith.constant 4608 : i32
    %dma_start3A_69 = tpu.memref_slice %arg8[%dma_start3A_68] : memref<6144xi32, #tpu.memory_space<vmem>> -> memref<512xi32, #tpu.memory_space<vmem>>
    %dma_start3A_70 = arith.constant 0 : i32
    %dma_start3A_71 = tpu.memref_slice %arg2[%dma_start3A_70] : memref<50331648xf32, #tpu.memory_space<hbm>> -> memref<50331648xf32, #tpu.memory_space<hbm>>
    tpu.enqueue_indirect_dma source(%dma_start3A_71 : memref<50331648xf32, #tpu.memory_space<hbm>>) target(%dma_start3A_67 : memref<512xf32, #tpu.memory_space<vmem>>) offsets(%dma_start3A_69 : memref<512xi32, #tpu.memory_space<vmem>>) semaphore(%arg13 : memref<!tpu.dma_semaphore, #tpu.memory_space<semaphore_mem>>)
    %dma_start3A_72 = arith.constant 5120 : i32
    %dma_start3A_73 = tpu.memref_slice %arg9[%dma_start3A_72] : memref<6144xf32, #tpu.memory_space<vmem>> -> memref<512xf32, #tpu.memory_space<vmem>>
    %dma_start3A_74 = arith.constant 5120 : i32
    %dma_start3A_75 = tpu.memref_slice %arg8[%dma_start3A_74] : memref<6144xi32, #tpu.memory_space<vmem>> -> memref<512xi32, #tpu.memory_space<vmem>>
    %dma_start3A_76 = arith.constant 0 : i32
    %dma_start3A_77 = tpu.memref_slice %arg2[%dma_start3A_76] : memref<50331648xf32, #tpu.memory_space<hbm>> -> memref<50331648xf32, #tpu.memory_space<hbm>>
    tpu.enqueue_indirect_dma source(%dma_start3A_77 : memref<50331648xf32, #tpu.memory_space<hbm>>) target(%dma_start3A_73 : memref<512xf32, #tpu.memory_space<vmem>>) offsets(%dma_start3A_75 : memref<512xi32, #tpu.memory_space<vmem>>) semaphore(%arg13 : memref<!tpu.dma_semaphore, #tpu.memory_space<semaphore_mem>>)
    %dma_start3A_78 = arith.constant 5632 : i32
    %dma_start3A_79 = tpu.memref_slice %arg9[%dma_start3A_78] : memref<6144xf32, #tpu.memory_space<vmem>> -> memref<512xf32, #tpu.memory_space<vmem>>
    %dma_start3A_80 = arith.constant 5632 : i32
    %dma_start3A_81 = tpu.memref_slice %arg8[%dma_start3A_80] : memref<6144xi32, #tpu.memory_space<vmem>> -> memref<512xi32, #tpu.memory_space<vmem>>
    %dma_start3A_82 = arith.constant 0 : i32
    %dma_start3A_83 = tpu.memref_slice %arg2[%dma_start3A_82] : memref<50331648xf32, #tpu.memory_space<hbm>> -> memref<50331648xf32, #tpu.memory_space<hbm>>
    tpu.enqueue_indirect_dma source(%dma_start3A_83 : memref<50331648xf32, #tpu.memory_space<hbm>>) target(%dma_start3A_79 : memref<512xf32, #tpu.memory_space<vmem>>) offsets(%dma_start3A_81 : memref<512xi32, #tpu.memory_space<vmem>>) semaphore(%arg13 : memref<!tpu.dma_semaphore, #tpu.memory_space<semaphore_mem>>)
    %scan3A_84 = arith.constant 0 : i32
    %scan3A_85 = arith.constant 128 : i32
    %scan3A_86 = arith.addi %scan3A_84, %scan3A_85 : i32
    %scan3A_87 = arith.constant 1 : i32
    scf.for %scan3A_183 = %scan3A_84 to %scan3A_86 step %scan3A_87  : i32 {
      %mul3A_184 = arith.constant 1 : i32
      %mul3A_185 = arith.muli %scan3A_183, %mul3A_184 : i32
      %add3A_186 = arith.constant 0 : i32
      %add3A_187 = arith.addi %add3A_186, %mul3A_185 : i32
      %jit3A = arith.constant 8 : i32
      %div3A = arith.divsi %add3A_187, %jit3A : i32
      %sign3A = arith.constant 0 : i32
      %sign3A_188 = arith.cmpi sgt, %add3A_187, %sign3A : i32
      %sign3A_189 = arith.extui %sign3A_188 : i1 to i32
      %sign3A_190 = arith.constant 0 : i32
      %sign3A_191 = arith.cmpi slt, %add3A_187, %sign3A_190 : i32
      %sign3A_192 = arith.extui %sign3A_191 : i1 to i32
      %sign3A_193 = arith.subi %sign3A_189, %sign3A_192 : i32
      %sign3A_194 = arith.constant 0 : i32
      %sign3A_195 = arith.cmpi sgt, %jit3A, %sign3A_194 : i32
      %sign3A_196 = arith.extui %sign3A_195 : i1 to i32
      %sign3A_197 = arith.constant 0 : i32
      %sign3A_198 = arith.cmpi slt, %jit3A, %sign3A_197 : i32
      %sign3A_199 = arith.extui %sign3A_198 : i1 to i32
      %sign3A_200 = arith.subi %sign3A_196, %sign3A_199 : i32
      %ne3A = arith.cmpi ne, %sign3A_193, %sign3A_200 : i32
      %rem3A = arith.remsi %add3A_187, %jit3A : i32
      %ne3A_201 = arith.constant 0 : i32
      %ne3A_202 = arith.cmpi ne, %rem3A, %ne3A_201 : i32
      %and3A = arith.andi %ne3A, %ne3A_202 : i1
      %sub3A = arith.constant 1 : i32
      %sub3A_203 = arith.subi %div3A, %sub3A : i32
      %select_n3A = arith.select %and3A, %sub3A_203, %div3A : i32
      %mul3A_204 = arith.constant 1024 : i32
      %mul3A_205 = arith.muli %select_n3A, %mul3A_204 : i32
      %jit3A_206 = arith.constant 8 : i32
      %eq3A = arith.constant 0 : i32
      %eq3A_207 = arith.cmpi eq, %jit3A_206, %eq3A : i32
      %jit3A_208 = arith.constant 1 : i32
      %select_n3A_209 = arith.select %eq3A_207, %jit3A_208, %jit3A_206 : i32
      %rem3A_210 = arith.remsi %add3A_187, %select_n3A_209 : i32
      %ne3A_211 = arith.constant 0 : i32
      %ne3A_212 = arith.cmpi ne, %rem3A_210, %ne3A_211 : i32
      %lt3A = arith.constant 0 : i32
      %lt3A_213 = arith.cmpi slt, %rem3A_210, %lt3A : i32
      %lt3A_214 = arith.constant 0 : i32
      %lt3A_215 = arith.cmpi slt, %select_n3A_209, %lt3A_214 : i32
      %ne3A_216 = arith.xori %lt3A_213, %lt3A_215 : i1
      %and3A_217 = arith.andi %ne3A_216, %ne3A_212 : i1
      %add3A_218 = arith.addi %rem3A_210, %select_n3A_209 : i32
      %select_n3A_219 = arith.select %and3A_217, %add3A_218, %rem3A_210 : i32
      %mul3A_220 = arith.constant 16 : i32
      %mul3A_221 = arith.muli %select_n3A_219, %mul3A_220 : i32
      %add3A_222 = arith.addi %mul3A_205, %mul3A_221 : i32
      %mul3A_223 = arith.constant 16 : i32
      %mul3A_224 = arith.muli %add3A_187, %mul3A_223 : i32
      %get3A = arith.index_cast %mul3A_224 : i32 to index
      %get3A_225 = tpu.vector_load %arg7[%get3A] {strides = array<i32>} : memref<4096xi32, #tpu.memory_space<vmem>>, vector<16xi32>,
      %mul3A_226 = arith.constant 16 : i32
      %mul3A_227 = arith.muli %add3A_187, %mul3A_226 : i32
      %add3A_228 = arith.constant 2048 : i32
      %add3A_229 = arith.addi %add3A_228, %mul3A_227 : i32
      %get3A_230 = arith.index_cast %add3A_229 : i32 to index
      %get3A_231 = tpu.vector_load %arg7[%get3A_230] {strides = array<i32>} : memref<4096xi32, #tpu.memory_space<vmem>>, vector<16xi32>,
      %gather3A = tpu.vector_load_idx %arg12[%get3A_225] : memref<12288xf32, #tpu.memory_space<vmem>>[vector<16xi32>], vector<16xf32>,
      %add3A_232 = arith.constant 384 : i32
      %add3A_233 = arith.addi %add3A_222, %add3A_232 : i32
      %swap3A = arith.index_cast %add3A_233 : i32 to index
      %swap3A_234 = tpu.vector_load %arg10[%swap3A] {strides = array<i32>} : memref<16384xf32, #tpu.memory_space<vmem>>, vector<16xf32>,
      tpu.vector_store %arg10[%swap3A], %gather3A {strides = array<i32>} : memref<16384xf32, #tpu.memory_space<vmem>>, vector<16xf32>,
      %add3A_235 = arith.constant 4096 : i32
      %add3A_236 = vector.broadcast %add3A_235 : i32 to vector<16xi32>
      %add3A_237 = arith.addi %get3A_225, %add3A_236 : vector<16xi32>
      %gather3A_238 = tpu.vector_load_idx %arg12[%add3A_237] : memref<12288xf32, #tpu.memory_space<vmem>>[vector<16xi32>], vector<16xf32>,
      %add3A_239 = arith.constant 512 : i32
      %add3A_240 = arith.addi %add3A_222, %add3A_239 : i32
      %swap3A_241 = arith.index_cast %add3A_240 : i32 to index
      %swap3A_242 = tpu.vector_load %arg10[%swap3A_241] {strides = array<i32>} : memref<16384xf32, #tpu.memory_space<vmem>>, vector<16xf32>,
      tpu.vector_store %arg10[%swap3A_241], %gather3A_238 {strides = array<i32>} : memref<16384xf32, #tpu.memory_space<vmem>>, vector<16xf32>,
      %add3A_243 = arith.constant 8192 : i32
      %add3A_244 = vector.broadcast %add3A_243 : i32 to vector<16xi32>
      %add3A_245 = arith.addi %get3A_225, %add3A_244 : vector<16xi32>
      %gather3A_246 = tpu.vector_load_idx %arg12[%add3A_245] : memref<12288xf32, #tpu.memory_space<vmem>>[vector<16xi32>], vector<16xf32>,
      %add3A_247 = arith.constant 640 : i32
      %add3A_248 = arith.addi %add3A_222, %add3A_247 : i32
      %swap3A_249 = arith.index_cast %add3A_248 : i32 to index
      %swap3A_250 = tpu.vector_load %arg10[%swap3A_249] {strides = array<i32>} : memref<16384xf32, #tpu.memory_space<vmem>>, vector<16xf32>,
      tpu.vector_store %arg10[%swap3A_249], %gather3A_246 {strides = array<i32>} : memref<16384xf32, #tpu.memory_space<vmem>>, vector<16xf32>,
      %gather3A_251 = tpu.vector_load_idx %arg12[%get3A_231] : memref<12288xf32, #tpu.memory_space<vmem>>[vector<16xi32>], vector<16xf32>,
      %add3A_252 = arith.constant 768 : i32
      %add3A_253 = arith.addi %add3A_222, %add3A_252 : i32
      %swap3A_254 = arith.index_cast %add3A_253 : i32 to index
      %swap3A_255 = tpu.vector_load %arg10[%swap3A_254] {strides = array<i32>} : memref<16384xf32, #tpu.memory_space<vmem>>, vector<16xf32>,
      tpu.vector_store %arg10[%swap3A_254], %gather3A_251 {strides = array<i32>} : memref<16384xf32, #tpu.memory_space<vmem>>, vector<16xf32>,
      %add3A_256 = arith.constant 4096 : i32
      %add3A_257 = vector.broadcast %add3A_256 : i32 to vector<16xi32>
      %add3A_258 = arith.addi %get3A_231, %add3A_257 : vector<16xi32>
      %gather3A_259 = tpu.vector_load_idx %arg12[%add3A_258] : memref<12288xf32, #tpu.memory_space<vmem>>[vector<16xi32>], vector<16xf32>,
      %add3A_260 = arith.constant 896 : i32
      %add3A_261 = arith.addi %add3A_222, %add3A_260 : i32
      %swap3A_262 = arith.index_cast %add3A_261 : i32 to index
      %swap3A_263 = tpu.vector_load %arg10[%swap3A_262] {strides = array<i32>} : memref<16384xf32, #tpu.memory_space<vmem>>, vector<16xf32>,
      tpu.vector_store %arg10[%swap3A_262], %gather3A_259 {strides = array<i32>} : memref<16384xf32, #tpu.memory_space<vmem>>, vector<16xf32>,
      %add3A_264 = arith.constant 8192 : i32
      %add3A_265 = vector.broadcast %add3A_264 : i32 to vector<16xi32>
      %add3A_266 = arith.addi %get3A_231, %add3A_265 : vector<16xi32>
      %gather3A_267 = tpu.vector_load_idx %arg12[%add3A_266] : memref<12288xf32, #tpu.memory_space<vmem>>[vector<16xi32>], vector<16xf32>,
      %swap3A_268 = arith.index_cast %add3A_222 : i32 to index
      %swap3A_269 = tpu.vector_load %arg11[%swap3A_268] {strides = array<i32>} : memref<16384xf32, #tpu.memory_space<vmem>>, vector<16xf32>,
      tpu.vector_store %arg11[%swap3A_268], %gather3A_267 {strides = array<i32>} : memref<16384xf32, #tpu.memory_space<vmem>>, vector<16xf32>,
    }
    %scan3A_88 = arith.constant 128 : i32
    %dma_wait3A = arith.constant 0 : i32
    %dma_wait3A_89 = tpu.memref_slice %arg9[%dma_wait3A] : memref<6144xf32, #tpu.memory_space<vmem>> -> memref<512xf32, #tpu.memory_space<vmem>>
    %dma_wait3A_90 = arith.constant 0 : i32
    %dma_wait3A_91 = tpu.memref_slice %arg8[%dma_wait3A_90] : memref<6144xi32, #tpu.memory_space<vmem>> -> memref<512xi32, #tpu.memory_space<vmem>>
    %dma_wait3A_92 = arith.constant 0 : i32
    %dma_wait3A_93 = tpu.memref_slice %arg2[%dma_wait3A_92] : memref<50331648xf32, #tpu.memory_space<hbm>> -> memref<50331648xf32, #tpu.memory_space<hbm>>
    tpu.wait_indirect_dma semaphore(%arg13 : memref<!tpu.dma_semaphore, #tpu.memory_space<semaphore_mem>>) src(%dma_wait3A_93 : memref<50331648xf32, #tpu.memory_space<hbm>>) dst(%dma_wait3A_89 : memref<512xf32, #tpu.memory_space<vmem>>)
    %dma_wait3A_94 = arith.constant 512 : i32
    %dma_wait3A_95 = tpu.memref_slice %arg9[%dma_wait3A_94] : memref<6144xf32, #tpu.memory_space<vmem>> -> memref<512xf32, #tpu.memory_space<vmem>>
    %dma_wait3A_96 = arith.constant 512 : i32
    %dma_wait3A_97 = tpu.memref_slice %arg8[%dma_wait3A_96] : memref<6144xi32, #tpu.memory_space<vmem>> -> memref<512xi32, #tpu.memory_space<vmem>>
    %dma_wait3A_98 = arith.constant 0 : i32
    %dma_wait3A_99 = tpu.memref_slice %arg2[%dma_wait3A_98] : memref<50331648xf32, #tpu.memory_space<hbm>> -> memref<50331648xf32, #tpu.memory_space<hbm>>
    tpu.wait_indirect_dma semaphore(%arg13 : memref<!tpu.dma_semaphore, #tpu.memory_space<semaphore_mem>>) src(%dma_wait3A_99 : memref<50331648xf32, #tpu.memory_space<hbm>>) dst(%dma_wait3A_95 : memref<512xf32, #tpu.memory_space<vmem>>)
    %dma_wait3A_100 = arith.constant 1024 : i32
    %dma_wait3A_101 = tpu.memref_slice %arg9[%dma_wait3A_100] : memref<6144xf32, #tpu.memory_space<vmem>> -> memref<512xf32, #tpu.memory_space<vmem>>
    %dma_wait3A_102 = arith.constant 1024 : i32
    %dma_wait3A_103 = tpu.memref_slice %arg8[%dma_wait3A_102] : memref<6144xi32, #tpu.memory_space<vmem>> -> memref<512xi32, #tpu.memory_space<vmem>>
    %dma_wait3A_104 = arith.constant 0 : i32
    %dma_wait3A_105 = tpu.memref_slice %arg2[%dma_wait3A_104] : memref<50331648xf32, #tpu.memory_space<hbm>> -> memref<50331648xf32, #tpu.memory_space<hbm>>
    tpu.wait_indirect_dma semaphore(%arg13 : memref<!tpu.dma_semaphore, #tpu.memory_space<semaphore_mem>>) src(%dma_wait3A_105 : memref<50331648xf32, #tpu.memory_space<hbm>>) dst(%dma_wait3A_101 : memref<512xf32, #tpu.memory_space<vmem>>)
    %dma_wait3A_106 = arith.constant 1536 : i32
    %dma_wait3A_107 = tpu.memref_slice %arg9[%dma_wait3A_106] : memref<6144xf32, #tpu.memory_space<vmem>> -> memref<512xf32, #tpu.memory_space<vmem>>
    %dma_wait3A_108 = arith.constant 1536 : i32
    %dma_wait3A_109 = tpu.memref_slice %arg8[%dma_wait3A_108] : memref<6144xi32, #tpu.memory_space<vmem>> -> memref<512xi32, #tpu.memory_space<vmem>>
    %dma_wait3A_110 = arith.constant 0 : i32
    %dma_wait3A_111 = tpu.memref_slice %arg2[%dma_wait3A_110] : memref<50331648xf32, #tpu.memory_space<hbm>> -> memref<50331648xf32, #tpu.memory_space<hbm>>
    tpu.wait_indirect_dma semaphore(%arg13 : memref<!tpu.dma_semaphore, #tpu.memory_space<semaphore_mem>>) src(%dma_wait3A_111 : memref<50331648xf32, #tpu.memory_space<hbm>>) dst(%dma_wait3A_107 : memref<512xf32, #tpu.memory_space<vmem>>)
    %dma_wait3A_112 = arith.constant 2048 : i32
    %dma_wait3A_113 = tpu.memref_slice %arg9[%dma_wait3A_112] : memref<6144xf32, #tpu.memory_space<vmem>> -> memref<512xf32, #tpu.memory_space<vmem>>
    %dma_wait3A_114 = arith.constant 2048 : i32
    %dma_wait3A_115 = tpu.memref_slice %arg8[%dma_wait3A_114] : memref<6144xi32, #tpu.memory_space<vmem>> -> memref<512xi32, #tpu.memory_space<vmem>>
    %dma_wait3A_116 = arith.constant 0 : i32
    %dma_wait3A_117 = tpu.memref_slice %arg2[%dma_wait3A_116] : memref<50331648xf32, #tpu.memory_space<hbm>> -> memref<50331648xf32, #tpu.memory_space<hbm>>
    tpu.wait_indirect_dma semaphore(%arg13 : memref<!tpu.dma_semaphore, #tpu.memory_space<semaphore_mem>>) src(%dma_wait3A_117 : memref<50331648xf32, #tpu.memory_space<hbm>>) dst(%dma_wait3A_113 : memref<512xf32, #tpu.memory_space<vmem>>)
    %dma_wait3A_118 = arith.constant 2560 : i32
    %dma_wait3A_119 = tpu.memref_slice %arg9[%dma_wait3A_118] : memref<6144xf32, #tpu.memory_space<vmem>> -> memref<512xf32, #tpu.memory_space<vmem>>
    %dma_wait3A_120 = arith.constant 2560 : i32
    %dma_wait3A_121 = tpu.memref_slice %arg8[%dma_wait3A_120] : memref<6144xi32, #tpu.memory_space<vmem>> -> memref<512xi32, #tpu.memory_space<vmem>>
    %dma_wait3A_122 = arith.constant 0 : i32
    %dma_wait3A_123 = tpu.memref_slice %arg2[%dma_wait3A_122] : memref<50331648xf32, #tpu.memory_space<hbm>> -> memref<50331648xf32, #tpu.memory_space<hbm>>
    tpu.wait_indirect_dma semaphore(%arg13 : memref<!tpu.dma_semaphore, #tpu.memory_space<semaphore_mem>>) src(%dma_wait3A_123 : memref<50331648xf32, #tpu.memory_space<hbm>>) dst(%dma_wait3A_119 : memref<512xf32, #tpu.memory_space<vmem>>)
    %dma_wait3A_124 = arith.constant 3072 : i32
    %dma_wait3A_125 = tpu.memref_slice %arg9[%dma_wait3A_124] : memref<6144xf32, #tpu.memory_space<vmem>> -> memref<512xf32, #tpu.memory_space<vmem>>
    %dma_wait3A_126 = arith.constant 3072 : i32
    %dma_wait3A_127 = tpu.memref_slice %arg8[%dma_wait3A_126] : memref<6144xi32, #tpu.memory_space<vmem>> -> memref<512xi32, #tpu.memory_space<vmem>>
    %dma_wait3A_128 = arith.constant 0 : i32
    %dma_wait3A_129 = tpu.memref_slice %arg2[%dma_wait3A_128] : memref<50331648xf32, #tpu.memory_space<hbm>> -> memref<50331648xf32, #tpu.memory_space<hbm>>
    tpu.wait_indirect_dma semaphore(%arg13 : memref<!tpu.dma_semaphore, #tpu.memory_space<semaphore_mem>>) src(%dma_wait3A_129 : memref<50331648xf32, #tpu.memory_space<hbm>>) dst(%dma_wait3A_125 : memref<512xf32, #tpu.memory_space<vmem>>)
    %dma_wait3A_130 = arith.constant 3584 : i32
    %dma_wait3A_131 = tpu.memref_slice %arg9[%dma_wait3A_130] : memref<6144xf32, #tpu.memory_space<vmem>> -> memref<512xf32, #tpu.memory_space<vmem>>
    %dma_wait3A_132 = arith.constant 3584 : i32
    %dma_wait3A_133 = tpu.memref_slice %arg8[%dma_wait3A_132] : memref<6144xi32, #tpu.memory_space<vmem>> -> memref<512xi32, #tpu.memory_space<vmem>>
    %dma_wait3A_134 = arith.constant 0 : i32
    %dma_wait3A_135 = tpu.memref_slice %arg2[%dma_wait3A_134] : memref<50331648xf32, #tpu.memory_space<hbm>> -> memref<50331648xf32, #tpu.memory_space<hbm>>
    tpu.wait_indirect_dma semaphore(%arg13 : memref<!tpu.dma_semaphore, #tpu.memory_space<semaphore_mem>>) src(%dma_wait3A_135 : memref<50331648xf32, #tpu.memory_space<hbm>>) dst(%dma_wait3A_131 : memref<512xf32, #tpu.memory_space<vmem>>)
    %dma_wait3A_136 = arith.constant 4096 : i32
    %dma_wait3A_137 = tpu.memref_slice %arg9[%dma_wait3A_136] : memref<6144xf32, #tpu.memory_space<vmem>> -> memref<512xf32, #tpu.memory_space<vmem>>
    %dma_wait3A_138 = arith.constant 4096 : i32
    %dma_wait3A_139 = tpu.memref_slice %arg8[%dma_wait3A_138] : memref<6144xi32, #tpu.memory_space<vmem>> -> memref<512xi32, #tpu.memory_space<vmem>>
    %dma_wait3A_140 = arith.constant 0 : i32
    %dma_wait3A_141 = tpu.memref_slice %arg2[%dma_wait3A_140] : memref<50331648xf32, #tpu.memory_space<hbm>> -> memref<50331648xf32, #tpu.memory_space<hbm>>
    tpu.wait_indirect_dma semaphore(%arg13 : memref<!tpu.dma_semaphore, #tpu.memory_space<semaphore_mem>>) src(%dma_wait3A_141 : memref<50331648xf32, #tpu.memory_space<hbm>>) dst(%dma_wait3A_137 : memref<512xf32, #tpu.memory_space<vmem>>)
    %dma_wait3A_142 = arith.constant 4608 : i32
    %dma_wait3A_143 = tpu.memref_slice %arg9[%dma_wait3A_142] : memref<6144xf32, #tpu.memory_space<vmem>> -> memref<512xf32, #tpu.memory_space<vmem>>
    %dma_wait3A_144 = arith.constant 4608 : i32
    %dma_wait3A_145 = tpu.memref_slice %arg8[%dma_wait3A_144] : memref<6144xi32, #tpu.memory_space<vmem>> -> memref<512xi32, #tpu.memory_space<vmem>>
    %dma_wait3A_146 = arith.constant 0 : i32
    %dma_wait3A_147 = tpu.memref_slice %arg2[%dma_wait3A_146] : memref<50331648xf32, #tpu.memory_space<hbm>> -> memref<50331648xf32, #tpu.memory_space<hbm>>
    tpu.wait_indirect_dma semaphore(%arg13 : memref<!tpu.dma_semaphore, #tpu.memory_space<semaphore_mem>>) src(%dma_wait3A_147 : memref<50331648xf32, #tpu.memory_space<hbm>>) dst(%dma_wait3A_143 : memref<512xf32, #tpu.memory_space<vmem>>)
    %dma_wait3A_148 = arith.constant 5120 : i32
    %dma_wait3A_149 = tpu.memref_slice %arg9[%dma_wait3A_148] : memref<6144xf32, #tpu.memory_space<vmem>> -> memref<512xf32, #tpu.memory_space<vmem>>
    %dma_wait3A_150 = arith.constant 5120 : i32
    %dma_wait3A_151 = tpu.memref_slice %arg8[%dma_wait3A_150] : memref<6144xi32, #tpu.memory_space<vmem>> -> memref<512xi32, #tpu.memory_space<vmem>>
    %dma_wait3A_152 = arith.constant 0 : i32
    %dma_wait3A_153 = tpu.memref_slice %arg2[%dma_wait3A_152] : memref<50331648xf32, #tpu.memory_space<hbm>> -> memref<50331648xf32, #tpu.memory_space<hbm>>
    tpu.wait_indirect_dma semaphore(%arg13 : memref<!tpu.dma_semaphore, #tpu.memory_space<semaphore_mem>>) src(%dma_wait3A_153 : memref<50331648xf32, #tpu.memory_space<hbm>>) dst(%dma_wait3A_149 : memref<512xf32, #tpu.memory_space<vmem>>)
    %dma_wait3A_154 = arith.constant 5632 : i32
    %dma_wait3A_155 = tpu.memref_slice %arg9[%dma_wait3A_154] : memref<6144xf32, #tpu.memory_space<vmem>> -> memref<512xf32, #tpu.memory_space<vmem>>
    %dma_wait3A_156 = arith.constant 5632 : i32
    %dma_wait3A_157 = tpu.memref_slice %arg8[%dma_wait3A_156] : memref<6144xi32, #tpu.memory_space<vmem>> -> memref<512xi32, #tpu.memory_space<vmem>>
    %dma_wait3A_158 = arith.constant 0 : i32
    %dma_wait3A_159 = tpu.memref_slice %arg2[%dma_wait3A_158] : memref<50331648xf32, #tpu.memory_space<hbm>> -> memref<50331648xf32, #tpu.memory_space<hbm>>
    tpu.wait_indirect_dma semaphore(%arg13 : memref<!tpu.dma_semaphore, #tpu.memory_space<semaphore_mem>>) src(%dma_wait3A_159 : memref<50331648xf32, #tpu.memory_space<hbm>>) dst(%dma_wait3A_155 : memref<512xf32, #tpu.memory_space<vmem>>)
    %scan3A_160 = arith.constant 0 : i32
    %scan3A_161 = arith.constant 128 : i32
    %scan3A_162 = arith.addi %scan3A_160, %scan3A_161 : i32
    %scan3A_163 = arith.constant 1 : i32
    scf.for %scan3A_183 = %scan3A_160 to %scan3A_162 step %scan3A_163  : i32 {
      %mul3A_184 = arith.constant 1 : i32
      %mul3A_185 = arith.muli %scan3A_183, %mul3A_184 : i32
      %add3A_186 = arith.constant 0 : i32
      %add3A_187 = arith.addi %add3A_186, %mul3A_185 : i32
      %jit3A = arith.constant 8 : i32
      %div3A = arith.divsi %add3A_187, %jit3A : i32
      %sign3A = arith.constant 0 : i32
      %sign3A_188 = arith.cmpi sgt, %add3A_187, %sign3A : i32
      %sign3A_189 = arith.extui %sign3A_188 : i1 to i32
      %sign3A_190 = arith.constant 0 : i32
      %sign3A_191 = arith.cmpi slt, %add3A_187, %sign3A_190 : i32
      %sign3A_192 = arith.extui %sign3A_191 : i1 to i32
      %sign3A_193 = arith.subi %sign3A_189, %sign3A_192 : i32
      %sign3A_194 = arith.constant 0 : i32
      %sign3A_195 = arith.cmpi sgt, %jit3A, %sign3A_194 : i32
      %sign3A_196 = arith.extui %sign3A_195 : i1 to i32
      %sign3A_197 = arith.constant 0 : i32
      %sign3A_198 = arith.cmpi slt, %jit3A, %sign3A_197 : i32
      %sign3A_199 = arith.extui %sign3A_198 : i1 to i32
      %sign3A_200 = arith.subi %sign3A_196, %sign3A_199 : i32
      %ne3A = arith.cmpi ne, %sign3A_193, %sign3A_200 : i32
      %rem3A = arith.remsi %add3A_187, %jit3A : i32
      %ne3A_201 = arith.constant 0 : i32
      %ne3A_202 = arith.cmpi ne, %rem3A, %ne3A_201 : i32
      %and3A = arith.andi %ne3A, %ne3A_202 : i1
      %sub3A = arith.constant 1 : i32
      %sub3A_203 = arith.subi %div3A, %sub3A : i32
      %select_n3A = arith.select %and3A, %sub3A_203, %div3A : i32
      %mul3A_204 = arith.constant 1024 : i32
      %mul3A_205 = arith.muli %select_n3A, %mul3A_204 : i32
      %jit3A_206 = arith.constant 8 : i32
      %eq3A = arith.constant 0 : i32
      %eq3A_207 = arith.cmpi eq, %jit3A_206, %eq3A : i32
      %jit3A_208 = arith.constant 1 : i32
      %select_n3A_209 = arith.select %eq3A_207, %jit3A_208, %jit3A_206 : i32
      %rem3A_210 = arith.remsi %add3A_187, %select_n3A_209 : i32
      %ne3A_211 = arith.constant 0 : i32
      %ne3A_212 = arith.cmpi ne, %rem3A_210, %ne3A_211 : i32
      %lt3A = arith.constant 0 : i32
      %lt3A_213 = arith.cmpi slt, %rem3A_210, %lt3A : i32
      %lt3A_214 = arith.constant 0 : i32
      %lt3A_215 = arith.cmpi slt, %select_n3A_209, %lt3A_214 : i32
      %ne3A_216 = arith.xori %lt3A_213, %lt3A_215 : i1
      %and3A_217 = arith.andi %ne3A_216, %ne3A_212 : i1
      %add3A_218 = arith.addi %rem3A_210, %select_n3A_209 : i32
      %select_n3A_219 = arith.select %and3A_217, %add3A_218, %rem3A_210 : i32
      %mul3A_220 = arith.constant 16 : i32
      %mul3A_221 = arith.muli %select_n3A_219, %mul3A_220 : i32
      %add3A_222 = arith.addi %mul3A_205, %mul3A_221 : i32
      %mul3A_223 = arith.constant 16 : i32
      %mul3A_224 = arith.muli %add3A_187, %mul3A_223 : i32
      %add3A_225 = arith.constant 0 : i32
      %add3A_226 = arith.addi %add3A_225, %mul3A_224 : i32
      %get3A = arith.index_cast %add3A_226 : i32 to index
      %get3A_227 = tpu.vector_load %arg9[%get3A] {strides = array<i32>} : memref<6144xf32, #tpu.memory_space<vmem>>, vector<16xf32>,
      %add3A_228 = arith.constant 0 : i32
      %add3A_229 = arith.addi %add3A_222, %add3A_228 : i32
      %swap3A = arith.index_cast %add3A_229 : i32 to index
      %swap3A_230 = tpu.vector_load %arg10[%swap3A] {strides = array<i32>} : memref<16384xf32, #tpu.memory_space<vmem>>, vector<16xf32>,
      tpu.vector_store %arg10[%swap3A], %get3A_227 {strides = array<i32>} : memref<16384xf32, #tpu.memory_space<vmem>>, vector<16xf32>,
      %mul3A_231 = arith.constant 16 : i32
      %mul3A_232 = arith.muli %add3A_187, %mul3A_231 : i32
      %add3A_233 = arith.constant 2048 : i32
      %add3A_234 = arith.addi %add3A_233, %mul3A_232 : i32
      %get3A_235 = arith.index_cast %add3A_234 : i32 to index
      %get3A_236 = tpu.vector_load %arg9[%get3A_235] {strides = array<i32>} : memref<6144xf32, #tpu.memory_space<vmem>>, vector<16xf32>,
      %add3A_237 = arith.constant 128 : i32
      %add3A_238 = arith.addi %add3A_222, %add3A_237 : i32
      %swap3A_239 = arith.index_cast %add3A_238 : i32 to index
      %swap3A_240 = tpu.vector_load %arg10[%swap3A_239] {strides = array<i32>} : memref<16384xf32, #tpu.memory_space<vmem>>, vector<16xf32>,
      tpu.vector_store %arg10[%swap3A_239], %get3A_236 {strides = array<i32>} : memref<16384xf32, #tpu.memory_space<vmem>>, vector<16xf32>,
      %mul3A_241 = arith.constant 16 : i32
      %mul3A_242 = arith.muli %add3A_187, %mul3A_241 : i32
      %add3A_243 = arith.constant 4096 : i32
      %add3A_244 = arith.addi %add3A_243, %mul3A_242 : i32
      %get3A_245 = arith.index_cast %add3A_244 : i32 to index
      %get3A_246 = tpu.vector_load %arg9[%get3A_245] {strides = array<i32>} : memref<6144xf32, #tpu.memory_space<vmem>>, vector<16xf32>,
      %add3A_247 = arith.constant 256 : i32
      %add3A_248 = arith.addi %add3A_222, %add3A_247 : i32
      %swap3A_249 = arith.index_cast %add3A_248 : i32 to index
      %swap3A_250 = tpu.vector_load %arg10[%swap3A_249] {strides = array<i32>} : memref<16384xf32, #tpu.memory_space<vmem>>, vector<16xf32>,
      tpu.vector_store %arg10[%swap3A_249], %get3A_246 {strides = array<i32>} : memref<16384xf32, #tpu.memory_space<vmem>>, vector<16xf32>,
    }
    %scan3A_164 = arith.constant 128 : i32
    %mul3A_165 = arith.constant 8 : i32
    %mul3A_166 = arith.muli %add3A, %mul3A_165 : i32
    %mul3A_167 = arith.constant 2048 : i32
    %mul3A_168 = arith.muli %mul3A_166, %mul3A_167 : i32
    %dma_start3A_169 = tpu.memref_slice %arg6[%mul3A_168] : memref<1048576xf32, #tpu.memory_space<hbm>> -> memref<16384xf32, #tpu.memory_space<hbm>>
    %dma_start3A_170 = tpu.memref_slice %arg6[%mul3A_168] : memref<1048576xf32, #tpu.memory_space<hbm>> -> memref<16384xf32, #tpu.memory_space<hbm>>
    tpu.enqueue_dma source(%arg10 : memref<16384xf32, #tpu.memory_space<vmem>>) target(%dma_start3A_170 : memref<16384xf32, #tpu.memory_space<hbm>>) target_semaphore(%arg13 : memref<!tpu.dma_semaphore, #tpu.memory_space<semaphore_mem>>)
    %add3A_171 = arith.constant 32 : i32
    %add3A_172 = arith.addi %add3A_171, %add3A : i32
    %mul3A_173 = arith.constant 8 : i32
    %mul3A_174 = arith.muli %add3A_172, %mul3A_173 : i32
    %mul3A_175 = arith.constant 2048 : i32
    %mul3A_176 = arith.muli %mul3A_174, %mul3A_175 : i32
    %dma_start3A_177 = tpu.memref_slice %arg6[%mul3A_176] : memref<1048576xf32, #tpu.memory_space<hbm>> -> memref<16384xf32, #tpu.memory_space<hbm>>
    %dma_start3A_178 = tpu.memref_slice %arg6[%mul3A_176] : memref<1048576xf32, #tpu.memory_space<hbm>> -> memref<16384xf32, #tpu.memory_space<hbm>>
    tpu.enqueue_dma source(%arg11 : memref<16384xf32, #tpu.memory_space<vmem>>) target(%dma_start3A_178 : memref<16384xf32, #tpu.memory_space<hbm>>) target_semaphore(%arg13 : memref<!tpu.dma_semaphore, #tpu.memory_space<semaphore_mem>>)
    %dma_wait3A_179 = tpu.memref_slice %arg6[%mul3A_168] : memref<1048576xf32, #tpu.memory_space<hbm>> -> memref<16384xf32, #tpu.memory_space<hbm>>
    %dma_wait3A_180 = tpu.memref_slice %arg6[%mul3A_168] : memref<1048576xf32, #tpu.memory_space<hbm>> -> memref<16384xf32, #tpu.memory_space<hbm>>
    tpu.wait_dma2 semaphore(%arg13 : memref<!tpu.dma_semaphore, #tpu.memory_space<semaphore_mem>>) src(%arg10 : memref<16384xf32, #tpu.memory_space<vmem>>) dst(%dma_wait3A_180 : memref<16384xf32, #tpu.memory_space<hbm>>)
    %dma_wait3A_181 = tpu.memref_slice %arg6[%mul3A_176] : memref<1048576xf32, #tpu.memory_space<hbm>> -> memref<16384xf32, #tpu.memory_space<hbm>>
    %dma_wait3A_182 = tpu.memref_slice %arg6[%mul3A_176] : memref<1048576xf32, #tpu.memory_space<hbm>> -> memref<16384xf32, #tpu.memory_space<hbm>>
    tpu.wait_dma2 semaphore(%arg13 : memref<!tpu.dma_semaphore, #tpu.memory_space<semaphore_mem>>) src(%arg11 : memref<16384xf32, #tpu.memory_space<vmem>>) dst(%dma_wait3A_182 : memref<16384xf32, #tpu.memory_space<hbm>>)
    return
  }
}

#map = affine_map<(d0, d1) -> (0)>
module attributes {stable_mosaic.version = 14 : i64} {
  func.func @_scatter_body(%arg0: i32, %arg1: i32, %arg2: memref<524288xf32, #tpu.memory_space<hbm>>, %arg3: memref<131072xi32, #tpu.memory_space<hbm>>, %arg4: memref<12288xf32, #tpu.memory_space<hbm>>, %arg5: memref<24576xf32, #tpu.memory_space<hbm>>, %arg6: memref<16384xf32, #tpu.memory_space<vmem>>, %arg7: memref<6144xf32, #tpu.memory_space<vmem>>, %arg8: memref<2048xi32, #tpu.memory_space<vmem>>, %arg9: memref<2048xi32, #tpu.memory_space<vmem>>, %arg10: memref<2048xi32, #tpu.memory_space<vmem>>, %arg11: memref<2048xi32, #tpu.memory_space<vmem>>, %arg12: memref<12288xf32, #tpu.memory_space<vmem_shared>>, %arg13: memref<!tpu.dma_semaphore, #tpu.memory_space<semaphore_mem>>) attributes {dimension_semantics = [#tpu.dimension_semantics<core_parallel>, #tpu.dimension_semantics<subcore_parallel>], iteration_bounds = array<i64: 2, 16>, scalar_prefetch = 0 : i64, scratch_operands = 8 : i64, tpu.core_type = #tpu.core_type<sc_vector_subcore>, window_params = [{transform_indices = #map}, {transform_indices = #map}, {transform_indices = #map}, {transform_indices = #map}]} {
    %mul3A = arith.constant 2 : i32
    %mul3A_0 = arith.muli %arg1, %mul3A : i32
    %add3A = arith.addi %mul3A_0, %arg0 : i32
    %mul3A_1 = arith.constant 8 : i32
    %mul3A_2 = arith.muli %add3A, %mul3A_1 : i32
    %mul3A_3 = arith.constant 2048 : i32
    %mul3A_4 = arith.muli %mul3A_2, %mul3A_3 : i32
    "tpu.region"() ({
      %run_scoped3A = tpu.sem_alloc : memref<!tpu.dma_semaphore, #tpu.memory_space<semaphore_mem>>
      %dma_start3A_42 = tpu.memref_slice %arg2[%mul3A_4] : memref<524288xf32, #tpu.memory_space<hbm>> -> memref<16384xf32, #tpu.memory_space<hbm>>
      %dma_start3A_43 = tpu.memref_slice %arg2[%mul3A_4] : memref<524288xf32, #tpu.memory_space<hbm>> -> memref<16384xf32, #tpu.memory_space<hbm>>
      tpu.enqueue_dma source(%dma_start3A_43 : memref<16384xf32, #tpu.memory_space<hbm>>) target(%arg6 : memref<16384xf32, #tpu.memory_space<vmem>>) target_semaphore(%run_scoped3A : memref<!tpu.dma_semaphore, #tpu.memory_space<semaphore_mem>>)
      %dma_wait3A_44 = tpu.memref_slice %arg2[%mul3A_4] : memref<524288xf32, #tpu.memory_space<hbm>> -> memref<16384xf32, #tpu.memory_space<hbm>>
      %dma_wait3A_45 = tpu.memref_slice %arg2[%mul3A_4] : memref<524288xf32, #tpu.memory_space<hbm>> -> memref<16384xf32, #tpu.memory_space<hbm>>
      tpu.wait_dma2 semaphore(%run_scoped3A : memref<!tpu.dma_semaphore, #tpu.memory_space<semaphore_mem>>) src(%dma_wait3A_45 : memref<16384xf32, #tpu.memory_space<hbm>>) dst(%arg6 : memref<16384xf32, #tpu.memory_space<vmem>>)
      tpu.yield
    }) : () -> ()
    %mul3A_5 = arith.constant 2048 : i32
    %mul3A_6 = arith.muli %add3A, %mul3A_5 : i32
    %add3A_7 = arith.constant 0 : i32
    %add3A_8 = arith.addi %add3A_7, %mul3A_6 : i32
    "tpu.region"() ({
      %run_scoped3A = tpu.sem_alloc : memref<!tpu.dma_semaphore, #tpu.memory_space<semaphore_mem>>
      %dma_start3A_42 = tpu.memref_slice %arg3[%add3A_8] : memref<131072xi32, #tpu.memory_space<hbm>> -> memref<2048xi32, #tpu.memory_space<hbm>>
      %dma_start3A_43 = tpu.memref_slice %arg3[%add3A_8] : memref<131072xi32, #tpu.memory_space<hbm>> -> memref<2048xi32, #tpu.memory_space<hbm>>
      tpu.enqueue_dma source(%dma_start3A_43 : memref<2048xi32, #tpu.memory_space<hbm>>) target(%arg8 : memref<2048xi32, #tpu.memory_space<vmem>>) target_semaphore(%run_scoped3A : memref<!tpu.dma_semaphore, #tpu.memory_space<semaphore_mem>>)
      %dma_wait3A_44 = tpu.memref_slice %arg3[%add3A_8] : memref<131072xi32, #tpu.memory_space<hbm>> -> memref<2048xi32, #tpu.memory_space<hbm>>
      %dma_wait3A_45 = tpu.memref_slice %arg3[%add3A_8] : memref<131072xi32, #tpu.memory_space<hbm>> -> memref<2048xi32, #tpu.memory_space<hbm>>
      tpu.wait_dma2 semaphore(%run_scoped3A : memref<!tpu.dma_semaphore, #tpu.memory_space<semaphore_mem>>) src(%dma_wait3A_45 : memref<2048xi32, #tpu.memory_space<hbm>>) dst(%arg8 : memref<2048xi32, #tpu.memory_space<vmem>>)
      tpu.yield
    }) : () -> ()
    %scan3A = arith.constant 0 : i32
    %scan3A_9 = arith.constant 128 : i32
    %scan3A_10 = arith.addi %scan3A, %scan3A_9 : i32
    %scan3A_11 = arith.constant 1 : i32
    scf.for %scan3A_42 = %scan3A to %scan3A_10 step %scan3A_11  : i32 {
      %mul3A_43 = arith.constant 1 : i32
      %mul3A_44 = arith.muli %scan3A_42, %mul3A_43 : i32
      %add3A_45 = arith.constant 0 : i32
      %add3A_46 = arith.addi %add3A_45, %mul3A_44 : i32
      %jit3A = arith.constant 8 : i32
      %div3A = arith.divsi %add3A_46, %jit3A : i32
      %sign3A = arith.constant 0 : i32
      %sign3A_47 = arith.cmpi sgt, %add3A_46, %sign3A : i32
      %sign3A_48 = arith.extui %sign3A_47 : i1 to i32
      %sign3A_49 = arith.constant 0 : i32
      %sign3A_50 = arith.cmpi slt, %add3A_46, %sign3A_49 : i32
      %sign3A_51 = arith.extui %sign3A_50 : i1 to i32
      %sign3A_52 = arith.subi %sign3A_48, %sign3A_51 : i32
      %sign3A_53 = arith.constant 0 : i32
      %sign3A_54 = arith.cmpi sgt, %jit3A, %sign3A_53 : i32
      %sign3A_55 = arith.extui %sign3A_54 : i1 to i32
      %sign3A_56 = arith.constant 0 : i32
      %sign3A_57 = arith.cmpi slt, %jit3A, %sign3A_56 : i32
      %sign3A_58 = arith.extui %sign3A_57 : i1 to i32
      %sign3A_59 = arith.subi %sign3A_55, %sign3A_58 : i32
      %ne3A = arith.cmpi ne, %sign3A_52, %sign3A_59 : i32
      %rem3A = arith.remsi %add3A_46, %jit3A : i32
      %ne3A_60 = arith.constant 0 : i32
      %ne3A_61 = arith.cmpi ne, %rem3A, %ne3A_60 : i32
      %and3A = arith.andi %ne3A, %ne3A_61 : i1
      %sub3A = arith.constant 1 : i32
      %sub3A_62 = arith.subi %div3A, %sub3A : i32
      %select_n3A = arith.select %and3A, %sub3A_62, %div3A : i32
      %mul3A_63 = arith.constant 1024 : i32
      %mul3A_64 = arith.muli %select_n3A, %mul3A_63 : i32
      %jit3A_65 = arith.constant 8 : i32
      %eq3A_66 = arith.constant 0 : i32
      %eq3A_67 = arith.cmpi eq, %jit3A_65, %eq3A_66 : i32
      %jit3A_68 = arith.constant 1 : i32
      %select_n3A_69 = arith.select %eq3A_67, %jit3A_68, %jit3A_65 : i32
      %rem3A_70 = arith.remsi %add3A_46, %select_n3A_69 : i32
      %ne3A_71 = arith.constant 0 : i32
      %ne3A_72 = arith.cmpi ne, %rem3A_70, %ne3A_71 : i32
      %lt3A_73 = arith.constant 0 : i32
      %lt3A_74 = arith.cmpi slt, %rem3A_70, %lt3A_73 : i32
      %lt3A_75 = arith.constant 0 : i32
      %lt3A_76 = arith.cmpi slt, %select_n3A_69, %lt3A_75 : i32
      %ne3A_77 = arith.xori %lt3A_74, %lt3A_76 : i1
      %and3A_78 = arith.andi %ne3A_77, %ne3A_72 : i1
      %add3A_79 = arith.addi %rem3A_70, %select_n3A_69 : i32
      %select_n3A_80 = arith.select %and3A_78, %add3A_79, %rem3A_70 : i32
      %mul3A_81 = arith.constant 16 : i32
      %mul3A_82 = arith.muli %select_n3A_80, %mul3A_81 : i32
      %add3A_83 = arith.addi %mul3A_64, %mul3A_82 : i32
      %add3A_84 = arith.constant 0 : i32
      %add3A_85 = arith.addi %add3A_83, %add3A_84 : i32
      %get3A = arith.index_cast %add3A_85 : i32 to index
      %get3A_86 = tpu.vector_load %arg6[%get3A] {strides = array<i32>} : memref<16384xf32, #tpu.memory_space<vmem>>, vector<16xf32>,
      %mul3A_87 = arith.constant 16 : i32
      %mul3A_88 = arith.muli %add3A_46, %mul3A_87 : i32
      %add3A_89 = arith.constant 0 : i32
      %add3A_90 = arith.addi %add3A_89, %mul3A_88 : i32
      %swap3A = arith.index_cast %add3A_90 : i32 to index
      %swap3A_91 = tpu.vector_load %arg7[%swap3A] {strides = array<i32>} : memref<6144xf32, #tpu.memory_space<vmem>>, vector<16xf32>,
      tpu.vector_store %arg7[%swap3A], %get3A_86 {strides = array<i32>} : memref<6144xf32, #tpu.memory_space<vmem>>, vector<16xf32>,
      %mul3A_92 = arith.constant 16 : i32
      %mul3A_93 = arith.muli %add3A_46, %mul3A_92 : i32
      %get3A_94 = arith.index_cast %mul3A_93 : i32 to index
      %get3A_95 = tpu.vector_load %arg8[%get3A_94] {strides = array<i32>} : memref<2048xi32, #tpu.memory_space<vmem>>, vector<16xi32>,
      %mul3A_96 = arith.constant 3 : i32
      %mul3A_97 = vector.broadcast %mul3A_96 : i32 to vector<16xi32>
      %mul3A_98 = arith.muli %get3A_95, %mul3A_97 : vector<16xi32>
      %add3A_99 = arith.constant 0 : i32
      %add3A_100 = vector.broadcast %add3A_99 : i32 to vector<16xi32>
      %add3A_101 = arith.addi %mul3A_98, %add3A_100 : vector<16xi32>
      %mul3A_102 = arith.constant 16 : i32
      %mul3A_103 = arith.muli %add3A_46, %mul3A_102 : i32
      %swap3A_104 = arith.index_cast %mul3A_103 : i32 to index
      %swap3A_105 = tpu.vector_load %arg9[%swap3A_104] {strides = array<i32>} : memref<2048xi32, #tpu.memory_space<vmem>>, vector<16xi32>,
      tpu.vector_store %arg9[%swap3A_104], %add3A_101 {strides = array<i32>} : memref<2048xi32, #tpu.memory_space<vmem>>, vector<16xi32>,
      %add3A_106 = arith.constant 128 : i32
      %add3A_107 = arith.addi %add3A_83, %add3A_106 : i32
      %get3A_108 = arith.index_cast %add3A_107 : i32 to index
      %get3A_109 = tpu.vector_load %arg6[%get3A_108] {strides = array<i32>} : memref<16384xf32, #tpu.memory_space<vmem>>, vector<16xf32>,
      %mul3A_110 = arith.constant 16 : i32
      %mul3A_111 = arith.muli %add3A_46, %mul3A_110 : i32
      %add3A_112 = arith.constant 2048 : i32
      %add3A_113 = arith.addi %add3A_112, %mul3A_111 : i32
      %swap3A_114 = arith.index_cast %add3A_113 : i32 to index
      %swap3A_115 = tpu.vector_load %arg7[%swap3A_114] {strides = array<i32>} : memref<6144xf32, #tpu.memory_space<vmem>>, vector<16xf32>,
      tpu.vector_store %arg7[%swap3A_114], %get3A_109 {strides = array<i32>} : memref<6144xf32, #tpu.memory_space<vmem>>, vector<16xf32>,
      %mul3A_116 = arith.constant 16 : i32
      %mul3A_117 = arith.muli %add3A_46, %mul3A_116 : i32
      %get3A_118 = arith.index_cast %mul3A_117 : i32 to index
      %get3A_119 = tpu.vector_load %arg8[%get3A_118] {strides = array<i32>} : memref<2048xi32, #tpu.memory_space<vmem>>, vector<16xi32>,
      %mul3A_120 = arith.constant 3 : i32
      %mul3A_121 = vector.broadcast %mul3A_120 : i32 to vector<16xi32>
      %mul3A_122 = arith.muli %get3A_119, %mul3A_121 : vector<16xi32>
      %add3A_123 = arith.constant 1 : i32
      %add3A_124 = vector.broadcast %add3A_123 : i32 to vector<16xi32>
      %add3A_125 = arith.addi %mul3A_122, %add3A_124 : vector<16xi32>
      %mul3A_126 = arith.constant 16 : i32
      %mul3A_127 = arith.muli %add3A_46, %mul3A_126 : i32
      %swap3A_128 = arith.index_cast %mul3A_127 : i32 to index
      %swap3A_129 = tpu.vector_load %arg10[%swap3A_128] {strides = array<i32>} : memref<2048xi32, #tpu.memory_space<vmem>>, vector<16xi32>,
      tpu.vector_store %arg10[%swap3A_128], %add3A_125 {strides = array<i32>} : memref<2048xi32, #tpu.memory_space<vmem>>, vector<16xi32>,
      %add3A_130 = arith.constant 256 : i32
      %add3A_131 = arith.addi %add3A_83, %add3A_130 : i32
      %get3A_132 = arith.index_cast %add3A_131 : i32 to index
      %get3A_133 = tpu.vector_load %arg6[%get3A_132] {strides = array<i32>} : memref<16384xf32, #tpu.memory_space<vmem>>, vector<16xf32>,
      %mul3A_134 = arith.constant 16 : i32
      %mul3A_135 = arith.muli %add3A_46, %mul3A_134 : i32
      %add3A_136 = arith.constant 4096 : i32
      %add3A_137 = arith.addi %add3A_136, %mul3A_135 : i32
      %swap3A_138 = arith.index_cast %add3A_137 : i32 to index
      %swap3A_139 = tpu.vector_load %arg7[%swap3A_138] {strides = array<i32>} : memref<6144xf32, #tpu.memory_space<vmem>>, vector<16xf32>,
      tpu.vector_store %arg7[%swap3A_138], %get3A_133 {strides = array<i32>} : memref<6144xf32, #tpu.memory_space<vmem>>, vector<16xf32>,
      %mul3A_140 = arith.constant 16 : i32
      %mul3A_141 = arith.muli %add3A_46, %mul3A_140 : i32
      %get3A_142 = arith.index_cast %mul3A_141 : i32 to index
      %get3A_143 = tpu.vector_load %arg8[%get3A_142] {strides = array<i32>} : memref<2048xi32, #tpu.memory_space<vmem>>, vector<16xi32>,
      %mul3A_144 = arith.constant 3 : i32
      %mul3A_145 = vector.broadcast %mul3A_144 : i32 to vector<16xi32>
      %mul3A_146 = arith.muli %get3A_143, %mul3A_145 : vector<16xi32>
      %add3A_147 = arith.constant 2 : i32
      %add3A_148 = vector.broadcast %add3A_147 : i32 to vector<16xi32>
      %add3A_149 = arith.addi %mul3A_146, %add3A_148 : vector<16xi32>
      %mul3A_150 = arith.constant 16 : i32
      %mul3A_151 = arith.muli %add3A_46, %mul3A_150 : i32
      %swap3A_152 = arith.index_cast %mul3A_151 : i32 to index
      %swap3A_153 = tpu.vector_load %arg11[%swap3A_152] {strides = array<i32>} : memref<2048xi32, #tpu.memory_space<vmem>>, vector<16xi32>,
      tpu.vector_store %arg11[%swap3A_152], %add3A_149 {strides = array<i32>} : memref<2048xi32, #tpu.memory_space<vmem>>, vector<16xi32>,
    }
    %scan3A_12 = arith.constant 128 : i32
    %eq3A = arith.constant 0 : i32
    %eq3A_13 = arith.cmpi eq, %arg1, %eq3A : i32
    %convert_element_type3A = arith.extui %eq3A_13 : i1 to i32
    %cond3A = arith.constant 0 : i32
    %cond3A_14 = arith.cmpi ne, %convert_element_type3A, %cond3A : i32
    scf.if %cond3A_14 {
      "tpu.region"() ({
        %run_scoped3A = tpu.sem_alloc : memref<!tpu.dma_semaphore, #tpu.memory_space<semaphore_mem>>
        tpu.enqueue_dma source(%arg4 : memref<12288xf32, #tpu.memory_space<hbm>>) target(%arg12 : memref<12288xf32, #tpu.memory_space<vmem_shared>>) target_semaphore(%run_scoped3A : memref<!tpu.dma_semaphore, #tpu.memory_space<semaphore_mem>>)
        tpu.wait_dma2 semaphore(%run_scoped3A : memref<!tpu.dma_semaphore, #tpu.memory_space<semaphore_mem>>) src(%arg4 : memref<12288xf32, #tpu.memory_space<hbm>>) dst(%arg12 : memref<12288xf32, #tpu.memory_space<vmem_shared>>)
        tpu.yield
      }) : () -> ()
    } else {
    }
    %barrier3A = arith.constant 0 : index
    tpu.barrier barrier_id(%barrier3A)
    %dma_start3A = arith.constant 0 : i32
    %dma_start3A_15 = tpu.memref_slice %arg7[%dma_start3A] : memref<6144xf32, #tpu.memory_space<vmem>> -> memref<2048xf32, #tpu.memory_space<vmem>>
    %dma_start3A_16 = arith.constant 0 : i32
    %dma_start3A_17 = tpu.memref_slice %arg12[%dma_start3A_16] : memref<12288xf32, #tpu.memory_space<vmem_shared>> -> memref<12288xf32, #tpu.memory_space<vmem_shared>>
    tpu.enqueue_indirect_dma source(%dma_start3A_15 : memref<2048xf32, #tpu.memory_space<vmem>>) target(%dma_start3A_17 : memref<12288xf32, #tpu.memory_space<vmem_shared>>) offsets(%arg9 : memref<2048xi32, #tpu.memory_space<vmem>>) semaphore(%arg13 : memref<!tpu.dma_semaphore, #tpu.memory_space<semaphore_mem>>) {add = true}
    %dma_start3A_18 = arith.constant 2048 : i32
    %dma_start3A_19 = tpu.memref_slice %arg7[%dma_start3A_18] : memref<6144xf32, #tpu.memory_space<vmem>> -> memref<2048xf32, #tpu.memory_space<vmem>>
    %dma_start3A_20 = arith.constant 0 : i32
    %dma_start3A_21 = tpu.memref_slice %arg12[%dma_start3A_20] : memref<12288xf32, #tpu.memory_space<vmem_shared>> -> memref<12288xf32, #tpu.memory_space<vmem_shared>>
    tpu.enqueue_indirect_dma source(%dma_start3A_19 : memref<2048xf32, #tpu.memory_space<vmem>>) target(%dma_start3A_21 : memref<12288xf32, #tpu.memory_space<vmem_shared>>) offsets(%arg10 : memref<2048xi32, #tpu.memory_space<vmem>>) semaphore(%arg13 : memref<!tpu.dma_semaphore, #tpu.memory_space<semaphore_mem>>) {add = true}
    %dma_start3A_22 = arith.constant 4096 : i32
    %dma_start3A_23 = tpu.memref_slice %arg7[%dma_start3A_22] : memref<6144xf32, #tpu.memory_space<vmem>> -> memref<2048xf32, #tpu.memory_space<vmem>>
    %dma_start3A_24 = arith.constant 0 : i32
    %dma_start3A_25 = tpu.memref_slice %arg12[%dma_start3A_24] : memref<12288xf32, #tpu.memory_space<vmem_shared>> -> memref<12288xf32, #tpu.memory_space<vmem_shared>>
    tpu.enqueue_indirect_dma source(%dma_start3A_23 : memref<2048xf32, #tpu.memory_space<vmem>>) target(%dma_start3A_25 : memref<12288xf32, #tpu.memory_space<vmem_shared>>) offsets(%arg11 : memref<2048xi32, #tpu.memory_space<vmem>>) semaphore(%arg13 : memref<!tpu.dma_semaphore, #tpu.memory_space<semaphore_mem>>) {add = true}
    %dma_wait3A = arith.constant 0 : i32
    %dma_wait3A_26 = tpu.memref_slice %arg7[%dma_wait3A] : memref<6144xf32, #tpu.memory_space<vmem>> -> memref<2048xf32, #tpu.memory_space<vmem>>
    %dma_wait3A_27 = arith.constant 0 : i32
    %dma_wait3A_28 = tpu.memref_slice %arg12[%dma_wait3A_27] : memref<12288xf32, #tpu.memory_space<vmem_shared>> -> memref<12288xf32, #tpu.memory_space<vmem_shared>>
    tpu.wait_indirect_dma semaphore(%arg13 : memref<!tpu.dma_semaphore, #tpu.memory_space<semaphore_mem>>) src(%dma_wait3A_26 : memref<2048xf32, #tpu.memory_space<vmem>>) dst(%dma_wait3A_28 : memref<12288xf32, #tpu.memory_space<vmem_shared>>)
    %dma_wait3A_29 = arith.constant 2048 : i32
    %dma_wait3A_30 = tpu.memref_slice %arg7[%dma_wait3A_29] : memref<6144xf32, #tpu.memory_space<vmem>> -> memref<2048xf32, #tpu.memory_space<vmem>>
    %dma_wait3A_31 = arith.constant 0 : i32
    %dma_wait3A_32 = tpu.memref_slice %arg12[%dma_wait3A_31] : memref<12288xf32, #tpu.memory_space<vmem_shared>> -> memref<12288xf32, #tpu.memory_space<vmem_shared>>
    tpu.wait_indirect_dma semaphore(%arg13 : memref<!tpu.dma_semaphore, #tpu.memory_space<semaphore_mem>>) src(%dma_wait3A_30 : memref<2048xf32, #tpu.memory_space<vmem>>) dst(%dma_wait3A_32 : memref<12288xf32, #tpu.memory_space<vmem_shared>>)
    %dma_wait3A_33 = arith.constant 4096 : i32
    %dma_wait3A_34 = tpu.memref_slice %arg7[%dma_wait3A_33] : memref<6144xf32, #tpu.memory_space<vmem>> -> memref<2048xf32, #tpu.memory_space<vmem>>
    %dma_wait3A_35 = arith.constant 0 : i32
    %dma_wait3A_36 = tpu.memref_slice %arg12[%dma_wait3A_35] : memref<12288xf32, #tpu.memory_space<vmem_shared>> -> memref<12288xf32, #tpu.memory_space<vmem_shared>>
    tpu.wait_indirect_dma semaphore(%arg13 : memref<!tpu.dma_semaphore, #tpu.memory_space<semaphore_mem>>) src(%dma_wait3A_34 : memref<2048xf32, #tpu.memory_space<vmem>>) dst(%dma_wait3A_36 : memref<12288xf32, #tpu.memory_space<vmem_shared>>)
    %barrier3A_37 = arith.constant 0 : index
    tpu.barrier barrier_id(%barrier3A_37)
    %lt3A = arith.constant 12 : i32
    %lt3A_38 = arith.cmpi slt, %arg1, %lt3A : i32
    %convert_element_type3A_39 = arith.extui %lt3A_38 : i1 to i32
    %cond3A_40 = arith.constant 0 : i32
    %cond3A_41 = arith.cmpi ne, %convert_element_type3A_39, %cond3A_40 : i32
    scf.if %cond3A_41 {
      %mul3A_42 = arith.constant 1024 : i32
      %mul3A_43 = arith.muli %arg1, %mul3A_42 : i32
      %mul3A_44 = arith.constant 12288 : i32
      %mul3A_45 = arith.muli %arg0, %mul3A_44 : i32
      %mul3A_46 = arith.constant 1024 : i32
      %mul3A_47 = arith.muli %arg1, %mul3A_46 : i32
      %add3A_48 = arith.addi %mul3A_45, %mul3A_47 : i32
      "tpu.region"() ({
        %run_scoped3A = tpu.sem_alloc : memref<!tpu.dma_semaphore, #tpu.memory_space<semaphore_mem>>
        %dma_start3A_49 = tpu.memref_slice %arg5[%add3A_48] : memref<24576xf32, #tpu.memory_space<hbm>> -> memref<1024xf32, #tpu.memory_space<hbm>>
        %dma_start3A_50 = tpu.memref_slice %arg12[%mul3A_43] : memref<12288xf32, #tpu.memory_space<vmem_shared>> -> memref<1024xf32, #tpu.memory_space<vmem_shared>>
        tpu.enqueue_dma source(%dma_start3A_50 : memref<1024xf32, #tpu.memory_space<vmem_shared>>) target(%dma_start3A_49 : memref<1024xf32, #tpu.memory_space<hbm>>) target_semaphore(%run_scoped3A : memref<!tpu.dma_semaphore, #tpu.memory_space<semaphore_mem>>)
        %dma_wait3A_51 = tpu.memref_slice %arg5[%add3A_48] : memref<24576xf32, #tpu.memory_space<hbm>> -> memref<1024xf32, #tpu.memory_space<hbm>>
        %dma_wait3A_52 = tpu.memref_slice %arg12[%mul3A_43] : memref<12288xf32, #tpu.memory_space<vmem_shared>> -> memref<1024xf32, #tpu.memory_space<vmem_shared>>
        tpu.wait_dma2 semaphore(%run_scoped3A : memref<!tpu.dma_semaphore, #tpu.memory_space<semaphore_mem>>) src(%dma_wait3A_52 : memref<1024xf32, #tpu.memory_space<vmem_shared>>) dst(%dma_wait3A_51 : memref<1024xf32, #tpu.memory_space<hbm>>)
        tpu.yield
      }) : () -> ()
    } else {
    }
    return
  }
}

module attributes {stable_mosaic.version = 14 : i64} {
  func.func @_mlp_body(%arg0: i32, %arg1: memref<1xf32, #tpu.memory_space<smem>>, %arg2: memref<16x8192xf32, #tpu.memory_space<vmem>>, %arg3: memref<128x12xf32, #tpu.memory_space<vmem>>, %arg4: memref<128x1xf32, #tpu.memory_space<vmem>>, %arg5: memref<3x128xf32, #tpu.memory_space<vmem>>, %arg6: memref<3x1xf32, #tpu.memory_space<vmem>>, %arg7: memref<8x8192xf32, #tpu.memory_space<vmem>>) attributes {dimension_semantics = [#tpu.dimension_semantics<arbitrary>], iteration_bounds = array<i64: 8>, scalar_prefetch = 0 : i64, scratch_operands = 0 : i64, tpu.core_type = #tpu.core_type<tc>, window_params = [{transform_indices = @transform_0, window_bounds = array<i64: 1>}, {transform_indices = @transform_1, window_bounds = array<i64: 16, 8192>}, {pipeline_mode = #tpu.pipeline_mode<synchronous>, transform_indices = @transform_2, window_bounds = array<i64: 128, 12>}, {pipeline_mode = #tpu.pipeline_mode<synchronous>, transform_indices = @transform_3, window_bounds = array<i64: 128, 1>}, {pipeline_mode = #tpu.pipeline_mode<synchronous>, transform_indices = @transform_4, window_bounds = array<i64: 3, 128>}, {pipeline_mode = #tpu.pipeline_mode<synchronous>, transform_indices = @transform_5, window_bounds = array<i64: 3, 1>}, {transform_indices = @transform_6, window_bounds = array<i64: 8, 8192>}]} {
    %get3A = arith.constant 0 : index
    %get3A_0 = arith.constant 0 : index
    %get3A_1 = vector.load %arg2[%get3A, %get3A_0] : memref<16x8192xf32, #tpu.memory_space<vmem>>, vector<16x8192xf32>
    %slice3A = vector.extract_strided_slice %get3A_1 {offsets = [0, 0], sizes = [1, 8192], strides = [1, 1]} : vector<16x8192xf32> to vector<1x8192xf32>
    %slice3A_2 = vector.extract_strided_slice %get3A_1 {offsets = [0, 0], sizes = [1, 8192], strides = [1, 1]} : vector<16x8192xf32> to vector<1x8192xf32>
    %mul3A = arith.mulf %slice3A, %slice3A_2 : vector<1x8192xf32>
    %slice3A_3 = vector.extract_strided_slice %get3A_1 {offsets = [1, 0], sizes = [1, 8192], strides = [1, 1]} : vector<16x8192xf32> to vector<1x8192xf32>
    %slice3A_4 = vector.extract_strided_slice %get3A_1 {offsets = [1, 0], sizes = [1, 8192], strides = [1, 1]} : vector<16x8192xf32> to vector<1x8192xf32>
    %mul3A_5 = arith.mulf %slice3A_3, %slice3A_4 : vector<1x8192xf32>
    %add3A = arith.addf %mul3A, %mul3A_5 : vector<1x8192xf32>
    %slice3A_6 = vector.extract_strided_slice %get3A_1 {offsets = [2, 0], sizes = [1, 8192], strides = [1, 1]} : vector<16x8192xf32> to vector<1x8192xf32>
    %slice3A_7 = vector.extract_strided_slice %get3A_1 {offsets = [2, 0], sizes = [1, 8192], strides = [1, 1]} : vector<16x8192xf32> to vector<1x8192xf32>
    %mul3A_8 = arith.mulf %slice3A_6, %slice3A_7 : vector<1x8192xf32>
    %add3A_9 = arith.addf %add3A, %mul3A_8 : vector<1x8192xf32>
    %sqrt3A = math.sqrt %add3A_9 : vector<1x8192xf32>
    %max3A = arith.constant 9.99999993E-9 : f32
    %max3A_10 = vector.broadcast %max3A : f32 to vector<1x8192xf32>
    %max3A_11 = arith.maximumf %sqrt3A, %max3A_10 : vector<1x8192xf32>
    %get3A_12 = arith.constant 0 : index
    %get3A_13 = memref.load %arg1[%get3A_12] : memref<1xf32, #tpu.memory_space<smem>>
    %sub3A = vector.broadcast %get3A_13 : f32 to vector<1x8192xf32>
    %sub3A_14 = arith.subf %max3A_11, %sub3A : vector<1x8192xf32>
    %mul3A_15 = arith.mulf %sub3A_14, %sub3A_14 : vector<1x8192xf32>
    %mul3A_16 = arith.mulf %mul3A_15, %mul3A_15 : vector<1x8192xf32>
    %slice3A_17 = vector.extract_strided_slice %get3A_1 {offsets = [0, 0], sizes = [9, 8192], strides = [1, 1]} : vector<16x8192xf32> to vector<9x8192xf32>
    %concatenate3A = tpu.concatenate %slice3A_17, %max3A_11, %mul3A_15, %mul3A_16 in 0 : vector<9x8192xf32>, vector<1x8192xf32>, vector<1x8192xf32>, vector<1x8192xf32> -> vector<12x8192xf32>
    %get3A_18 = arith.constant 0 : index
    %get3A_19 = arith.constant 0 : index
    %get3A_20 = vector.load %arg3[%get3A_18, %get3A_19] : memref<128x12xf32, #tpu.memory_space<vmem>>, vector<128x12xf32>
    %dot_general3A = arith.constant dense<0.000000e+00> : vector<128x8192xf32>
    %dot_general3A_21 = tpu.matmul %get3A_20, %concatenate3A, %dot_general3A {dimension_numbers = #tpu.dot_dimension_numbers<[1], [0], [0], [1], [0, 0, 1, 1], [], []>, transpose_lhs_hint = false} : vector<128x12xf32>, vector<12x8192xf32>, vector<128x8192xf32> -> vector<128x8192xf32>
    %get3A_22 = arith.constant 0 : index
    %get3A_23 = arith.constant 0 : index
    %get3A_24 = vector.load %arg4[%get3A_22, %get3A_23] : memref<128x1xf32, #tpu.memory_space<vmem>>, vector<128x1xf32>
    %add3A_25 = vector.broadcast %get3A_24 : vector<128x1xf32> to vector<128x8192xf32>
    %add3A_26 = arith.addf %dot_general3A_21, %add3A_25 : vector<128x8192xf32>
    %tanh3A = math.tanh %add3A_26 : vector<128x8192xf32>
    %get3A_27 = arith.constant 0 : index
    %get3A_28 = arith.constant 0 : index
    %get3A_29 = vector.load %arg5[%get3A_27, %get3A_28] : memref<3x128xf32, #tpu.memory_space<vmem>>, vector<3x128xf32>
    %dot_general3A_30 = arith.constant dense<0.000000e+00> : vector<3x8192xf32>
    %dot_general3A_31 = tpu.matmul %get3A_29, %tanh3A, %dot_general3A_30 {dimension_numbers = #tpu.dot_dimension_numbers<[1], [0], [0], [1], [0, 0, 1, 1], [], []>, transpose_lhs_hint = false} : vector<3x128xf32>, vector<128x8192xf32>, vector<3x8192xf32> -> vector<3x8192xf32>
    %get3A_32 = arith.constant 0 : index
    %get3A_33 = arith.constant 0 : index
    %get3A_34 = vector.load %arg6[%get3A_32, %get3A_33] : memref<3x1xf32, #tpu.memory_space<vmem>>, vector<3x1xf32>
    %add3A_35 = vector.broadcast %get3A_34 : vector<3x1xf32> to vector<3x8192xf32>
    %add3A_36 = arith.addf %dot_general3A_31, %add3A_35 : vector<3x8192xf32>
    %broadcast_in_dim3A = arith.constant 0.000000e+00 : f32
    %broadcast_in_dim3A_37 = vector.broadcast %broadcast_in_dim3A : f32 to vector<5x8192xf32>
    %concatenate3A_38 = tpu.concatenate %add3A_36, %broadcast_in_dim3A_37 in 0 : vector<3x8192xf32>, vector<5x8192xf32> -> vector<8x8192xf32>
    %swap3A = arith.constant 0 : index
    %swap3A_39 = arith.constant 0 : index
    %swap3A_40 = vector.load %arg7[%swap3A, %swap3A_39] : memref<8x8192xf32, #tpu.memory_space<vmem>>, vector<8x8192xf32>
    tpu.vector_store %arg7[%swap3A, %swap3A_39], %concatenate3A_38 {strides = array<i32>} : memref<8x8192xf32, #tpu.memory_space<vmem>>, vector<8x8192xf32>,
    return
  }
  func.func @transform_0(%arg0: i32) -> i32 {
    %c0_i32 = arith.constant 0 : i32
    %c0_i32_0 = arith.constant 0 : i32
    return %c0_i32 : i32
  }
  func.func @transform_1(%arg0: i32) -> (i32, i32) {
    %c0_i32 = arith.constant 0 : i32
    %c0_i32_0 = arith.constant 0 : i32
    return %c0_i32, %arg0 : i32, i32
  }
  func.func @transform_2(%arg0: i32) -> (i32, i32) {
    %c0_i32 = arith.constant 0 : i32
    %c0_i32_0 = arith.constant 0 : i32
    %c0_i32_1 = arith.constant 0 : i32
    return %c0_i32, %c0_i32_0 : i32, i32
  }
  func.func @transform_3(%arg0: i32) -> (i32, i32) {
    %c0_i32 = arith.constant 0 : i32
    %c0_i32_0 = arith.constant 0 : i32
    %c0_i32_1 = arith.constant 0 : i32
    return %c0_i32, %c0_i32_0 : i32, i32
  }
  func.func @transform_4(%arg0: i32) -> (i32, i32) {
    %c0_i32 = arith.constant 0 : i32
    %c0_i32_0 = arith.constant 0 : i32
    %c0_i32_1 = arith.constant 0 : i32
    return %c0_i32, %c0_i32_0 : i32, i32
  }
  func.func @transform_5(%arg0: i32) -> (i32, i32) {
    %c0_i32 = arith.constant 0 : i32
    %c0_i32_0 = arith.constant 0 : i32
    %c0_i32_1 = arith.constant 0 : i32
    return %c0_i32, %c0_i32_0 : i32, i32
  }
  func.func @transform_6(%arg0: i32) -> (i32, i32) {
    %c0_i32 = arith.constant 0 : i32
    %c0_i32_0 = arith.constant 0 : i32
    return %c0_i32, %arg0 : i32, i32
  }
}

</mosaic_0001>

<sc_bundles>
// kernel: kernel.11.cloned.1.call-start
scs
__scs_entry_jumppad:
0x0: {  	(pc) =	sbr.rel $0x88, $3  }
0x1: {  	(tag) =	ssettag $0x0;
	lr =	simm.s32 $0x1  }
0x2: {  	[smem:$0x3F96] =	sst lr;
	_ =	strace $0xD0000000  }
0x3: {  	_ = 	snop  }
0x4: {  	_ = 	snop  }
0x5: {  	_ = 	snop  }
0x6: {  	_ = 	snop  }
0x7: {  	_ = 	snop  }
__scs_overlays_trampoline_lowered:
0x8: {  	[smem:$0x3FA5] =	sst s0  }
0x9: {  	[smem:$0x3FA6] =	sst s1  }
0xa: {  	[smem:$0x3FA7] =	sst s2  }
0xb: {  	[smem:$0x3FA8] =	sst s3  }
0xc: {  	[smem:$0x3FA9] =	sst s4  }
0xd: {  	[smem:$0x3FAA] =	sst s5  }
0xe: {  	[smem:$0x3FAB] =	sst s6  }
0xf: {  	[smem:$0x3FAC] =	sst s7  }
0x10: {  	[smem:$0x3FAD] =	sst s8  }
0x11: {  	[smem:$0x3FAE] =	sst s9;
	s0 =	simm.s32 @!p0 $0x0  }
0x12: {  	s1 =	sld [smem:$0x3F94];
	s0 =	simm.s32 @p0 $0x1  }
0x13: {  	[smem:$0x3FAF] =	sst s0;
	s0 =	simm.s32 @!p1 $0x0  }
0x14: {  	s2 =	sld [smem:$0x3F93];
	s0 =	simm.s32 @p1 $0x1  }
0x15: {  	[smem:$0x3FB0] =	sst s0;
	s0 =	simm.s32 @!p2 $0x0  }
0x16: {  	s3 =	sld [smem:$0x3FDB];
	s0 =	simm.s32 @p2 $0x1  }
0x17: {  	s4 =	simm.s32 $0x1BF5;
	[smem:$0x3FB2] =	sst s0  }
0x18: {  	s0 =	sld [smem:$0x3F95];
	_ =	swait.ge [sflag:s4], $0x0  }
0x19: {  	s7 =	sld [smem:$0x3F96]  }
0x1a: {  	s8 =	sadd.s32 $0xFFFFE003, lr  }
0x1b: {  	s9 =	sadd.s32 $0xFFFFFEF7, lr;
	s5 =	simm.s32 $0xFFFFFFFF;
	p2 =	slt.u32 s8, $0xFFFFF086  }
0x1c: {  	p1 =	slt.u32 s9, $0xF7A;
	s5 =	simm.s32 @!p2 $0x0  }
0x1d: {  	s5 =	simm.s32 @p1 $0x1;
	p0 =	seq.s32 s7, s2  }
0x1e: {  	s7 =	smul.u32 @!p0 $0xF7A, s2;
	p2 =	seq.s32 @!p0 s5, $0x0  }
0x1f: {  	s9 =	smul.u32 $0xF7A, s1;
	s8 =	simm.s32 @!p0 $0x1BF5;
	p2 =	por !p2, p0  }
0x20: {  	[sflag:s8] =	ssyncset.s32 @!p0 $0xFFFFF086;
	s6 =	sadd.s32 @!p0 s3, s7;
	s7 =	simm.s32 @!p0 $0x108  }
0x21: {  	s3 =	sadd.s32 s3, s9;
	s6 =	sadd.s32 @!p0 $0x88, s6;
	s7 =	simm.s32 @p2 $0x1082  }
0x22: {  	[simem:s7], [sflag:s8] =	dma.local @!p0 [hbm:s6], $0xF7A  }
0x23: {  	s9 =	sor.u32 $0xD0000000, s2;
	s6 =	simm.s32 $0x108;
	_ =	swait.ge @!p0 [sflag:s8], $0x0  }
0x24: {  	s3 =	sadd.s32 $0x88, s3;
	s6 =	simm.s32 @!p1 $0x1082;
	[sflag:s4] =	ssyncset.s32 $0xFFFFF086  }
0x25: {  	[simem:s6], [sflag:s4] =	dma.local [hbm:s3], $0xF7A  }
0x26: {  	[smem:$0x3F96] =	sst s1;
	(tag) =	ssettag s2;
	_ =	strace s9  }
0x27: {  	s1 =	sld [smem:$0x3FA6]  }
0x28: {  	s2 =	sld [smem:$0x3FA7]  }
0x29: {  	s4 =	sld [smem:$0x3FA9]  }
0x2a: {  	p0 =	seq.s32 s5, $0x0;
	s5 =	sld [smem:$0x3FAA]  }
0x2b: {  	s6 =	sld [smem:$0x3FAB]  }
0x2c: {  	s7 =	sld [smem:$0x3FAC]  }
0x2d: {  	s3 =	simm.s32 $0x108;
	s8 =	sld [smem:$0x3FAD]  }
0x2e: {  	s3 =	simm.s32 @!p0 $0x1082;
	s9 =	sld [smem:$0x3FAE]  }
0x2f: {  	lr =	sadd.s32 s0, s3;
	s0 =	sld [smem:$0x3FA5]  }
0x30: {  	s3 =	sld [smem:$0x3FA8]  }
0x31: {  	[smem:$0x3FB1] =	sst s10  }
0x32: {  	s10 =	sld [smem:$0x3FAF];
	_ =	sdelay $0x3  }
0x33: {  	p0 =	seq.s32 s10, $0x1;
	s10 =	sld [smem:$0x3FB1];
	_ =	sdelay $0x3  }
0x34: {  	[smem:$0x3FB1] =	sst s10  }
0x35: {  	s10 =	sld [smem:$0x3FB0];
	_ =	sdelay $0x3  }
0x36: {  	p1 =	seq.s32 s10, $0x1;
	s10 =	sld [smem:$0x3FB1];
	_ =	sdelay $0x3  }
0x37: {  	[smem:$0x3FB1] =	sst s10  }
0x38: {  	s10 =	sld [smem:$0x3FB2]  }
0x39: {  	_ = 	snop;
	(pc) =	sbr.ind lr, $3  }
0x3a: {  	_ = 	snop  }
0x3b: {  	_ = 	snop  }
0x3c: {  	p2 =	seq.s32 s10, $0x1;
	s10 =	sld [smem:$0x3FB1]  }
0x3d: {  	_ =	shalt  }
0x3e: {  	_ =	shalt  }
0x3f: {  	_ =	shalt  }
0x40: {  	_ =	shalt  }
0x41: {  	_ =	shalt  }
0x42: {  	_ =	shalt  }
0x43: {  	_ =	shalt  }
0x44: {  	_ =	shalt  }
0x45: {  	_ =	shalt  }
0x46: {  	_ =	shalt  }
0x47: {  	_ =	shalt  }
0x48: {  	_ =	shalt  }
0x49: {  	_ =	shalt  }
0x4a: {  	_ =	shalt  }
0x4b: {  	_ =	shalt  }
0x4c: {  	_ =	shalt  }
0x4d: {  	_ =	shalt  }
0x4e: {  	_ =	shalt  }
0x4f: {  	_ =	shalt  }
0x50: {  	_ =	shalt  }
0x51: {  	_ =	shalt  }
0x52: {  	_ =	shalt  }
0x53: {  	_ =	shalt  }
0x54: {  	_ =	shalt  }
0x55: {  	_ =	shalt  }
0x56: {  	_ =	shalt  }
0x57: {  	_ =	shalt  }
0x58: {  	_ =	shalt  }
0x59: {  	_ =	shalt  }
0x5a: {  	_ =	shalt  }
0x5b: {  	_ =	shalt  }
0x5c: {  	_ =	shalt  }
0x5d: {  	_ =	shalt  }
0x5e: {  	_ =	shalt  }
0x5f: {  	_ =	shalt  }
0x60: {  	_ =	shalt  }
0x61: {  	_ =	shalt  }
0x62: {  	_ =	shalt  }
0x63: {  	_ =	shalt  }
0x64: {  	_ =	shalt  }
0x65: {  	_ =	shalt  }
0x66: {  	_ =	shalt  }
0x67: {  	_ =	shalt  }
0x68: {  	_ =	shalt  }
0x69: {  	_ =	shalt  }
0x6a: {  	_ =	shalt  }
0x6b: {  	_ =	shalt  }
0x6c: {  	_ =	shalt  }
0x6d: {  	_ =	shalt  }
0x6e: {  	_ =	shalt  }
0x6f: {  	_ =	shalt  }
0x70: {  	_ =	shalt  }
0x71: {  	_ =	shalt  }
0x72: {  	_ =	shalt  }
0x73: {  	_ =	shalt  }
0x74: {  	_ =	shalt  }
0x75: {  	_ =	shalt  }
0x76: {  	_ =	shalt  }
0x77: {  	_ =	shalt  }
0x78: {  	_ =	shalt  }
0x79: {  	_ =	shalt  }
0x7a: {  	_ =	shalt  }
0x7b: {  	_ =	shalt  }
0x7c: {  	_ =	shalt  }
0x7d: {  	_ =	shalt  }
0x7e: {  	_ =	shalt  }
0x7f: {  	_ =	shalt  }
0x80: {  	_ =	shalt  }
0x81: {  	_ =	shalt  }
0x82: {  	_ =	shalt  }
0x83: {  	_ =	shalt  }
0x84: {  	_ =	shalt  }
0x85: {  	_ =	shalt  }
0x86: {  	_ =	shalt  }
0x87: {  	_ =	shalt  }
.Lfunc_end0:
.L_simem_size_0:
called_computation.1_lowered:
.L_overlay_start_0:
0x88: {  	s2 =	sld [smem:$0x3FD9]  }
0x89: {  	s3 =	sld [smem:$0x3FFE];
	_ =	sdelay $0x1  }
0x8a: {  	s1 =	srdreg.scid  }
0x8b: {  	s0 =	sand.u32 $0x1, s1  }
0x8c: {  	s17 =	sshll.u32 s0, $0xA;
	s2 =	sadd.s32 s3, s2  }
0x8d: {  	s2 =	sadd.s32 s2, s17  }
0x8e: {  	[smem:$0x3FBD] =	sst s2  }
0x8f: {  	_ = 	snop  }
0x90: {  	s18 =	sld [smem:$0x3FC8];
	(tm) =	ssettm $0x1  }
0x91: {  	s19 =	sld [smem:$0x3FFB];
	_ =	sdelay $0x3  }
0x92: {  	_ =	strace s19  }
0x93: {  	s2 =	sld [smem:$0x3FFC];
	_ =	sdelay $0x3  }
0x94: {  	_ =	strace s2  }
0x95: {  	s2 =	sld [smem:$0x3FFD];
	_ =	sdelay $0x3  }
0x96: {  	_ =	strace s2  }
0x97: {  	_ =	strace $0x8FFFFFFF  }
0x98: {  	s20 =	sld [smem:$0x3FDB];
	_ =	sdelay $0x1  }
0x99: {  	s4 =	simm.s32 $_scs_section_size  }
0x9a: {  	s5 =	simm.s32 $_size__tile_overlayer_lowered;
	s6 =	simm.s32 $_tile_overlayer_lowered  }
0x9b: {  	s7 =	simm.s32 $0x1BFF;
	s21 =	sshll.u32 s6, $0x1;
	s4 =	sadd.s32 s4, s20  }
0x9c: {  	s22 =	simm.s32 $0x0;
	s5 =	sshll.u32 s5, $0x1;
	s6 =	sadd.s32 s21, s4  }
0x9d: {  	[timem:s22], [sflag:s7] =	dma.local [hbm:s6], s5  }
0x9e: {  	_ =	swait.ge [sflag:s7], s5  }
0x9f: {  	s5 =	ssub.s32 $0x0, s5;
	[sflag:s7] =	ssyncset.done $0x0  }
0xa0: {  	[sflag:s7] =	ssyncadd.s32 s5;
	_ =	sdelay $0x1  }
0xa1: {  	s23 =	simm.s32 $0x1B8B  }
0xa2: {  	_ =	swait.ge [sflag:s23], $0x1  }
0xa3: {  	[sflag:s23] =	ssyncset.done $0x0  }
0xa4: {  	[sflag:s23] =	ssyncadd.s32 $0xFFFFFFFF  }
0xa5: {  	s5 =	sld [smem:$0x0]  }
0xa6: {  	s6 =	sand.u32 $0xFFFFFFFE, s1  }
0xa7: {  	p0 =	sne.s32 s1, s6  }
0xa8: {  	s6 =	sshll.u32 @p0 s6, $0xE  }
0xa9: {  	s6 =	sadd.s32 @p0 $0x11B8D, s6;
	s7 =	sshll.u32 @p0 s5, $0x11  }
0xaa: {  	s6 =	sor.u32 @p0 s7, s6  }
0xab: {  	[sflag:s6] =	ssyncadd.remote.s32 @p0 $0x1;
	_ =	sdelay $0x1  }
0xac: {  	s6 =	simm.s32 @p0 $0x1B8D  }
0xad: {  	_ =	swait.eq @p0 [sflag:s6], $0x1  }
0xae: {  	[sflag:s6] =	ssyncadd.s32 @p0 $0xFFFFFFFF  }
0xaf: {  	s7 =	sshll.u32 @!p0 s1, $0xE  }
0xb0: {  	s7 =	sor.u32 @!p0 $0x4000, s7;
	s6 =	simm.s32 @!p0 $0x1B8D  }
0xb1: {  	s5 =	sshll.u32 @!p0 s5, $0x11;
	s7 =	sadd.s32 @!p0 $0x11B8D, s7;
	_ =	swait.eq @!p0 [sflag:s6], $0x1  }
0xb2: {  	s5 =	sor.u32 @!p0 s5, s7;
	[sflag:s6] =	ssyncadd.s32 @!p0 $0xFFFFFFFF  }
0xb3: {  	s25 =	simm.s32 $0x1B8E;
	s24 =	sld [smem:$0x3FFE];
	[sflag:s5] =	ssyncadd.remote.s32 @!p0 $0x1  }
0xb4: {  	s26 =	simm.s32 $execute0_lowered;
	[smem:$0x3FD2] =	sst s25  }
0xb5: {  	s6 =	sshll.u32 s26, $0x1;
	_ =	strace $0x8000004F;
	[dreg:$0x1] =	wrdreg $0xFFFFFFFF  }
0xb6: {  	s28 =	simm.s32 $_size_execute0_lowered;
	s4 =	sadd.s32 s4, s6;
	[dreg:$0x0] =	wrdreg $0x0  }
0xb7: {  	s6 =	sshll.u32 s28, $0x1;
	[dreg:$0x2] =	wrdreg s4  }
0xb8: {  	[dreg:$0x3] =	wrdreg s6  }
0xb9: {  	[dreg:$0x4] =	wrdreg $0xC0  }
0xba: {  	_ =	task [dreg:s22], $0x5FFFF  }
0xbb: {  	[dreg:$0x1] =	wrdreg $0xFFFFFFFF  }
0xbc: {  	[dreg:$0x0] =	wrdreg $0x60  }
0xbd: {  	[dreg:$0x2] =	wrdreg s24  }
0xbe: {  	[dreg:$0x3] =	wrdreg s18  }
0xbf: {  	[dreg:$0x4] =	wrdreg $0x78000  }
0xc0: {  	[dreg:$0x5] =	wrdreg $0x9  }
0xc1: {  	_ =	task.clear_ibuf [dreg:s22], $0x6FFFF;
	_ =	strace $0x9000004F  }
0xc2: {  	s29 =	simm.s32 $0x9;
	_ =	strace $0x80000051  }
0xc3: {  	_ =	swait.ge [sflag:s29], $0x1  }
0xc4: {  	[sflag:s29] =	ssyncadd.s32 $0xFFFFFFFF  }
0xc5: {  	_ =	strace $0x90000051  }
0xc6: {  	_ =	sfence  }
0xc7: {  	s30 =	sld [smem:$0x0];
	_ =	sdelay $0x2  }
0xc8: {  	s31 =	sshll.u32 s1, $0xD;
	s1 =	sshrl.u32 s1, $0x2  }
0xc9: {  	s4 =	sand.u32 $0x4000, s31;
	s1 =	sadd.s32 s1, s30  }
0xca: {  	s0 =	sor.u32 s4, s0;
	s1 =	sshll.u32 s1, $0x11  }
0xcb: {  	s0 =	sor.u32 s1, s0  }
0xcc: {  	s0 =	sadd.s32 $0x8F2B, s0  }
0xcd: {  	[sflag:s0] =	ssyncadd.remote.s32 $0x1  }
0xce: {  	_ =	sfence.sel $0xFFFF  }
0xcf: {  	[dreg:$0x0] =	wrdreg $0xFFFFFFFF;
	(pc) =	sbr.abs _section_cstart, $3  }
0xd0: {  	[dreg:$0x1] =	wrdreg $0xFFFFFFFF  }
0xd1: {  	_ =	task.clear_ibuf [dreg:s22], $0x2FFFF;
	_ =	strace $0x9FFFFFFF  }
0xd2: {  	(tm) =	ssettm $0x7FFFFFFF  }
0xd3: {  	_ =	shalt  }
tec
execute0_lowered:
.L_overlay_start_1:
0x0: {  	(tag) =	ssettag $0x1  }
0x1: {  	s5 =	rddreg [dreg:$0x0]  }
0x2: {  	s6 =	rddreg [dreg:$0x1]  }
0x3: {  	s1 =	rddreg [dreg:$0x2]  }
0x4: {  	s0 =	rddreg [dreg:$0x3]  }
0x5: {  	s4 =	srdreg.scid;
	s2 =	stileid.u32  }
0x6: {  	s3 =	simm.s32 $0x0;
	s13 =	simm.s32 $0x6800;
	s14 =	simm.s32 $0x4800  }
0x7: {  	s15 =	simm.s32 $0x7000;
	s16 =	simm.s32 $0x5000;
	s17 =	simm.s32 $0x1  }
0x8: {  	s19 =	simm.s32 $0x0;
	s4 =	sand.u32 $0x1, s4;
	s7 =	sshll.u32 s2, $0x1  }
0x9: {  	[smem:$0x7FF] =	sst s3;
	s10 =	sshll.u32 s2, $0xA;
	p0 =	sne.s32 s2, $0x0  }
0xa: {  	p1 =	sgt.u32 s2, $0xB;
	s7 =	sor.u32 s4, s7;
	s8 =	smul.u32 $0x3000, s4  }
0xb: {  	_ =	strace $0x80000050;
	s11 =	ssub.s32 $0x2, s4;
	s4 =	sadd.s32 $0x12000, s5  }
0xc: {  	s18 =	sadd.s32 s10, s1;
	s9 =	sshll.u32 s7, $0xB;
	s12 =	sshrl.u32 s11, $0x1  }
0xd: {  	s7 =	sshll.u32 s7, $0x8;
	s18 =	sshrl.u32 @!p1 s18, $0x3;
	s9 =	sadd.s32 s9, s5  }
0xe: {  	s8 =	sadd.s32 s10, s8;
	s11 =	ssub.s32 s11, s12;
	s6 =	sadd.s32 s6, s7  }
0xf: {  	s10 =	simm.s32 $0x800;
	s12 =	simm.s32 $0x4000;
	s8 =	sshrl.u32 s8, $0x3  }
0x10: {  	s8 =	sadd.s32 s8, s5;
	s5 =	sadd.s32 $0x13200, s9;
	s9 =	simm.s32 $0x2  }
0x11: {  	s7 =	sadd.s32 $0x23200, s8;
	s8 =	smax.u32 s11, $0x1;
	s11 =	simm.s32 $0x6000  }
.LBB2_1:
0x12: {  	[tilespmem:s3], [sflag:$0x2] =	stream.linear.gather [hbm4b:s5+s3], $0x4000, $0x38;
	[tilespmem:$0x7B00] =	vst v63  }
0x13: {  	_ =	swait.ge [sflag:s9], $0x4000  }
0x14: {  	[sflag:s9] =	ssyncset.done $0x0  }
0x15: {  	s20 =	simm.s32 $0x5800;
	[sflag:s9] =	ssyncadd.s32 $0xFFFFC000  }
0x16: {  	[tilespmem:s20], [sflag:$0x2] =	stream.linear.gather [hbm4b:s6+s3], $0x800, $0x38;
	[tilespmem:$0x7B00] =	vst v63  }
0x17: {  	_ =	swait.ge [sflag:s9], $0x800  }
0x18: {  	s21 =	sand.u32 $0x3C00, s3;
	s22 =	sand.u32 $0x70, s3;
	[sflag:s9] =	ssyncset.done $0x0  }
0x19: {  	s21 =	sor.u32 s22, s21;
	[sflag:s9] =	ssyncadd.s32 $0xFFFFF800  }
0x1a: {  	v0 =	vld [tilespmem:s21+$0x0];
	_ =	sdelay $0x4  }
0x1b: {  	[tilespmem:s12+$0x0] =	vst v0  }
0x1c: {  	v0 =	vld [tilespmem:s20+$0x0];
	_ =	sdelay $0x4  }
0x1d: {  	v0 =	vmul.u32 $0x3, v0;
	_ =	sdelay $0x1  }
0x1e: {  	[tilespmem:s11+$0x0] =	vst v0  }
0x1f: {  	v0 =	vld [tilespmem:s21+$0x80];
	_ =	sdelay $0x3  }
0x20: {  	s28 =	sand.u32 $0x7F0, s3  }
0x21: {  	[tilespmem:s28+$0x4800] =	vst v0  }
0x22: {  	v0 =	vld [tilespmem:s20+$0x0];
	_ =	sdelay $0x4  }
0x23: {  	v0 =	vmul.u32 $0x3, v0;
	_ =	sdelay $0x1  }
0x24: {  	v0 =	vadd.s32 $0x1, v0  }
0x25: {  	[tilespmem:s13+$0x0] =	vst v0  }
0x26: {  	v0 =	vld [tilespmem:s21+$0x100];
	_ =	sdelay $0x4  }
0x27: {  	[tilespmem:s28+$0x5000] =	vst v0  }
0x28: {  	v0 =	vld [tilespmem:s20+$0x0];
	_ =	sdelay $0x3  }
0x29: {  	s29 =	simm.s32 $0x20  }
0x2a: {  	s25 =	simm.s32 $0x4010;
	s26 =	simm.s32 $0x80;
	s24 =	simm.s32 $0x6010;
	v0 =	vmul.u32 $0x3, v0  }
0x2b: {  	s23 =	simm.s32 $0x6810;
	s30 =	sand.u32 $0x3C00, s26;
	s21 =	simm.s32 $0x10  }
0x2c: {  	s22 =	simm.s32 $0x7000;
	s31 =	sand.u32 $0x70, s21;
	s20 =	simm.s32 $0x5810;
	v0 =	vadd.s32 $0x2, v0  }
.LBB2_2:
0x2d: {  	s30 =	sor.u32 s31, s30  }
0x2e: {  	[tilespmem:s22+$0x0] =	vst v0;
	s22 =	sadd.s32 $0x10, s22;
	s31 =	smov.u32 s29;
	s28 =	sadd.s32 $0x10, s29  }
0x2f: {  	p2 =	sne.s32 s29, $0x7F0;
	v0 =	vld [tilespmem:s30+$0x0];
	_ =	sdelay $0x4  }
0x30: {  	[tilespmem:s25+$0x0] =	vst v0  }
0x31: {  	v0 =	vld [tilespmem:s20+$0x0];
	_ =	sdelay $0x4  }
0x32: {  	v0 =	vmul.u32 $0x3, v0;
	_ =	sdelay $0x1  }
0x33: {  	[tilespmem:s24+$0x0] =	vst v0  }
0x34: {  	v0 =	vld [tilespmem:s30+$0x80];
	_ =	sdelay $0x3  }
0x35: {  	s29 =	sand.u32 $0x7F0, s21;
	s21 =	smov.u32 s31  }
0x36: {  	[tilespmem:s29+$0x4800] =	vst v0  }
0x37: {  	v0 =	vld [tilespmem:s20+$0x0];
	_ =	sdelay $0x4  }
0x38: {  	v0 =	vmul.u32 $0x3, v0;
	_ =	sdelay $0x1  }
0x39: {  	v0 =	vadd.s32 $0x1, v0  }
0x3a: {  	[tilespmem:s23+$0x0] =	vst v0  }
0x3b: {  	v0 =	vld [tilespmem:s30+$0x100];
	_ =	sdelay $0x4  }
0x3c: {  	[tilespmem:s29+$0x5000] =	vst v0  }
0x3d: {  	v0 =	vld [tilespmem:s20+$0x0];
	_ =	sdelay $0x2  }
.Ltmp0:
0x3e: {  	(pc) =	sbr.rel @p2 .LBB2_2-.Ltmp0, $4  }
0x3f: {  	_ = 	snop  }
0x40: {  	s26 =	sadd.s32 $0x80, s26;
	s25 =	sadd.s32 $0x10, s25;
	v0 =	vmul.u32 $0x3, v0  }
0x41: {  	s31 =	sand.u32 $0x70, s21;
	s24 =	sadd.s32 $0x10, s24;
	s20 =	sadd.s32 $0x10, s20  }
0x42: {  	s23 =	sadd.s32 $0x10, s23;
	s30 =	sand.u32 $0x3C00, s26;
	s29 =	smov.u32 s28;
	v0 =	vadd.s32 $0x2, v0  }
0x43: {  	s26 =	sor.u32 s31, s30;
	[tilespmem:s22+$0x0] =	vst v0  }
0x44: {  	v0 =	vld [tilespmem:s26+$0x0];
	_ =	sdelay $0x4  }
0x45: {  	[tilespmem:s25+$0x0] =	vst v0  }
0x46: {  	v0 =	vld [tilespmem:s20+$0x0];
	_ =	sdelay $0x4  }
0x47: {  	v0 =	vmul.u32 $0x3, v0;
	_ =	sdelay $0x1  }
0x48: {  	[tilespmem:s24+$0x0] =	vst v0  }
0x49: {  	v0 =	vld [tilespmem:s26+$0x80];
	_ =	sdelay $0x3  }
0x4a: {  	s21 =	sand.u32 $0x7F0, s21  }
0x4b: {  	[tilespmem:s21+$0x4800] =	vst v0  }
0x4c: {  	v0 =	vld [tilespmem:s20+$0x0];
	_ =	sdelay $0x4  }
0x4d: {  	v0 =	vmul.u32 $0x3, v0;
	_ =	sdelay $0x1  }
0x4e: {  	v0 =	vadd.s32 $0x1, v0  }
0x4f: {  	[tilespmem:s23+$0x0] =	vst v0  }
0x50: {  	v0 =	vld [tilespmem:s26+$0x100];
	_ =	sdelay $0x4  }
0x51: {  	[tilespmem:s21+$0x5000] =	vst v0  }
0x52: {  	v0 =	vld [tilespmem:s20+$0x0];
	_ =	sdelay $0x4  }
0x53: {  	v0 =	vmul.u32 $0x3, v0;
	_ =	sdelay $0x1  }
0x54: {  	s31 =	sadd.s32 $0x10, s22;
	v0 =	vadd.s32 $0x2, v0  }
0x55: {  	s21 =	simm.s32 @!p0 $0x1C02;
	s20 =	sshrl.u32 @!p0 s1, $0x3;
	[tilespmem:s31+$0x0] =	vst v0  }
0x56: {  	[spmem:s20], [sflag:s21] =	dma.local @!p0 [hbm:s4], $0x600  }
0x57: {  	s20 =	simm.s32 @!p0 $0x2  }
0x58: {  	_ =	swait.ge @!p0 [sflag:s20], $0x600  }
0x59: {  	[sflag:s20] =	ssyncset.done @!p0 $0x0  }
0x5a: {  	[sflag:s20] =	ssyncadd.s32 @!p0 $0xFFFFFA00  }
0x5b: {  	[bflag:$0x0] =	sbarrier.arrive $0xFFFF  }
0x5c: {  	[spmem:s1] =	stream.indirect.scatter.add.f32 [tilespmem:s12], [sflag:$0x1], $0x1, s11, s10, $0xb8;
	[tilespmem:$0x7B00] =	vst v63  }
0x5d: {  	_ = 	snop  }
0x5e: {  	[spmem:s1] =	stream.indirect.scatter.add.f32 [tilespmem:s14], [sflag:$0x1], $0x1, s13, s10, $0xb8;
	[tilespmem:$0x7B00] =	vst v63  }
0x5f: {  	_ = 	snop  }
0x60: {  	[spmem:s1] =	stream.indirect.scatter.add.f32 [tilespmem:s16], [sflag:$0x1], $0x1, s15, s10, $0xb8;
	[tilespmem:$0x7B00] =	vst v63  }
0x61: {  	_ =	swait.ge [sflag:s17], $0x800  }
0x62: {  	[sflag:s17] =	ssyncset.done $0x0  }
0x63: {  	[sflag:s17] =	ssyncadd.s32 $0xFFFFF800  }
0x64: {  	_ =	swait.ge [sflag:s17], $0x800  }
0x65: {  	[sflag:s17] =	ssyncset.done $0x0  }
0x66: {  	[sflag:s17] =	ssyncadd.s32 $0xFFFFF800  }
0x67: {  	_ =	swait.ge [sflag:s17], $0x800  }
0x68: {  	[sflag:s17] =	ssyncset.done $0x0  }
0x69: {  	s19 =	sadd.s32 $0x1, s19;
	s20 =	sshll.u32 @!p1 s2, $0x6;
	[sflag:s17] =	ssyncadd.s32 $0xFFFFF800  }
0x6a: {  	p2 =	sne.s32 s19, s8;
	s20 =	sor.u32 @!p1 $0x1C02, s20;
	[bflag:$0x0] =	sbarrier.arrive $0xFFFF  }
0x6b: {  	[hbm:s7], [sflag:s20] =	dma.local @!p1 [spmem:s18], $0x80  }
.Ltmp1:
0x6c: {  	_ = 	snop;
	(pc) =	sbr.rel @p2 .LBB2_1-.Ltmp1, $4  }
0x6d: {  	s20 =	simm.s32 @!p1 $0x2  }
0x6e: {  	_ =	swait.ge @!p1 [sflag:s20], $0x80  }
0x6f: {  	[sflag:s20] =	ssyncset.done @!p1 $0x0  }
0x70: {  	[sflag:s20] =	ssyncadd.s32 @!p1 $0xFFFFFF80  }
0x71: {  	_ =	sfence.sel $0x180000  }
0x72: {  	[bflag:$0x0] =	sbarrier.arrive $0xFFFF  }
0x73: {  	_ =	strace $0x90000050  }
0x74: {  	s0 =	sadd.s32 @!p0 $0x100000, s0;
	[bflag:$0x2] =	sbarrier.arrive $0xFFFF  }
0x75: {  	[sflag:s0] =	ssyncadd.tile.s32 @!p0 $0x1;
	_ =	shalt  }
.Lfunc_end2:
_tile_overlayer_lowered:
.L_overlay_start_2:
0x76: {  	(tag) =	ssettag $0x2  }
0x77: {  	s0 =	rddreg [dreg:$0x0];
	s2 =	stileid.u32  }
0x78: {  	s1 =	rddreg [dreg:$0x1];
	p0 =	sne.s32 s2, $0x0  }
0x79: {  	s3 =	rddreg [dreg:$0x2];
	[bflag:$0x3] =	sbarrier.arrive $0xFFFF;
	s2 =	simm.s32 @!p0 $0x1C02  }
0x7a: {  	[timem:s3], [sflag:s2] =	dma.local @!p0 [hbm:s0], s1  }
0x7b: {  	s0 =	simm.s32 @!p0 $0x2  }
0x7c: {  	_ =	swait.ge @!p0 [sflag:s0], s1  }
0x7d: {  	s1 =	ssub.s32 @!p0 $0x0, s1;
	[sflag:s0] =	ssyncset.done @!p0 $0x0  }
0x7e: {  	[sflag:s0] =	ssyncadd.s32 @!p0 s1  }
0x7f: {  	[bflag:$0x3] =	sbarrier.arrive $0xFFFF  }
0x80: {  	_ =	shalt  }

// kernel: kernel.14.cloned.1.call-start
scs
__scs_entry_jumppad:
0x0: {  	(pc) =	sbr.rel $0x88, $3  }
0x1: {  	(tag) =	ssettag $0x0;
	lr =	simm.s32 $0x1  }
0x2: {  	[smem:$0x3F96] =	sst lr;
	_ =	strace $0xD0000000  }
0x3: {  	_ = 	snop  }
0x4: {  	_ = 	snop  }
0x5: {  	_ = 	snop  }
0x6: {  	_ = 	snop  }
0x7: {  	_ = 	snop  }
__scs_overlays_trampoline_lowered:
0x8: {  	[smem:$0x3FA5] =	sst s0  }
0x9: {  	[smem:$0x3FA6] =	sst s1  }
0xa: {  	[smem:$0x3FA7] =	sst s2  }
0xb: {  	[smem:$0x3FA8] =	sst s3  }
0xc: {  	[smem:$0x3FA9] =	sst s4  }
0xd: {  	[smem:$0x3FAA] =	sst s5  }
0xe: {  	[smem:$0x3FAB] =	sst s6  }
0xf: {  	[smem:$0x3FAC] =	sst s7  }
0x10: {  	[smem:$0x3FAD] =	sst s8  }
0x11: {  	[smem:$0x3FAE] =	sst s9;
	s0 =	simm.s32 @!p0 $0x0  }
0x12: {  	s1 =	sld [smem:$0x3F94];
	s0 =	simm.s32 @p0 $0x1  }
0x13: {  	[smem:$0x3FAF] =	sst s0;
	s0 =	simm.s32 @!p1 $0x0  }
0x14: {  	s2 =	sld [smem:$0x3F93];
	s0 =	simm.s32 @p1 $0x1  }
0x15: {  	[smem:$0x3FB0] =	sst s0;
	s0 =	simm.s32 @!p2 $0x0  }
0x16: {  	s3 =	sld [smem:$0x3FDB];
	s0 =	simm.s32 @p2 $0x1  }
0x17: {  	s4 =	simm.s32 $0x1BF5;
	[smem:$0x3FB2] =	sst s0  }
0x18: {  	s0 =	sld [smem:$0x3F95];
	_ =	swait.ge [sflag:s4], $0x0  }
0x19: {  	s7 =	sld [smem:$0x3F96]  }
0x1a: {  	s8 =	sadd.s32 $0xFFFFE003, lr  }
0x1b: {  	s9 =	sadd.s32 $0xFFFFFEF7, lr;
	s5 =	simm.s32 $0xFFFFFFFF;
	p2 =	slt.u32 s8, $0xFFFFF086  }
0x1c: {  	p1 =	slt.u32 s9, $0xF7A;
	s5 =	simm.s32 @!p2 $0x0  }
0x1d: {  	s5 =	simm.s32 @p1 $0x1;
	p0 =	seq.s32 s7, s2  }
0x1e: {  	s7 =	smul.u32 @!p0 $0xF7A, s2;
	p2 =	seq.s32 @!p0 s5, $0x0  }
0x1f: {  	s9 =	smul.u32 $0xF7A, s1;
	s8 =	simm.s32 @!p0 $0x1BF5;
	p2 =	por !p2, p0  }
0x20: {  	[sflag:s8] =	ssyncset.s32 @!p0 $0xFFFFF086;
	s6 =	sadd.s32 @!p0 s3, s7;
	s7 =	simm.s32 @!p0 $0x108  }
0x21: {  	s3 =	sadd.s32 s3, s9;
	s6 =	sadd.s32 @!p0 $0x88, s6;
	s7 =	simm.s32 @p2 $0x1082  }
0x22: {  	[simem:s7], [sflag:s8] =	dma.local @!p0 [hbm:s6], $0xF7A  }
0x23: {  	s9 =	sor.u32 $0xD0000000, s2;
	s6 =	simm.s32 $0x108;
	_ =	swait.ge @!p0 [sflag:s8], $0x0  }
0x24: {  	s3 =	sadd.s32 $0x88, s3;
	s6 =	simm.s32 @!p1 $0x1082;
	[sflag:s4] =	ssyncset.s32 $0xFFFFF086  }
0x25: {  	[simem:s6], [sflag:s4] =	dma.local [hbm:s3], $0xF7A  }
0x26: {  	[smem:$0x3F96] =	sst s1;
	(tag) =	ssettag s2;
	_ =	strace s9  }
0x27: {  	s1 =	sld [smem:$0x3FA6]  }
0x28: {  	s2 =	sld [smem:$0x3FA7]  }
0x29: {  	s4 =	sld [smem:$0x3FA9]  }
0x2a: {  	p0 =	seq.s32 s5, $0x0;
	s5 =	sld [smem:$0x3FAA]  }
0x2b: {  	s6 =	sld [smem:$0x3FAB]  }
0x2c: {  	s7 =	sld [smem:$0x3FAC]  }
0x2d: {  	s3 =	simm.s32 $0x108;
	s8 =	sld [smem:$0x3FAD]  }
0x2e: {  	s3 =	simm.s32 @!p0 $0x1082;
	s9 =	sld [smem:$0x3FAE]  }
0x2f: {  	lr =	sadd.s32 s0, s3;
	s0 =	sld [smem:$0x3FA5]  }
0x30: {  	s3 =	sld [smem:$0x3FA8]  }
0x31: {  	[smem:$0x3FB1] =	sst s10  }
0x32: {  	s10 =	sld [smem:$0x3FAF];
	_ =	sdelay $0x3  }
0x33: {  	p0 =	seq.s32 s10, $0x1;
	s10 =	sld [smem:$0x3FB1];
	_ =	sdelay $0x3  }
0x34: {  	[smem:$0x3FB1] =	sst s10  }
0x35: {  	s10 =	sld [smem:$0x3FB0];
	_ =	sdelay $0x3  }
0x36: {  	p1 =	seq.s32 s10, $0x1;
	s10 =	sld [smem:$0x3FB1];
	_ =	sdelay $0x3  }
0x37: {  	[smem:$0x3FB1] =	sst s10  }
0x38: {  	s10 =	sld [smem:$0x3FB2]  }
0x39: {  	_ = 	snop;
	(pc) =	sbr.ind lr, $3  }
0x3a: {  	_ = 	snop  }
0x3b: {  	_ = 	snop  }
0x3c: {  	p2 =	seq.s32 s10, $0x1;
	s10 =	sld [smem:$0x3FB1]  }
0x3d: {  	_ =	shalt  }
0x3e: {  	_ =	shalt  }
0x3f: {  	_ =	shalt  }
0x40: {  	_ =	shalt  }
0x41: {  	_ =	shalt  }
0x42: {  	_ =	shalt  }
0x43: {  	_ =	shalt  }
0x44: {  	_ =	shalt  }
0x45: {  	_ =	shalt  }
0x46: {  	_ =	shalt  }
0x47: {  	_ =	shalt  }
0x48: {  	_ =	shalt  }
0x49: {  	_ =	shalt  }
0x4a: {  	_ =	shalt  }
0x4b: {  	_ =	shalt  }
0x4c: {  	_ =	shalt  }
0x4d: {  	_ =	shalt  }
0x4e: {  	_ =	shalt  }
0x4f: {  	_ =	shalt  }
0x50: {  	_ =	shalt  }
0x51: {  	_ =	shalt  }
0x52: {  	_ =	shalt  }
0x53: {  	_ =	shalt  }
0x54: {  	_ =	shalt  }
0x55: {  	_ =	shalt  }
0x56: {  	_ =	shalt  }
0x57: {  	_ =	shalt  }
0x58: {  	_ =	shalt  }
0x59: {  	_ =	shalt  }
0x5a: {  	_ =	shalt  }
0x5b: {  	_ =	shalt  }
0x5c: {  	_ =	shalt  }
0x5d: {  	_ =	shalt  }
0x5e: {  	_ =	shalt  }
0x5f: {  	_ =	shalt  }
0x60: {  	_ =	shalt  }
0x61: {  	_ =	shalt  }
0x62: {  	_ =	shalt  }
0x63: {  	_ =	shalt  }
0x64: {  	_ =	shalt  }
0x65: {  	_ =	shalt  }
0x66: {  	_ =	shalt  }
0x67: {  	_ =	shalt  }
0x68: {  	_ =	shalt  }
0x69: {  	_ =	shalt  }
0x6a: {  	_ =	shalt  }
0x6b: {  	_ =	shalt  }
0x6c: {  	_ =	shalt  }
0x6d: {  	_ =	shalt  }
0x6e: {  	_ =	shalt  }
0x6f: {  	_ =	shalt  }
0x70: {  	_ =	shalt  }
0x71: {  	_ =	shalt  }
0x72: {  	_ =	shalt  }
0x73: {  	_ =	shalt  }
0x74: {  	_ =	shalt  }
0x75: {  	_ =	shalt  }
0x76: {  	_ =	shalt  }
0x77: {  	_ =	shalt  }
0x78: {  	_ =	shalt  }
0x79: {  	_ =	shalt  }
0x7a: {  	_ =	shalt  }
0x7b: {  	_ =	shalt  }
0x7c: {  	_ =	shalt  }
0x7d: {  	_ =	shalt  }
0x7e: {  	_ =	shalt  }
0x7f: {  	_ =	shalt  }
0x80: {  	_ =	shalt  }
0x81: {  	_ =	shalt  }
0x82: {  	_ =	shalt  }
0x83: {  	_ =	shalt  }
0x84: {  	_ =	shalt  }
0x85: {  	_ =	shalt  }
0x86: {  	_ =	shalt  }
0x87: {  	_ =	shalt  }
.Lfunc_end0:
.L_simem_size_0:
called_computation.2_lowered:
.L_overlay_start_0:
0x88: {  	s2 =	sld [smem:$0x3FD9]  }
0x89: {  	s3 =	sld [smem:$0x3FFE];
	_ =	sdelay $0x1  }
0x8a: {  	s1 =	srdreg.scid  }
0x8b: {  	s0 =	sand.u32 $0x1, s1  }
0x8c: {  	s17 =	sshll.u32 s0, $0xA;
	s2 =	sadd.s32 s3, s2  }
0x8d: {  	s2 =	sadd.s32 s2, s17  }
0x8e: {  	[smem:$0x3FBD] =	sst s2  }
0x8f: {  	_ = 	snop  }
0x90: {  	s2 =	sld [smem:$0x3FC9]  }
0x91: {  	s18 =	sld [smem:$0x3FC8]  }
0x92: {  	s4 =	sld [smem:$0x3FC7]  }
0x93: {  	s5 =	sld [smem:$0x3FD0];
	(tm) =	ssettm $0x1  }
0x94: {  	s6 =	sld [smem:$0x3FFB];
	_ =	sdelay $0x3  }
0x95: {  	_ =	strace s6  }
0x96: {  	s6 =	sld [smem:$0x3FFC];
	_ =	sdelay $0x3  }
0x97: {  	_ =	strace s6  }
0x98: {  	s6 =	sld [smem:$0x3FFD];
	_ =	sdelay $0x3  }
0x99: {  	_ =	strace s6  }
0x9a: {  	_ =	strace $0x8FFFFFFF  }
0x9b: {  	s19 =	sld [smem:$0x3FDB];
	_ =	sdelay $0x1  }
0x9c: {  	s7 =	simm.s32 $_scs_section_size  }
0x9d: {  	s8 =	simm.s32 $_size__tile_overlayer_lowered;
	s9 =	simm.s32 $_tile_overlayer_lowered  }
0x9e: {  	s22 =	simm.s32 $0x1BFF;
	s21 =	sshll.u32 s9, $0x1;
	s6 =	sadd.s32 s7, s19  }
0x9f: {  	s10 =	simm.s32 $0x0;
	s20 =	sshll.u32 s8, $0x1;
	s8 =	sadd.s32 s21, s6  }
0xa0: {  	[timem:s10], [sflag:s22] =	dma.local [hbm:s8], s20  }
0xa1: {  	_ =	swait.ge [sflag:s22], s20  }
0xa2: {  	s7 =	ssub.s32 $0x0, s20;
	[sflag:s22] =	ssyncset.done $0x0  }
0xa3: {  	[sflag:s22] =	ssyncadd.s32 s7;
	_ =	sdelay $0x1  }
0xa4: {  	s23 =	simm.s32 $0x1B8B  }
0xa5: {  	_ =	swait.ge [sflag:s23], $0x1  }
0xa6: {  	[sflag:s23] =	ssyncset.done $0x0  }
0xa7: {  	s25 =	simm.s32 $0x1B8E;
	s24 =	sld [smem:$0x3FFE];
	[sflag:s23] =	ssyncadd.s32 $0xFFFFFFFF  }
0xa8: {  	s26 =	simm.s32 $execute0_lowered;
	[smem:$0x3FD2] =	sst s25  }
0xa9: {  	s8 =	sshll.u32 s26, $0x1;
	_ =	strace $0x80000046;
	[dreg:$0x1] =	wrdreg $0xFFFFFFFF  }
0xaa: {  	s28 =	simm.s32 $_size_execute0_lowered;
	s6 =	sadd.s32 s6, s8;
	[dreg:$0x0] =	wrdreg $0x0  }
0xab: {  	s8 =	sshll.u32 s28, $0x1;
	[dreg:$0x2] =	wrdreg s6  }
0xac: {  	[dreg:$0x3] =	wrdreg s8  }
0xad: {  	[dreg:$0x4] =	wrdreg $0xC0  }
0xae: {  	_ =	task [dreg:s10], $0x5FFFF  }
0xaf: {  	[dreg:$0x1] =	wrdreg $0xFFFFFFFF  }
0xb0: {  	[dreg:$0x0] =	wrdreg $0x60  }
0xb1: {  	[dreg:$0x2] =	wrdreg s2  }
0xb2: {  	[dreg:$0x3] =	wrdreg s5  }
0xb3: {  	[dreg:$0x4] =	wrdreg s18  }
0xb4: {  	[dreg:$0x5] =	wrdreg s4  }
0xb5: {  	[dreg:$0x6] =	wrdreg s24  }
0xb6: {  	[dreg:$0x7] =	wrdreg $0xA  }
0xb7: {  	_ =	task.clear_ibuf [dreg:s10], $0x8FFFF;
	_ =	strace $0x90000046  }
0xb8: {  	s29 =	simm.s32 $0xA;
	_ =	strace $0x80000048  }
0xb9: {  	_ =	swait.ge [sflag:s29], $0x1  }
0xba: {  	[sflag:s29] =	ssyncadd.s32 $0xFFFFFFFF  }
0xbb: {  	_ =	strace $0x90000048  }
0xbc: {  	_ =	sfence  }
0xbd: {  	s30 =	sld [smem:$0x0];
	_ =	sdelay $0x2  }
0xbe: {  	s31 =	sshll.u32 s1, $0xD;
	s1 =	sshrl.u32 s1, $0x2  }
0xbf: {  	s3 =	sand.u32 $0x4000, s31;
	s1 =	sadd.s32 s1, s30  }
0xc0: {  	s0 =	sor.u32 s3, s0;
	s1 =	sshll.u32 s1, $0x11  }
0xc1: {  	s0 =	sor.u32 s1, s0  }
0xc2: {  	s0 =	sadd.s32 $0x8F2B, s0  }
0xc3: {  	[sflag:s0] =	ssyncadd.remote.s32 $0x1  }
0xc4: {  	_ =	sfence.sel $0xFFFF  }
0xc5: {  	[dreg:$0x0] =	wrdreg $0xFFFFFFFF;
	(pc) =	sbr.abs _section_cstart, $3  }
0xc6: {  	[dreg:$0x1] =	wrdreg $0xFFFFFFFF  }
0xc7: {  	_ =	task.clear_ibuf [dreg:s10], $0x2FFFF;
	_ =	strace $0x9FFFFFFF  }
0xc8: {  	(tm) =	ssettm $0x7FFFFFFF  }
0xc9: {  	_ =	shalt  }
tec
execute0_lowered:
.L_overlay_start_1:
0x0: {  	(tag) =	ssettag $0x1  }
0x1: {  	s1 =	rddreg [dreg:$0x0]  }
0x2: {  	s0 =	rddreg [dreg:$0x2]  }
0x3: {  	s2 =	rddreg [dreg:$0x3]  }
0x4: {  	s3 =	rddreg [dreg:$0x4];
	s4 =	simm.s32 $0x0;
	s5 =	srdreg.scid  }
0x5: {  	s6 =	stileid.u32;
	s10 =	simm.s32 $0x2;
	s11 =	simm.s32 $0xC000  }
0x6: {  	s12 =	simm.s32 $0x200;
	s21 =	simm.s32 $0x1800;
	s28 =	simm.s32 $0x1E00  }
0x7: {  	s29 =	simm.s32 $0x3600;
	s30 =	simm.s32 $0x2000;
	s31 =	simm.s32 $0x3800  }
0x8: {  	s13 =	simm.s32 $0x3C00;
	s14 =	simm.s32 $0x2600;
	s15 =	simm.s32 $0x3E00  }
0x9: {  	s16 =	simm.s32 $0x1;
	s17 =	simm.s32 $0x4000;
	s18 =	simm.s32 $0x8000  }
0xa: {  	[smem:$0x7FF] =	sst s4;
	s5 =	sand.u32 $0x1, s5;
	s6 =	sshll.u32 s6, $0x1  }
0xb: {  	s19 =	simm.s32 $0x0;
	_ =	strace $0x80000047;
	s6 =	sor.u32 s5, s6  }
0xc: {  	s5 =	ssub.s32 $0x2, s5;
	s7 =	sshll.u32 s6, $0xB;
	s6 =	sshll.u32 s6, $0x8  }
0xd: {  	s8 =	sshrl.u32 s5, $0x1;
	s3 =	sadd.s32 s7, s3;
	s6 =	sor.u32 $0x2000, s6  }
0xe: {  	s9 =	ssub.s32 s5, s8;
	s5 =	sadd.s32 s0, s6;
	s6 =	sadd.s32 s2, s6  }
0xf: {  	s7 =	sadd.s32 $0x2000, s3;
	s8 =	sadd.s32 $0x12000, s3;
	s9 =	smax.u32 s9, $0x1  }
0x10: {  	s0 =	simm.s32 $0x2200;
	s3 =	simm.s32 $0x3A00;
	s2 =	simm.s32 $0x2400  }
.LBB2_1:
0x11: {  	[tilespmem:s4], [sflag:$0x2] =	stream.linear.gather [hbm4b:s5+s4], $0x800, $0x38;
	[tilespmem:$0xF000] =	vst v63  }
0x12: {  	_ =	swait.ge [sflag:s10], $0x800  }
0x13: {  	[sflag:s10] =	ssyncset.done $0x0  }
0x14: {  	s20 =	simm.s32 $0x800;
	[sflag:s10] =	ssyncadd.s32 $0xFFFFF800  }
0x15: {  	[tilespmem:s20], [sflag:$0x2] =	stream.linear.gather [hbm4b:s6+s4], $0x800, $0x38;
	[tilespmem:$0xF000] =	vst v63  }
0x16: {  	_ =	swait.ge [sflag:s10], $0x800  }
0x17: {  	[sflag:s10] =	ssyncset.done $0x0  }
0x18: {  	[sflag:s10] =	ssyncadd.s32 $0xFFFFF800  }
0x19: {  	s22 =	rddreg [dreg:$0x1]  }
0x1a: {  	[tilespmem:s11], [sflag:$0x2] =	stream.linear.gather [hbm4b:s22+s4], $0x3000, $0x38;
	[tilespmem:$0xF000] =	vst v63  }
0x1b: {  	_ =	swait.ge [sflag:s10], $0x3000  }
0x1c: {  	[sflag:s10] =	ssyncset.done $0x0  }
0x1d: {  	[sflag:s10] =	ssyncadd.s32 $0xFFFFD000  }
0x1e: {  	v0 =	vld [tilespmem:s20+$0x0]  }
0x1f: {  	v1 =	vld [tilespmem:s20+$0xFFFFF800];
	_ =	sdelay $0x4  }
0x20: {  	v2 =	vshll.u32 v1, $0xC;
	v3 =	vshll.u32 v0, $0x3  }
0x21: {  	v1 =	vshll.u32 v1, $0x7;
	v2 =	vand.u32 $0xFFFF8000, v2;
	v3 =	vand.u32 $0xFFFFFC00, v3  }
0x22: {  	v1 =	vand.u32 $0x380, v1;
	v2 =	vadd.s32 v2, v3  }
0x23: {  	v0 =	vand.u32 $0x7F, v0;
	v1 =	vor.u32 v1, v2  }
0x24: {  	v0 =	vor.u32 v0, v1  }
0x25: {  	[tilespmem:s21+$0xFFFFF800] =	vst v0;
	v1 =	vadd.s32 $0x1000000, v0  }
0x26: {  	s26 =	sand.u32 $0x7F0, s4;
	v0 =	vadd.s32 $0x2000000, v0;
	[tilespmem:s21+$0x0] =	vst v1  }
0x27: {  	s23 =	simm.s32 $0x810;
	[tilespmem:s26+$0x2000] =	vst v0  }
0x28: {  	v0 =	vld [tilespmem:s23+$0x0]  }
0x29: {  	v1 =	vld [tilespmem:s23+$0xFFFFF800]  }
0x2a: {  	s24 =	simm.s32 $0x20;
	s22 =	simm.s32 $0x1800;
	s20 =	simm.s32 $0x10  }
.LBB2_2:
0x2b: {  	p0 =	sne.s32 s24, $0x7F0;
	_ =	sdelay $0x2  }
0x2c: {  	v3 =	vshll.u32 v0, $0x3;
	v2 =	vshll.u32 v1, $0xC  }
0x2d: {  	v3 =	vand.u32 $0xFFFFFC00, v3;
	v1 =	vshll.u32 v1, $0x7;
	v2 =	vand.u32 $0xFFFF8000, v2  }
0x2e: {  	v1 =	vand.u32 $0x380, v1;
	v2 =	vadd.s32 v2, v3  }
0x2f: {  	v0 =	vand.u32 $0x7F, v0;
	v1 =	vor.u32 v1, v2  }
0x30: {  	s22 =	sadd.s32 $0x10, s22;
	v0 =	vor.u32 v0, v1  }
0x31: {  	[tilespmem:s22+$0xFFFFF800] =	vst v0;
	v1 =	vadd.s32 $0x1000000, v0;
	v0 =	vadd.s32 $0x2000000, v0  }
.Ltmp0:
0x32: {  	s25 =	sand.u32 $0x7F0, s20;
	s20 =	smov.u32 s24;
	[tilespmem:s22+$0x0] =	vst v1;
	(pc) =	sbr.rel @p0 .LBB2_2-.Ltmp0, $4  }
0x33: {  	s23 =	sadd.s32 $0x10, s23;
	[tilespmem:s25+$0x2000] =	vst v0  }
0x34: {  	v0 =	vld [tilespmem:s23+$0x0]  }
0x35: {  	v1 =	vld [tilespmem:s23+$0xFFFFF800]  }
0x36: {  	s24 =	sadd.s32 $0x10, s24  }
0x37: {  	_ =	sdelay $0x2  }
0x38: {  	v3 =	vshll.u32 v0, $0x3;
	v2 =	vshll.u32 v1, $0xC  }
0x39: {  	v3 =	vand.u32 $0xFFFFFC00, v3;
	v1 =	vshll.u32 v1, $0x7;
	v2 =	vand.u32 $0xFFFF8000, v2  }
0x3a: {  	v1 =	vand.u32 $0x380, v1;
	v2 =	vadd.s32 v2, v3  }
0x3b: {  	v0 =	vand.u32 $0x7F, v0;
	v1 =	vor.u32 v1, v2  }
0x3c: {  	s22 =	sadd.s32 $0x10, s22;
	v0 =	vor.u32 v0, v1  }
0x3d: {  	[tilespmem:s22+$0xFFFFF800] =	vst v0;
	v1 =	vadd.s32 $0x1000000, v0  }
0x3e: {  	s20 =	sand.u32 $0x7F0, s20;
	v0 =	vadd.s32 $0x2000000, v0;
	[tilespmem:s22+$0x0] =	vst v1  }
0x3f: {  	s23 =	simm.s32 $0x1000;
	s24 =	simm.s32 $0x2800;
	[tilespmem:s20+$0x2000] =	vst v0  }
0x40: {  	[tilespmem:s24], [sflag:$0x1] =	stream.indirect.gather [hbm4b:s1+s12], $0x1, s23, s12, $0xb8;
	[tilespmem:$0xF000] =	vst v63  }
0x41: {  	s25 =	simm.s32 $0x1200;
	s26 =	simm.s32 $0x2A00  }
0x42: {  	[tilespmem:s26], [sflag:$0x1] =	stream.indirect.gather [hbm4b:s1+s12], $0x1, s25, s12, $0xb8;
	[tilespmem:$0xF000] =	vst v63  }
0x43: {  	s22 =	simm.s32 $0x1400;
	s23 =	simm.s32 $0x2C00  }
0x44: {  	[tilespmem:s23], [sflag:$0x1] =	stream.indirect.gather [hbm4b:s1+s12], $0x1, s22, s12, $0xb8;
	[tilespmem:$0xF000] =	vst v63  }
0x45: {  	s24 =	simm.s32 $0x1600;
	s25 =	simm.s32 $0x2E00  }
0x46: {  	[tilespmem:s25], [sflag:$0x1] =	stream.indirect.gather [hbm4b:s1+s12], $0x1, s24, s12, $0xb8;
	[tilespmem:$0xF000] =	vst v63  }
0x47: {  	s26 =	simm.s32 $0x3000  }
0x48: {  	[tilespmem:s26], [sflag:$0x1] =	stream.indirect.gather [hbm4b:s1+s12], $0x1, s21, s12, $0xb8;
	[tilespmem:$0xF000] =	vst v63  }
0x49: {  	s22 =	simm.s32 $0x1A00;
	s23 =	simm.s32 $0x3200  }
0x4a: {  	[tilespmem:s23], [sflag:$0x1] =	stream.indirect.gather [hbm4b:s1+s12], $0x1, s22, s12, $0xb8;
	[tilespmem:$0xF000] =	vst v63  }
0x4b: {  	s24 =	simm.s32 $0x1C00;
	s25 =	simm.s32 $0x3400  }
0x4c: {  	[tilespmem:s25], [sflag:$0x1] =	stream.indirect.gather [hbm4b:s1+s12], $0x1, s24, s12, $0xb8;
	[tilespmem:$0xF000] =	vst v63  }
0x4d: {  	_ = 	snop  }
0x4e: {  	[tilespmem:s29], [sflag:$0x1] =	stream.indirect.gather [hbm4b:s1+s12], $0x1, s28, s12, $0xb8;
	[tilespmem:$0xF000] =	vst v63  }
0x4f: {  	_ = 	snop  }
0x50: {  	[tilespmem:s31], [sflag:$0x1] =	stream.indirect.gather [hbm4b:s1+s12], $0x1, s30, s12, $0xb8;
	[tilespmem:$0xF000] =	vst v63  }
0x51: {  	_ = 	snop  }
0x52: {  	[tilespmem:s3], [sflag:$0x1] =	stream.indirect.gather [hbm4b:s1+s12], $0x1, s0, s12, $0xb8;
	[tilespmem:$0xF000] =	vst v63  }
0x53: {  	_ = 	snop  }
0x54: {  	[tilespmem:s13], [sflag:$0x1] =	stream.indirect.gather [hbm4b:s1+s12], $0x1, s2, s12, $0xb8;
	[tilespmem:$0xF000] =	vst v63  }
0x55: {  	s20 =	simm.s32 $0x0  }
0x56: {  	[tilespmem:s15], [sflag:$0x1] =	stream.indirect.gather [hbm4b:s1+s12], $0x1, s14, s12, $0xb8;
	[tilespmem:$0xF000] =	vst v63  }
0x57: {  	v0 =	vld [tilespmem:s20+$0x0];
	_ =	sdelay $0x7  }
0x58: {  	v1 =	vld.idx.msk [tilespmem:v0+s11+$0x0], $0xffff  }
0x59: {  	v2 =	vadd.s32 $0x1000, v0;
	_ =	sdelay $0x1  }
0x5a: {  	s26 =	sand.u32 $0x3C00, s20;
	s23 =	sand.u32 $0x70, s20;
	s24 =	sand.u32 $0x7F0, s20  }
0x5b: {  	v3 =	vld [tilespmem:s24+$0x800];
	s24 =	sor.u32 s23, s26  }
0x5c: {  	[tilespmem:s24+$0x4180] =	vst v1  }
0x5d: {  	v1 =	vld.idx.msk [tilespmem:v2+s11+$0x0], $0xffff  }
0x5e: {  	v0 =	vadd.s32 $0x2000, v0;
	_ =	sdelay $0x3  }
0x5f: {  	[tilespmem:s24+$0x4200] =	vst v1  }
0x60: {  	v0 =	vld.idx.msk [tilespmem:v0+s11+$0x0], $0xffff;
	_ =	sdelay $0x4  }
0x61: {  	[tilespmem:s24+$0x4280] =	vst v0  }
0x62: {  	v0 =	vld.idx.msk [tilespmem:v3+s11+$0x0], $0xffff  }
0x63: {  	v1 =	vadd.s32 $0x1000, v3;
	_ =	sdelay $0x3  }
0x64: {  	[tilespmem:s24+$0x4300] =	vst v0  }
0x65: {  	v0 =	vld.idx.msk [tilespmem:v1+s11+$0x0], $0xffff  }
0x66: {  	v1 =	vadd.s32 $0x2000, v3;
	_ =	sdelay $0x3  }
0x67: {  	[tilespmem:s24+$0x4380] =	vst v0  }
0x68: {  	s22 =	simm.s32 $0x10;
	s23 =	simm.s32 $0x0;
	v0 =	vld.idx.msk [tilespmem:v1+s11+$0x0], $0xffff  }
.LBB2_4:
0x69: {  	_ =	sdelay $0x3  }
0x6a: {  	p0 =	sne.s32 s22, $0x7F0;
	s20 =	sadd.s32 $0x80, s20;
	s23 =	sadd.s32 $0x10, s23;
	[tilespmem:s24+$0x8000] =	vst v0  }
0x6b: {  	s24 =	smov.u32 s22;
	s22 =	sadd.s32 $0x10, s22;
	v0 =	vld [tilespmem:s23+$0x0];
	_ =	sdelay $0x7  }
0x6c: {  	v1 =	vld.idx.msk [tilespmem:v0+s11+$0x0], $0xffff;
	_ =	sdelay $0x1  }
0x6d: {  	v2 =	vadd.s32 $0x1000, v0;
	_ =	sdelay $0x1  }
0x6e: {  	s25 =	sand.u32 $0x3C00, s20;
	s26 =	sand.u32 $0x70, s24;
	s24 =	sand.u32 $0x7F0, s24  }
0x6f: {  	v3 =	vld [tilespmem:s24+$0x800];
	s24 =	sor.u32 s26, s25  }
0x70: {  	[tilespmem:s24+$0x4180] =	vst v1  }
0x71: {  	v1 =	vld.idx.msk [tilespmem:v2+s11+$0x0], $0xffff;
	_ =	sdelay $0x1  }
0x72: {  	v0 =	vadd.s32 $0x2000, v0;
	_ =	sdelay $0x3  }
0x73: {  	[tilespmem:s24+$0x4200] =	vst v1  }
0x74: {  	v0 =	vld.idx.msk [tilespmem:v0+s11+$0x0], $0xffff;
	_ =	sdelay $0x5  }
0x75: {  	[tilespmem:s24+$0x4280] =	vst v0  }
0x76: {  	v0 =	vld.idx.msk [tilespmem:v3+s11+$0x0], $0xffff;
	_ =	sdelay $0x1  }
0x77: {  	v1 =	vadd.s32 $0x1000, v3;
	_ =	sdelay $0x3  }
0x78: {  	[tilespmem:s24+$0x4300] =	vst v0  }
0x79: {  	v0 =	vld.idx.msk [tilespmem:v1+s11+$0x0], $0xffff;
	_ =	sdelay $0x1  }
0x7a: {  	v1 =	vadd.s32 $0x2000, v3  }
.Ltmp1:
0x7b: {  	(pc) =	sbr.rel @p0 .LBB2_4-.Ltmp1, $3  }
0x7c: {  	_ =	sdelay $0x1  }
0x7d: {  	[tilespmem:s24+$0x4380] =	vst v0  }
0x7e: {  	v0 =	vld.idx.msk [tilespmem:v1+s11+$0x0], $0xffff  }
0x7f: {  	_ =	sdelay $0x3  }
0x80: {  	[tilespmem:s24+$0x8000] =	vst v0  }
0x81: {  	_ =	swait.ge [sflag:s16], $0x200  }
0x82: {  	[sflag:s16] =	ssyncset.done $0x0  }
0x83: {  	[sflag:s16] =	ssyncadd.s32 $0xFFFFFE00  }
0x84: {  	_ =	swait.ge [sflag:s16], $0x200  }
0x85: {  	[sflag:s16] =	ssyncset.done $0x0  }
0x86: {  	[sflag:s16] =	ssyncadd.s32 $0xFFFFFE00  }
0x87: {  	_ =	swait.ge [sflag:s16], $0x200  }
0x88: {  	[sflag:s16] =	ssyncset.done $0x0  }
0x89: {  	[sflag:s16] =	ssyncadd.s32 $0xFFFFFE00  }
0x8a: {  	_ =	swait.ge [sflag:s16], $0x200  }
0x8b: {  	[sflag:s16] =	ssyncset.done $0x0  }
0x8c: {  	[sflag:s16] =	ssyncadd.s32 $0xFFFFFE00  }
0x8d: {  	_ =	swait.ge [sflag:s16], $0x200  }
0x8e: {  	[sflag:s16] =	ssyncset.done $0x0  }
0x8f: {  	[sflag:s16] =	ssyncadd.s32 $0xFFFFFE00  }
0x90: {  	_ =	swait.ge [sflag:s16], $0x200  }
0x91: {  	[sflag:s16] =	ssyncset.done $0x0  }
0x92: {  	[sflag:s16] =	ssyncadd.s32 $0xFFFFFE00  }
0x93: {  	_ =	swait.ge [sflag:s16], $0x200  }
0x94: {  	[sflag:s16] =	ssyncset.done $0x0  }
0x95: {  	[sflag:s16] =	ssyncadd.s32 $0xFFFFFE00  }
0x96: {  	_ =	swait.ge [sflag:s16], $0x200  }
0x97: {  	[sflag:s16] =	ssyncset.done $0x0  }
0x98: {  	[sflag:s16] =	ssyncadd.s32 $0xFFFFFE00  }
0x99: {  	_ =	swait.ge [sflag:s16], $0x200  }
0x9a: {  	[sflag:s16] =	ssyncset.done $0x0  }
0x9b: {  	[sflag:s16] =	ssyncadd.s32 $0xFFFFFE00  }
0x9c: {  	_ =	swait.ge [sflag:s16], $0x200  }
0x9d: {  	[sflag:s16] =	ssyncset.done $0x0  }
0x9e: {  	[sflag:s16] =	ssyncadd.s32 $0xFFFFFE00  }
0x9f: {  	_ =	swait.ge [sflag:s16], $0x200  }
0xa0: {  	[sflag:s16] =	ssyncset.done $0x0  }
0xa1: {  	[sflag:s16] =	ssyncadd.s32 $0xFFFFFE00  }
0xa2: {  	_ =	swait.ge [sflag:s16], $0x200  }
0xa3: {  	[sflag:s16] =	ssyncset.done $0x0  }
0xa4: {  	s20 =	simm.s32 $0x2800;
	[sflag:s16] =	ssyncadd.s32 $0xFFFFFE00  }
0xa5: {  	v0 =	vld [tilespmem:s20+$0x0];
	_ =	sdelay $0x1  }
0xa6: {  	s20 =	simm.s32 $0x0  }
0xa7: {  	s22 =	sand.u32 $0x3C00, s20;
	s23 =	sand.u32 $0x70, s20  }
0xa8: {  	s22 =	sor.u32 s23, s22  }
0xa9: {  	s26 =	sand.u32 $0x7F0, s20;
	[tilespmem:s22+$0x4000] =	vst v0  }
0xaa: {  	v0 =	vld [tilespmem:s26+$0x3000];
	_ =	sdelay $0x4  }
0xab: {  	[tilespmem:s22+$0x4080] =	vst v0  }
0xac: {  	v0 =	vld [tilespmem:s26+$0x3800];
	_ =	sdelay $0x4  }
0xad: {  	s23 =	simm.s32 $0x2810;
	[tilespmem:s22+$0x4100] =	vst v0  }
0xae: {  	s24 =	simm.s32 $0x20;
	s22 =	simm.s32 $0x10;
	v0 =	vld [tilespmem:s23+$0x0]  }
.LBB2_6:
0xaf: {  	p0 =	sne.s32 s24, $0x7F0  }
0xb0: {  	s20 =	sadd.s32 $0x80, s20  }
0xb1: {  	s26 =	sand.u32 $0x70, s22;
	s25 =	sand.u32 $0x3C00, s20  }
0xb2: {  	s25 =	sor.u32 s26, s25  }
0xb3: {  	s26 =	sand.u32 $0x7F0, s22;
	s22 =	smov.u32 s24;
	[tilespmem:s25+$0x4000] =	vst v0  }
0xb4: {  	v0 =	vld [tilespmem:s26+$0x3000];
	_ =	sdelay $0x4  }
0xb5: {  	[tilespmem:s25+$0x4080] =	vst v0  }
0xb6: {  	v0 =	vld [tilespmem:s26+$0x3800];
	_ =	sdelay $0x1  }
.Ltmp2:
0xb7: {  	(pc) =	sbr.rel @p0 .LBB2_6-.Ltmp2, $3  }
0xb8: {  	_ =	sdelay $0x1  }
0xb9: {  	s23 =	sadd.s32 $0x10, s23;
	[tilespmem:s25+$0x4100] =	vst v0  }
0xba: {  	s24 =	sadd.s32 $0x10, s24;
	v0 =	vld [tilespmem:s23+$0x0]  }
0xbb: {  	_ = 	snop  }
0xbc: {  	s20 =	sadd.s32 $0x80, s20  }
0xbd: {  	s23 =	sand.u32 $0x70, s22;
	s20 =	sand.u32 $0x3C00, s20  }
0xbe: {  	s20 =	sor.u32 s23, s20  }
0xbf: {  	s26 =	sand.u32 $0x7F0, s22;
	[tilespmem:s20+$0x4000] =	vst v0  }
0xc0: {  	v0 =	vld [tilespmem:s26+$0x3000];
	_ =	sdelay $0x4  }
0xc1: {  	[tilespmem:s20+$0x4080] =	vst v0  }
0xc2: {  	v0 =	vld [tilespmem:s26+$0x3800];
	_ =	sdelay $0x4  }
0xc3: {  	[tilespmem:s20+$0x4100] =	vst v0  }
0xc4: {  	[hbm4b:s7+s4] =	stream.linear.scatter [tilespmem:s17], [sflag:$0x1], $0x4000, $0x38;
	[tilespmem:$0xF000] =	vst v63  }
0xc5: {  	s19 =	sadd.s32 $0x1, s19  }
0xc6: {  	[hbm4b:s8+s4] =	stream.linear.scatter [tilespmem:s18], [sflag:$0x1], $0x4000, $0x38;
	[tilespmem:$0xF000] =	vst v63  }
0xc7: {  	p0 =	sne.s32 s19, s9;
	_ =	swait.ge [sflag:s16], $0x4000  }
.Ltmp3:
0xc8: {  	[sflag:s16] =	ssyncset.done $0x0;
	(pc) =	sbr.rel @p0 .LBB2_1-.Ltmp3, $4  }
0xc9: {  	[sflag:s16] =	ssyncadd.s32 $0xFFFFC000  }
0xca: {  	_ =	swait.ge [sflag:s16], $0x4000  }
0xcb: {  	[sflag:s16] =	ssyncset.done $0x0  }
0xcc: {  	[sflag:s16] =	ssyncadd.s32 $0xFFFFC000  }
0xcd: {  	_ =	sfence.sel $0x180000  }
0xce: {  	[bflag:$0x0] =	sbarrier.arrive $0xFFFF  }
0xcf: {  	_ =	strace $0x90000047  }
0xd0: {  	s0 =	stileid.u32;
	[bflag:$0x2] =	sbarrier.arrive $0xFFFF  }
0xd1: {  	p0 =	sne.s32 s0, $0x0;
	s0 =	rddreg [dreg:$0x5]  }
0xd2: {  	s0 =	sadd.s32 @!p0 $0x100000, s0  }
0xd3: {  	[sflag:s0] =	ssyncadd.tile.s32 @!p0 $0x1;
	_ =	shalt  }
.Lfunc_end2:
_tile_overlayer_lowered:
.L_overlay_start_2:
0xd4: {  	(tag) =	ssettag $0x2  }
0xd5: {  	s0 =	rddreg [dreg:$0x0];
	s2 =	stileid.u32  }
0xd6: {  	s1 =	rddreg [dreg:$0x1];
	p0 =	sne.s32 s2, $0x0  }
0xd7: {  	s3 =	rddreg [dreg:$0x2];
	[bflag:$0x3] =	sbarrier.arrive $0xFFFF;
	s2 =	simm.s32 @!p0 $0x1C02  }
0xd8: {  	[timem:s3], [sflag:s2] =	dma.local @!p0 [hbm:s0], s1  }
0xd9: {  	s0 =	simm.s32 @!p0 $0x2  }
0xda: {  	_ =	swait.ge @!p0 [sflag:s0], s1  }
0xdb: {  	s1 =	ssub.s32 @!p0 $0x0, s1;
	[sflag:s0] =	ssyncset.done @!p0 $0x0  }
0xdc: {  	[sflag:s0] =	ssyncadd.s32 @!p0 s1  }
0xdd: {  	[bflag:$0x3] =	sbarrier.arrive $0xFFFF  }
0xde: {  	_ =	shalt  }

// kernel: kernel.17.cloned.1.call-start
scs
__scs_entry_jumppad:
0x0: {  	(pc) =	sbr.rel $0x88, $3  }
0x1: {  	(tag) =	ssettag $0x0;
	lr =	simm.s32 $0x1  }
0x2: {  	[smem:$0x3F96] =	sst lr;
	_ =	strace $0xD0000000  }
0x3: {  	_ = 	snop  }
0x4: {  	_ = 	snop  }
0x5: {  	_ = 	snop  }
0x6: {  	_ = 	snop  }
0x7: {  	_ = 	snop  }
__scs_overlays_trampoline_lowered:
0x8: {  	[smem:$0x3FA5] =	sst s0  }
0x9: {  	[smem:$0x3FA6] =	sst s1  }
0xa: {  	[smem:$0x3FA7] =	sst s2  }
0xb: {  	[smem:$0x3FA8] =	sst s3  }
0xc: {  	[smem:$0x3FA9] =	sst s4  }
0xd: {  	[smem:$0x3FAA] =	sst s5  }
0xe: {  	[smem:$0x3FAB] =	sst s6  }
0xf: {  	[smem:$0x3FAC] =	sst s7  }
0x10: {  	[smem:$0x3FAD] =	sst s8  }
0x11: {  	[smem:$0x3FAE] =	sst s9;
	s0 =	simm.s32 @!p0 $0x0  }
0x12: {  	s1 =	sld [smem:$0x3F94];
	s0 =	simm.s32 @p0 $0x1  }
0x13: {  	[smem:$0x3FAF] =	sst s0;
	s0 =	simm.s32 @!p1 $0x0  }
0x14: {  	s2 =	sld [smem:$0x3F93];
	s0 =	simm.s32 @p1 $0x1  }
0x15: {  	[smem:$0x3FB0] =	sst s0;
	s0 =	simm.s32 @!p2 $0x0  }
0x16: {  	s3 =	sld [smem:$0x3FDB];
	s0 =	simm.s32 @p2 $0x1  }
0x17: {  	s4 =	simm.s32 $0x1BF5;
	[smem:$0x3FB2] =	sst s0  }
0x18: {  	s0 =	sld [smem:$0x3F95];
	_ =	swait.ge [sflag:s4], $0x0  }
0x19: {  	s7 =	sld [smem:$0x3F96]  }
0x1a: {  	s8 =	sadd.s32 $0xFFFFE003, lr  }
0x1b: {  	s9 =	sadd.s32 $0xFFFFFEF7, lr;
	s5 =	simm.s32 $0xFFFFFFFF;
	p2 =	slt.u32 s8, $0xFFFFF086  }
0x1c: {  	p1 =	slt.u32 s9, $0xF7A;
	s5 =	simm.s32 @!p2 $0x0  }
0x1d: {  	s5 =	simm.s32 @p1 $0x1;
	p0 =	seq.s32 s7, s2  }
0x1e: {  	s7 =	smul.u32 @!p0 $0xF7A, s2;
	p2 =	seq.s32 @!p0 s5, $0x0  }
0x1f: {  	s9 =	smul.u32 $0xF7A, s1;
	s8 =	simm.s32 @!p0 $0x1BF5;
	p2 =	por !p2, p0  }
0x20: {  	[sflag:s8] =	ssyncset.s32 @!p0 $0xFFFFF086;
	s6 =	sadd.s32 @!p0 s3, s7;
	s7 =	simm.s32 @!p0 $0x108  }
0x21: {  	s3 =	sadd.s32 s3, s9;
	s6 =	sadd.s32 @!p0 $0x88, s6;
	s7 =	simm.s32 @p2 $0x1082  }
0x22: {  	[simem:s7], [sflag:s8] =	dma.local @!p0 [hbm:s6], $0xF7A  }
0x23: {  	s9 =	sor.u32 $0xD0000000, s2;
	s6 =	simm.s32 $0x108;
	_ =	swait.ge @!p0 [sflag:s8], $0x0  }
0x24: {  	s3 =	sadd.s32 $0x88, s3;
	s6 =	simm.s32 @!p1 $0x1082;
	[sflag:s4] =	ssyncset.s32 $0xFFFFF086  }
0x25: {  	[simem:s6], [sflag:s4] =	dma.local [hbm:s3], $0xF7A  }
0x26: {  	[smem:$0x3F96] =	sst s1;
	(tag) =	ssettag s2;
	_ =	strace s9  }
0x27: {  	s1 =	sld [smem:$0x3FA6]  }
0x28: {  	s2 =	sld [smem:$0x3FA7]  }
0x29: {  	s4 =	sld [smem:$0x3FA9]  }
0x2a: {  	p0 =	seq.s32 s5, $0x0;
	s5 =	sld [smem:$0x3FAA]  }
0x2b: {  	s6 =	sld [smem:$0x3FAB]  }
0x2c: {  	s7 =	sld [smem:$0x3FAC]  }
0x2d: {  	s3 =	simm.s32 $0x108;
	s8 =	sld [smem:$0x3FAD]  }
0x2e: {  	s3 =	simm.s32 @!p0 $0x1082;
	s9 =	sld [smem:$0x3FAE]  }
0x2f: {  	lr =	sadd.s32 s0, s3;
	s0 =	sld [smem:$0x3FA5]  }
0x30: {  	s3 =	sld [smem:$0x3FA8]  }
0x31: {  	[smem:$0x3FB1] =	sst s10  }
0x32: {  	s10 =	sld [smem:$0x3FAF];
	_ =	sdelay $0x3  }
0x33: {  	p0 =	seq.s32 s10, $0x1;
	s10 =	sld [smem:$0x3FB1];
	_ =	sdelay $0x3  }
0x34: {  	[smem:$0x3FB1] =	sst s10  }
0x35: {  	s10 =	sld [smem:$0x3FB0];
	_ =	sdelay $0x3  }
0x36: {  	p1 =	seq.s32 s10, $0x1;
	s10 =	sld [smem:$0x3FB1];
	_ =	sdelay $0x3  }
0x37: {  	[smem:$0x3FB1] =	sst s10  }
0x38: {  	s10 =	sld [smem:$0x3FB2]  }
0x39: {  	_ = 	snop;
	(pc) =	sbr.ind lr, $3  }
0x3a: {  	_ = 	snop  }
0x3b: {  	_ = 	snop  }
0x3c: {  	p2 =	seq.s32 s10, $0x1;
	s10 =	sld [smem:$0x3FB1]  }
0x3d: {  	_ =	shalt  }
0x3e: {  	_ =	shalt  }
0x3f: {  	_ =	shalt  }
0x40: {  	_ =	shalt  }
0x41: {  	_ =	shalt  }
0x42: {  	_ =	shalt  }
0x43: {  	_ =	shalt  }
0x44: {  	_ =	shalt  }
0x45: {  	_ =	shalt  }
0x46: {  	_ =	shalt  }
0x47: {  	_ =	shalt  }
0x48: {  	_ =	shalt  }
0x49: {  	_ =	shalt  }
0x4a: {  	_ =	shalt  }
0x4b: {  	_ =	shalt  }
0x4c: {  	_ =	shalt  }
0x4d: {  	_ =	shalt  }
0x4e: {  	_ =	shalt  }
0x4f: {  	_ =	shalt  }
0x50: {  	_ =	shalt  }
0x51: {  	_ =	shalt  }
0x52: {  	_ =	shalt  }
0x53: {  	_ =	shalt  }
0x54: {  	_ =	shalt  }
0x55: {  	_ =	shalt  }
0x56: {  	_ =	shalt  }
0x57: {  	_ =	shalt  }
0x58: {  	_ =	shalt  }
0x59: {  	_ =	shalt  }
0x5a: {  	_ =	shalt  }
0x5b: {  	_ =	shalt  }
0x5c: {  	_ =	shalt  }
0x5d: {  	_ =	shalt  }
0x5e: {  	_ =	shalt  }
0x5f: {  	_ =	shalt  }
0x60: {  	_ =	shalt  }
0x61: {  	_ =	shalt  }
0x62: {  	_ =	shalt  }
0x63: {  	_ =	shalt  }
0x64: {  	_ =	shalt  }
0x65: {  	_ =	shalt  }
0x66: {  	_ =	shalt  }
0x67: {  	_ =	shalt  }
0x68: {  	_ =	shalt  }
0x69: {  	_ =	shalt  }
0x6a: {  	_ =	shalt  }
0x6b: {  	_ =	shalt  }
0x6c: {  	_ =	shalt  }
0x6d: {  	_ =	shalt  }
0x6e: {  	_ =	shalt  }
0x6f: {  	_ =	shalt  }
0x70: {  	_ =	shalt  }
0x71: {  	_ =	shalt  }
0x72: {  	_ =	shalt  }
0x73: {  	_ =	shalt  }
0x74: {  	_ =	shalt  }
0x75: {  	_ =	shalt  }
0x76: {  	_ =	shalt  }
0x77: {  	_ =	shalt  }
0x78: {  	_ =	shalt  }
0x79: {  	_ =	shalt  }
0x7a: {  	_ =	shalt  }
0x7b: {  	_ =	shalt  }
0x7c: {  	_ =	shalt  }
0x7d: {  	_ =	shalt  }
0x7e: {  	_ =	shalt  }
0x7f: {  	_ =	shalt  }
0x80: {  	_ =	shalt  }
0x81: {  	_ =	shalt  }
0x82: {  	_ =	shalt  }
0x83: {  	_ =	shalt  }
0x84: {  	_ =	shalt  }
0x85: {  	_ =	shalt  }
0x86: {  	_ =	shalt  }
0x87: {  	_ =	shalt  }
.Lfunc_end0:
.L_simem_size_0:
called_computation.3_lowered:
.L_overlay_start_0:
0x88: {  	s2 =	sld [smem:$0x3FD9]  }
0x89: {  	s3 =	sld [smem:$0x3FFE];
	_ =	sdelay $0x1  }
0x8a: {  	s1 =	srdreg.scid  }
0x8b: {  	s0 =	sand.u32 $0x1, s1  }
0x8c: {  	s17 =	sshll.u32 s0, $0xA;
	s2 =	sadd.s32 s3, s2  }
0x8d: {  	s2 =	sadd.s32 s2, s17  }
0x8e: {  	[smem:$0x3FBD] =	sst s2  }
0x8f: {  	_ = 	snop  }
0x90: {  	s18 =	sld [smem:$0x3FC8];
	(tm) =	ssettm $0x1  }
0x91: {  	s19 =	sld [smem:$0x3FFB];
	_ =	sdelay $0x3  }
0x92: {  	_ =	strace s19  }
0x93: {  	s2 =	sld [smem:$0x3FFC];
	_ =	sdelay $0x3  }
0x94: {  	_ =	strace s2  }
0x95: {  	s2 =	sld [smem:$0x3FFD];
	_ =	sdelay $0x3  }
0x96: {  	_ =	strace s2  }
0x97: {  	_ =	strace $0x8FFFFFFF  }
0x98: {  	s20 =	sld [smem:$0x3FDB];
	_ =	sdelay $0x1  }
0x99: {  	s4 =	simm.s32 $_scs_section_size  }
0x9a: {  	s5 =	simm.s32 $_size__tile_overlayer_lowered;
	s6 =	simm.s32 $_tile_overlayer_lowered  }
0x9b: {  	s7 =	simm.s32 $0x1BFF;
	s21 =	sshll.u32 s6, $0x1;
	s4 =	sadd.s32 s4, s20  }
0x9c: {  	s22 =	simm.s32 $0x0;
	s5 =	sshll.u32 s5, $0x1;
	s6 =	sadd.s32 s21, s4  }
0x9d: {  	[timem:s22], [sflag:s7] =	dma.local [hbm:s6], s5  }
0x9e: {  	_ =	swait.ge [sflag:s7], s5  }
0x9f: {  	s5 =	ssub.s32 $0x0, s5;
	[sflag:s7] =	ssyncset.done $0x0  }
0xa0: {  	[sflag:s7] =	ssyncadd.s32 s5;
	_ =	sdelay $0x1  }
0xa1: {  	s23 =	simm.s32 $0x1B8B  }
0xa2: {  	_ =	swait.ge [sflag:s23], $0x1  }
0xa3: {  	[sflag:s23] =	ssyncset.done $0x0  }
0xa4: {  	[sflag:s23] =	ssyncadd.s32 $0xFFFFFFFF  }
0xa5: {  	s5 =	sld [smem:$0x0]  }
0xa6: {  	s6 =	sand.u32 $0xFFFFFFFE, s1  }
0xa7: {  	p0 =	sne.s32 s1, s6  }
0xa8: {  	s6 =	sshll.u32 @p0 s6, $0xE  }
0xa9: {  	s6 =	sadd.s32 @p0 $0x11B8D, s6;
	s7 =	sshll.u32 @p0 s5, $0x11  }
0xaa: {  	s6 =	sor.u32 @p0 s7, s6  }
0xab: {  	[sflag:s6] =	ssyncadd.remote.s32 @p0 $0x1;
	_ =	sdelay $0x1  }
0xac: {  	s6 =	simm.s32 @p0 $0x1B8D  }
0xad: {  	_ =	swait.eq @p0 [sflag:s6], $0x1  }
0xae: {  	[sflag:s6] =	ssyncadd.s32 @p0 $0xFFFFFFFF  }
0xaf: {  	s7 =	sshll.u32 @!p0 s1, $0xE  }
0xb0: {  	s7 =	sor.u32 @!p0 $0x4000, s7;
	s6 =	simm.s32 @!p0 $0x1B8D  }
0xb1: {  	s5 =	sshll.u32 @!p0 s5, $0x11;
	s7 =	sadd.s32 @!p0 $0x11B8D, s7;
	_ =	swait.eq @!p0 [sflag:s6], $0x1  }
0xb2: {  	s5 =	sor.u32 @!p0 s5, s7;
	[sflag:s6] =	ssyncadd.s32 @!p0 $0xFFFFFFFF  }
0xb3: {  	s25 =	simm.s32 $0x1B8E;
	s24 =	sld [smem:$0x3FFE];
	[sflag:s5] =	ssyncadd.remote.s32 @!p0 $0x1  }
0xb4: {  	s26 =	simm.s32 $execute0_lowered;
	[smem:$0x3FD2] =	sst s25  }
0xb5: {  	s6 =	sshll.u32 s26, $0x1;
	_ =	strace $0x8000004C;
	[dreg:$0x1] =	wrdreg $0xFFFFFFFF  }
0xb6: {  	s28 =	simm.s32 $_size_execute0_lowered;
	s4 =	sadd.s32 s4, s6;
	[dreg:$0x0] =	wrdreg $0x0  }
0xb7: {  	s6 =	sshll.u32 s28, $0x1;
	[dreg:$0x2] =	wrdreg s4  }
0xb8: {  	[dreg:$0x3] =	wrdreg s6  }
0xb9: {  	[dreg:$0x4] =	wrdreg $0xC0  }
0xba: {  	_ =	task [dreg:s22], $0x5FFFF  }
0xbb: {  	[dreg:$0x1] =	wrdreg $0xFFFFFFFF  }
0xbc: {  	[dreg:$0x0] =	wrdreg $0x60  }
0xbd: {  	[dreg:$0x2] =	wrdreg s24  }
0xbe: {  	[dreg:$0x3] =	wrdreg s18  }
0xbf: {  	[dreg:$0x4] =	wrdreg $0x78000  }
0xc0: {  	[dreg:$0x5] =	wrdreg $0xA  }
0xc1: {  	_ =	task.clear_ibuf [dreg:s22], $0x6FFFF;
	_ =	strace $0x9000004C  }
0xc2: {  	s29 =	simm.s32 $0xA;
	_ =	strace $0x8000004E  }
0xc3: {  	_ =	swait.ge [sflag:s29], $0x1  }
0xc4: {  	[sflag:s29] =	ssyncadd.s32 $0xFFFFFFFF  }
0xc5: {  	_ =	strace $0x9000004E  }
0xc6: {  	_ =	sfence  }
0xc7: {  	s30 =	sld [smem:$0x0];
	_ =	sdelay $0x2  }
0xc8: {  	s31 =	sshll.u32 s1, $0xD;
	s1 =	sshrl.u32 s1, $0x2  }
0xc9: {  	s4 =	sand.u32 $0x4000, s31;
	s1 =	sadd.s32 s1, s30  }
0xca: {  	s0 =	sor.u32 s4, s0;
	s1 =	sshll.u32 s1, $0x11  }
0xcb: {  	s0 =	sor.u32 s1, s0  }
0xcc: {  	s0 =	sadd.s32 $0x8F2B, s0  }
0xcd: {  	[sflag:s0] =	ssyncadd.remote.s32 $0x1  }
0xce: {  	_ =	sfence.sel $0xFFFF  }
0xcf: {  	[dreg:$0x0] =	wrdreg $0xFFFFFFFF;
	(pc) =	sbr.abs _section_cstart, $3  }
0xd0: {  	[dreg:$0x1] =	wrdreg $0xFFFFFFFF  }
0xd1: {  	_ =	task.clear_ibuf [dreg:s22], $0x2FFFF;
	_ =	strace $0x9FFFFFFF  }
0xd2: {  	(tm) =	ssettm $0x7FFFFFFF  }
0xd3: {  	_ =	shalt  }
tec
execute0_lowered:
.L_overlay_start_1:
0x0: {  	(tag) =	ssettag $0x1  }
0x1: {  	s5 =	rddreg [dreg:$0x0]  }
0x2: {  	s6 =	rddreg [dreg:$0x1]  }
0x3: {  	s1 =	rddreg [dreg:$0x2];
	s3 =	srdreg.scid  }
0x4: {  	s0 =	rddreg [dreg:$0x3];
	s2 =	stileid.u32;
	s13 =	simm.s32 $0x6800  }
0x5: {  	s14 =	simm.s32 $0x4800;
	s15 =	simm.s32 $0x7000;
	s16 =	simm.s32 $0x5000  }
0x6: {  	s17 =	simm.s32 $0x1;
	s19 =	simm.s32 $0x0;
	s7 =	sand.u32 $0x1, s3  }
0x7: {  	s3 =	simm.s32 $0x0;
	s4 =	sshll.u32 s2, $0xC;
	s11 =	sshll.u32 s2, $0xA  }
0x8: {  	p0 =	sne.s32 s2, $0x0;
	p1 =	sgt.u32 s2, $0xB;
	s8 =	sshll.u32 s7, $0xB  }
0x9: {  	[smem:$0x7FF] =	sst s3;
	s9 =	smul.u32 $0x3000, s7;
	s7 =	ssub.s32 $0x2, s7  }
0xa: {  	s18 =	sadd.s32 s11, s1;
	s8 =	sor.u32 s8, s4;
	_ =	strace $0x8000004D  }
0xb: {  	s4 =	sadd.s32 $0x12000, s5;
	s12 =	sshrl.u32 s7, $0x1;
	s18 =	sshrl.u32 @!p1 s18, $0x3  }
0xc: {  	s10 =	sadd.s32 s8, s5;
	s9 =	sadd.s32 s11, s9;
	s8 =	sshrl.u32 s8, $0x3  }
0xd: {  	s12 =	ssub.s32 s7, s12;
	s11 =	simm.s32 $0x6000;
	s9 =	sshrl.u32 s9, $0x3  }
0xe: {  	s6 =	sadd.s32 s8, s6;
	s8 =	smax.u32 s12, $0x1;
	s12 =	simm.s32 $0x4000  }
0xf: {  	s9 =	sadd.s32 s9, s5;
	s5 =	sadd.s32 $0x2000, s10;
	s6 =	sadd.s32 $0x2000, s6  }
0x10: {  	s10 =	simm.s32 $0x800;
	s7 =	sadd.s32 $0x12600, s9;
	s9 =	simm.s32 $0x2  }
.LBB2_1:
0x11: {  	[tilespmem:s3], [sflag:$0x2] =	stream.linear.gather [hbm4b:s5+s3], $0x4000, $0x38;
	[tilespmem:$0x7B00] =	vst v63  }
0x12: {  	_ =	swait.ge [sflag:s9], $0x4000  }
0x13: {  	[sflag:s9] =	ssyncset.done $0x0  }
0x14: {  	s20 =	simm.s32 $0x5800;
	[sflag:s9] =	ssyncadd.s32 $0xFFFFC000  }
0x15: {  	[tilespmem:s20], [sflag:$0x2] =	stream.linear.gather [hbm4b:s6+s3], $0x800, $0x38;
	[tilespmem:$0x7B00] =	vst v63  }
0x16: {  	_ =	swait.ge [sflag:s9], $0x800  }
0x17: {  	s21 =	sand.u32 $0x3C00, s3;
	s22 =	sand.u32 $0x70, s3;
	[sflag:s9] =	ssyncset.done $0x0  }
0x18: {  	s21 =	sor.u32 s22, s21;
	[sflag:s9] =	ssyncadd.s32 $0xFFFFF800  }
0x19: {  	v0 =	vld [tilespmem:s21+$0x0];
	_ =	sdelay $0x4  }
0x1a: {  	[tilespmem:s12+$0x0] =	vst v0  }
0x1b: {  	v0 =	vld [tilespmem:s20+$0x0];
	_ =	sdelay $0x4  }
0x1c: {  	v0 =	vmul.u32 $0x3, v0;
	_ =	sdelay $0x1  }
0x1d: {  	[tilespmem:s11+$0x0] =	vst v0  }
0x1e: {  	v0 =	vld [tilespmem:s21+$0x80];
	_ =	sdelay $0x3  }
0x1f: {  	s28 =	sand.u32 $0x7F0, s3  }
0x20: {  	[tilespmem:s28+$0x4800] =	vst v0  }
0x21: {  	v0 =	vld [tilespmem:s20+$0x0];
	_ =	sdelay $0x4  }
0x22: {  	v0 =	vmul.u32 $0x3, v0;
	_ =	sdelay $0x1  }
0x23: {  	v0 =	vadd.s32 $0x1, v0  }
0x24: {  	[tilespmem:s13+$0x0] =	vst v0  }
0x25: {  	v0 =	vld [tilespmem:s21+$0x100];
	_ =	sdelay $0x4  }
0x26: {  	[tilespmem:s28+$0x5000] =	vst v0  }
0x27: {  	v0 =	vld [tilespmem:s20+$0x0];
	_ =	sdelay $0x3  }
0x28: {  	s29 =	simm.s32 $0x20  }
0x29: {  	s25 =	simm.s32 $0x4010;
	s26 =	simm.s32 $0x80;
	s24 =	simm.s32 $0x6010;
	v0 =	vmul.u32 $0x3, v0  }
0x2a: {  	s23 =	simm.s32 $0x6810;
	s30 =	sand.u32 $0x3C00, s26;
	s21 =	simm.s32 $0x10  }
0x2b: {  	s22 =	simm.s32 $0x7000;
	s31 =	sand.u32 $0x70, s21;
	s20 =	simm.s32 $0x5810;
	v0 =	vadd.s32 $0x2, v0  }
.LBB2_2:
0x2c: {  	s30 =	sor.u32 s31, s30  }
0x2d: {  	[tilespmem:s22+$0x0] =	vst v0;
	s22 =	sadd.s32 $0x10, s22;
	s31 =	smov.u32 s29;
	s28 =	sadd.s32 $0x10, s29  }
0x2e: {  	p2 =	sne.s32 s29, $0x7F0;
	v0 =	vld [tilespmem:s30+$0x0];
	_ =	sdelay $0x4  }
0x2f: {  	[tilespmem:s25+$0x0] =	vst v0  }
0x30: {  	v0 =	vld [tilespmem:s20+$0x0];
	_ =	sdelay $0x4  }
0x31: {  	v0 =	vmul.u32 $0x3, v0;
	_ =	sdelay $0x1  }
0x32: {  	[tilespmem:s24+$0x0] =	vst v0  }
0x33: {  	v0 =	vld [tilespmem:s30+$0x80];
	_ =	sdelay $0x3  }
0x34: {  	s29 =	sand.u32 $0x7F0, s21;
	s21 =	smov.u32 s31  }
0x35: {  	[tilespmem:s29+$0x4800] =	vst v0  }
0x36: {  	v0 =	vld [tilespmem:s20+$0x0];
	_ =	sdelay $0x4  }
0x37: {  	v0 =	vmul.u32 $0x3, v0;
	_ =	sdelay $0x1  }
0x38: {  	v0 =	vadd.s32 $0x1, v0  }
0x39: {  	[tilespmem:s23+$0x0] =	vst v0  }
0x3a: {  	v0 =	vld [tilespmem:s30+$0x100];
	_ =	sdelay $0x4  }
0x3b: {  	[tilespmem:s29+$0x5000] =	vst v0  }
0x3c: {  	v0 =	vld [tilespmem:s20+$0x0];
	_ =	sdelay $0x2  }
.Ltmp0:
0x3d: {  	(pc) =	sbr.rel @p2 .LBB2_2-.Ltmp0, $4  }
0x3e: {  	_ = 	snop  }
0x3f: {  	s26 =	sadd.s32 $0x80, s26;
	s25 =	sadd.s32 $0x10, s25;
	v0 =	vmul.u32 $0x3, v0  }
0x40: {  	s31 =	sand.u32 $0x70, s21;
	s24 =	sadd.s32 $0x10, s24;
	s20 =	sadd.s32 $0x10, s20  }
0x41: {  	s23 =	sadd.s32 $0x10, s23;
	s30 =	sand.u32 $0x3C00, s26;
	s29 =	smov.u32 s28;
	v0 =	vadd.s32 $0x2, v0  }
0x42: {  	s26 =	sor.u32 s31, s30;
	[tilespmem:s22+$0x0] =	vst v0  }
0x43: {  	v0 =	vld [tilespmem:s26+$0x0];
	_ =	sdelay $0x4  }
0x44: {  	[tilespmem:s25+$0x0] =	vst v0  }
0x45: {  	v0 =	vld [tilespmem:s20+$0x0];
	_ =	sdelay $0x4  }
0x46: {  	v0 =	vmul.u32 $0x3, v0;
	_ =	sdelay $0x1  }
0x47: {  	[tilespmem:s24+$0x0] =	vst v0  }
0x48: {  	v0 =	vld [tilespmem:s26+$0x80];
	_ =	sdelay $0x3  }
0x49: {  	s21 =	sand.u32 $0x7F0, s21  }
0x4a: {  	[tilespmem:s21+$0x4800] =	vst v0  }
0x4b: {  	v0 =	vld [tilespmem:s20+$0x0];
	_ =	sdelay $0x4  }
0x4c: {  	v0 =	vmul.u32 $0x3, v0;
	_ =	sdelay $0x1  }
0x4d: {  	v0 =	vadd.s32 $0x1, v0  }
0x4e: {  	[tilespmem:s23+$0x0] =	vst v0  }
0x4f: {  	v0 =	vld [tilespmem:s26+$0x100];
	_ =	sdelay $0x4  }
0x50: {  	[tilespmem:s21+$0x5000] =	vst v0  }
0x51: {  	v0 =	vld [tilespmem:s20+$0x0];
	_ =	sdelay $0x4  }
0x52: {  	v0 =	vmul.u32 $0x3, v0;
	_ =	sdelay $0x1  }
0x53: {  	s31 =	sadd.s32 $0x10, s22;
	v0 =	vadd.s32 $0x2, v0  }
0x54: {  	s21 =	simm.s32 @!p0 $0x1C02;
	s20 =	sshrl.u32 @!p0 s1, $0x3;
	[tilespmem:s31+$0x0] =	vst v0  }
0x55: {  	[spmem:s20], [sflag:s21] =	dma.local @!p0 [hbm:s4], $0x600  }
0x56: {  	s20 =	simm.s32 @!p0 $0x2  }
0x57: {  	_ =	swait.ge @!p0 [sflag:s20], $0x600  }
0x58: {  	[sflag:s20] =	ssyncset.done @!p0 $0x0  }
0x59: {  	[sflag:s20] =	ssyncadd.s32 @!p0 $0xFFFFFA00  }
0x5a: {  	[bflag:$0x0] =	sbarrier.arrive $0xFFFF  }
0x5b: {  	[spmem:s1] =	stream.indirect.scatter.add.f32 [tilespmem:s12], [sflag:$0x1], $0x1, s11, s10, $0xb8;
	[tilespmem:$0x7B00] =	vst v63  }
0x5c: {  	_ = 	snop  }
0x5d: {  	[spmem:s1] =	stream.indirect.scatter.add.f32 [tilespmem:s14], [sflag:$0x1], $0x1, s13, s10, $0xb8;
	[tilespmem:$0x7B00] =	vst v63  }
0x5e: {  	_ = 	snop  }
0x5f: {  	[spmem:s1] =	stream.indirect.scatter.add.f32 [tilespmem:s16], [sflag:$0x1], $0x1, s15, s10, $0xb8;
	[tilespmem:$0x7B00] =	vst v63  }
0x60: {  	_ =	swait.ge [sflag:s17], $0x800  }
0x61: {  	[sflag:s17] =	ssyncset.done $0x0  }
0x62: {  	[sflag:s17] =	ssyncadd.s32 $0xFFFFF800  }
0x63: {  	_ =	swait.ge [sflag:s17], $0x800  }
0x64: {  	[sflag:s17] =	ssyncset.done $0x0  }
0x65: {  	[sflag:s17] =	ssyncadd.s32 $0xFFFFF800  }
0x66: {  	_ =	swait.ge [sflag:s17], $0x800  }
0x67: {  	[sflag:s17] =	ssyncset.done $0x0  }
0x68: {  	s19 =	sadd.s32 $0x1, s19;
	s20 =	sshll.u32 @!p1 s2, $0x6;
	[sflag:s17] =	ssyncadd.s32 $0xFFFFF800  }
0x69: {  	p2 =	sne.s32 s19, s8;
	s20 =	sor.u32 @!p1 $0x1C02, s20;
	[bflag:$0x0] =	sbarrier.arrive $0xFFFF  }
0x6a: {  	[hbm:s7], [sflag:s20] =	dma.local @!p1 [spmem:s18], $0x80  }
.Ltmp1:
0x6b: {  	_ = 	snop;
	(pc) =	sbr.rel @p2 .LBB2_1-.Ltmp1, $4  }
0x6c: {  	s20 =	simm.s32 @!p1 $0x2  }
0x6d: {  	_ =	swait.ge @!p1 [sflag:s20], $0x80  }
0x6e: {  	[sflag:s20] =	ssyncset.done @!p1 $0x0  }
0x6f: {  	[sflag:s20] =	ssyncadd.s32 @!p1 $0xFFFFFF80  }
0x70: {  	_ =	sfence.sel $0x180000  }
0x71: {  	[bflag:$0x0] =	sbarrier.arrive $0xFFFF  }
0x72: {  	_ =	strace $0x9000004D  }
0x73: {  	s0 =	sadd.s32 @!p0 $0x100000, s0;
	[bflag:$0x2] =	sbarrier.arrive $0xFFFF  }
0x74: {  	[sflag:s0] =	ssyncadd.tile.s32 @!p0 $0x1;
	_ =	shalt  }
.Lfunc_end2:
_tile_overlayer_lowered:
.L_overlay_start_2:
0x75: {  	(tag) =	ssettag $0x2  }
0x76: {  	s0 =	rddreg [dreg:$0x0];
	s2 =	stileid.u32  }
0x77: {  	s1 =	rddreg [dreg:$0x1];
	p0 =	sne.s32 s2, $0x0  }
0x78: {  	s3 =	rddreg [dreg:$0x2];
	[bflag:$0x3] =	sbarrier.arrive $0xFFFF;
	s2 =	simm.s32 @!p0 $0x1C02  }
0x79: {  	[timem:s3], [sflag:s2] =	dma.local @!p0 [hbm:s0], s1  }
0x7a: {  	s0 =	simm.s32 @!p0 $0x2  }
0x7b: {  	_ =	swait.ge @!p0 [sflag:s0], s1  }
0x7c: {  	s1 =	ssub.s32 @!p0 $0x0, s1;
	[sflag:s0] =	ssyncset.done @!p0 $0x0  }
0x7d: {  	[sflag:s0] =	ssyncadd.s32 @!p0 s1  }
0x7e: {  	[bflag:$0x3] =	sbarrier.arrive $0xFFFF  }
0x7f: {  	_ =	shalt  }

// kernel: kernel.8.cloned.1.call-start
scs
__scs_entry_jumppad:
0x0: {  	(pc) =	sbr.rel $0x88, $3  }
0x1: {  	(tag) =	ssettag $0x0;
	lr =	simm.s32 $0x1  }
0x2: {  	[smem:$0x3F96] =	sst lr;
	_ =	strace $0xD0000000  }
0x3: {  	_ = 	snop  }
0x4: {  	_ = 	snop  }
0x5: {  	_ = 	snop  }
0x6: {  	_ = 	snop  }
0x7: {  	_ = 	snop  }
__scs_overlays_trampoline_lowered:
0x8: {  	[smem:$0x3FA5] =	sst s0  }
0x9: {  	[smem:$0x3FA6] =	sst s1  }
0xa: {  	[smem:$0x3FA7] =	sst s2  }
0xb: {  	[smem:$0x3FA8] =	sst s3  }
0xc: {  	[smem:$0x3FA9] =	sst s4  }
0xd: {  	[smem:$0x3FAA] =	sst s5  }
0xe: {  	[smem:$0x3FAB] =	sst s6  }
0xf: {  	[smem:$0x3FAC] =	sst s7  }
0x10: {  	[smem:$0x3FAD] =	sst s8  }
0x11: {  	[smem:$0x3FAE] =	sst s9;
	s0 =	simm.s32 @!p0 $0x0  }
0x12: {  	s1 =	sld [smem:$0x3F94];
	s0 =	simm.s32 @p0 $0x1  }
0x13: {  	[smem:$0x3FAF] =	sst s0;
	s0 =	simm.s32 @!p1 $0x0  }
0x14: {  	s2 =	sld [smem:$0x3F93];
	s0 =	simm.s32 @p1 $0x1  }
0x15: {  	[smem:$0x3FB0] =	sst s0;
	s0 =	simm.s32 @!p2 $0x0  }
0x16: {  	s3 =	sld [smem:$0x3FDB];
	s0 =	simm.s32 @p2 $0x1  }
0x17: {  	s4 =	simm.s32 $0x1BF5;
	[smem:$0x3FB2] =	sst s0  }
0x18: {  	s0 =	sld [smem:$0x3F95];
	_ =	swait.ge [sflag:s4], $0x0  }
0x19: {  	s7 =	sld [smem:$0x3F96]  }
0x1a: {  	s8 =	sadd.s32 $0xFFFFE003, lr  }
0x1b: {  	s9 =	sadd.s32 $0xFFFFFEF7, lr;
	s5 =	simm.s32 $0xFFFFFFFF;
	p2 =	slt.u32 s8, $0xFFFFF086  }
0x1c: {  	p1 =	slt.u32 s9, $0xF7A;
	s5 =	simm.s32 @!p2 $0x0  }
0x1d: {  	s5 =	simm.s32 @p1 $0x1;
	p0 =	seq.s32 s7, s2  }
0x1e: {  	s7 =	smul.u32 @!p0 $0xF7A, s2;
	p2 =	seq.s32 @!p0 s5, $0x0  }
0x1f: {  	s9 =	smul.u32 $0xF7A, s1;
	s8 =	simm.s32 @!p0 $0x1BF5;
	p2 =	por !p2, p0  }
0x20: {  	[sflag:s8] =	ssyncset.s32 @!p0 $0xFFFFF086;
	s6 =	sadd.s32 @!p0 s3, s7;
	s7 =	simm.s32 @!p0 $0x108  }
0x21: {  	s3 =	sadd.s32 s3, s9;
	s6 =	sadd.s32 @!p0 $0x88, s6;
	s7 =	simm.s32 @p2 $0x1082  }
0x22: {  	[simem:s7], [sflag:s8] =	dma.local @!p0 [hbm:s6], $0xF7A  }
0x23: {  	s9 =	sor.u32 $0xD0000000, s2;
	s6 =	simm.s32 $0x108;
	_ =	swait.ge @!p0 [sflag:s8], $0x0  }
0x24: {  	s3 =	sadd.s32 $0x88, s3;
	s6 =	simm.s32 @!p1 $0x1082;
	[sflag:s4] =	ssyncset.s32 $0xFFFFF086  }
0x25: {  	[simem:s6], [sflag:s4] =	dma.local [hbm:s3], $0xF7A  }
0x26: {  	[smem:$0x3F96] =	sst s1;
	(tag) =	ssettag s2;
	_ =	strace s9  }
0x27: {  	s1 =	sld [smem:$0x3FA6]  }
0x28: {  	s2 =	sld [smem:$0x3FA7]  }
0x29: {  	s4 =	sld [smem:$0x3FA9]  }
0x2a: {  	p0 =	seq.s32 s5, $0x0;
	s5 =	sld [smem:$0x3FAA]  }
0x2b: {  	s6 =	sld [smem:$0x3FAB]  }
0x2c: {  	s7 =	sld [smem:$0x3FAC]  }
0x2d: {  	s3 =	simm.s32 $0x108;
	s8 =	sld [smem:$0x3FAD]  }
0x2e: {  	s3 =	simm.s32 @!p0 $0x1082;
	s9 =	sld [smem:$0x3FAE]  }
0x2f: {  	lr =	sadd.s32 s0, s3;
	s0 =	sld [smem:$0x3FA5]  }
0x30: {  	s3 =	sld [smem:$0x3FA8]  }
0x31: {  	[smem:$0x3FB1] =	sst s10  }
0x32: {  	s10 =	sld [smem:$0x3FAF];
	_ =	sdelay $0x3  }
0x33: {  	p0 =	seq.s32 s10, $0x1;
	s10 =	sld [smem:$0x3FB1];
	_ =	sdelay $0x3  }
0x34: {  	[smem:$0x3FB1] =	sst s10  }
0x35: {  	s10 =	sld [smem:$0x3FB0];
	_ =	sdelay $0x3  }
0x36: {  	p1 =	seq.s32 s10, $0x1;
	s10 =	sld [smem:$0x3FB1];
	_ =	sdelay $0x3  }
0x37: {  	[smem:$0x3FB1] =	sst s10  }
0x38: {  	s10 =	sld [smem:$0x3FB2]  }
0x39: {  	_ = 	snop;
	(pc) =	sbr.ind lr, $3  }
0x3a: {  	_ = 	snop  }
0x3b: {  	_ = 	snop  }
0x3c: {  	p2 =	seq.s32 s10, $0x1;
	s10 =	sld [smem:$0x3FB1]  }
0x3d: {  	_ =	shalt  }
0x3e: {  	_ =	shalt  }
0x3f: {  	_ =	shalt  }
0x40: {  	_ =	shalt  }
0x41: {  	_ =	shalt  }
0x42: {  	_ =	shalt  }
0x43: {  	_ =	shalt  }
0x44: {  	_ =	shalt  }
0x45: {  	_ =	shalt  }
0x46: {  	_ =	shalt  }
0x47: {  	_ =	shalt  }
0x48: {  	_ =	shalt  }
0x49: {  	_ =	shalt  }
0x4a: {  	_ =	shalt  }
0x4b: {  	_ =	shalt  }
0x4c: {  	_ =	shalt  }
0x4d: {  	_ =	shalt  }
0x4e: {  	_ =	shalt  }
0x4f: {  	_ =	shalt  }
0x50: {  	_ =	shalt  }
0x51: {  	_ =	shalt  }
0x52: {  	_ =	shalt  }
0x53: {  	_ =	shalt  }
0x54: {  	_ =	shalt  }
0x55: {  	_ =	shalt  }
0x56: {  	_ =	shalt  }
0x57: {  	_ =	shalt  }
0x58: {  	_ =	shalt  }
0x59: {  	_ =	shalt  }
0x5a: {  	_ =	shalt  }
0x5b: {  	_ =	shalt  }
0x5c: {  	_ =	shalt  }
0x5d: {  	_ =	shalt  }
0x5e: {  	_ =	shalt  }
0x5f: {  	_ =	shalt  }
0x60: {  	_ =	shalt  }
0x61: {  	_ =	shalt  }
0x62: {  	_ =	shalt  }
0x63: {  	_ =	shalt  }
0x64: {  	_ =	shalt  }
0x65: {  	_ =	shalt  }
0x66: {  	_ =	shalt  }
0x67: {  	_ =	shalt  }
0x68: {  	_ =	shalt  }
0x69: {  	_ =	shalt  }
0x6a: {  	_ =	shalt  }
0x6b: {  	_ =	shalt  }
0x6c: {  	_ =	shalt  }
0x6d: {  	_ =	shalt  }
0x6e: {  	_ =	shalt  }
0x6f: {  	_ =	shalt  }
0x70: {  	_ =	shalt  }
0x71: {  	_ =	shalt  }
0x72: {  	_ =	shalt  }
0x73: {  	_ =	shalt  }
0x74: {  	_ =	shalt  }
0x75: {  	_ =	shalt  }
0x76: {  	_ =	shalt  }
0x77: {  	_ =	shalt  }
0x78: {  	_ =	shalt  }
0x79: {  	_ =	shalt  }
0x7a: {  	_ =	shalt  }
0x7b: {  	_ =	shalt  }
0x7c: {  	_ =	shalt  }
0x7d: {  	_ =	shalt  }
0x7e: {  	_ =	shalt  }
0x7f: {  	_ =	shalt  }
0x80: {  	_ =	shalt  }
0x81: {  	_ =	shalt  }
0x82: {  	_ =	shalt  }
0x83: {  	_ =	shalt  }
0x84: {  	_ =	shalt  }
0x85: {  	_ =	shalt  }
0x86: {  	_ =	shalt  }
0x87: {  	_ =	shalt  }
.Lfunc_end0:
.L_simem_size_0:
called_computation_lowered:
.L_overlay_start_0:
0x88: {  	s2 =	sld [smem:$0x3FD9]  }
0x89: {  	s3 =	sld [smem:$0x3FFE];
	_ =	sdelay $0x1  }
0x8a: {  	s1 =	srdreg.scid  }
0x8b: {  	s0 =	sand.u32 $0x1, s1  }
0x8c: {  	s17 =	sshll.u32 s0, $0xA;
	s2 =	sadd.s32 s3, s2  }
0x8d: {  	s2 =	sadd.s32 s2, s17  }
0x8e: {  	[smem:$0x3FBD] =	sst s2  }
0x8f: {  	_ = 	snop  }
0x90: {  	s5 =	sld [smem:$0x3FC9]  }
0x91: {  	s18 =	sld [smem:$0x3FC8]  }
0x92: {  	s4 =	sld [smem:$0x3FC7]  }
0x93: {  	s6 =	sld [smem:$0x3FD0];
	(tm) =	ssettm $0x1  }
0x94: {  	s19 =	sld [smem:$0x3FFB];
	_ =	sdelay $0x3  }
0x95: {  	_ =	strace s19  }
0x96: {  	s2 =	sld [smem:$0x3FFC];
	_ =	sdelay $0x3  }
0x97: {  	_ =	strace s2  }
0x98: {  	s2 =	sld [smem:$0x3FFD];
	_ =	sdelay $0x3  }
0x99: {  	_ =	strace s2  }
0x9a: {  	_ =	strace $0x8FFFFFFF  }
0x9b: {  	s20 =	sld [smem:$0x3FDB];
	_ =	sdelay $0x1  }
0x9c: {  	s7 =	simm.s32 $_scs_section_size  }
0x9d: {  	s8 =	simm.s32 $_size__tile_overlayer_lowered;
	s9 =	simm.s32 $_tile_overlayer_lowered  }
0x9e: {  	s10 =	simm.s32 $0x1BFF;
	s21 =	sshll.u32 s9, $0x1;
	s7 =	sadd.s32 s7, s20  }
0x9f: {  	s22 =	simm.s32 $0x0;
	s8 =	sshll.u32 s8, $0x1;
	s9 =	sadd.s32 s21, s7  }
0xa0: {  	[timem:s22], [sflag:s10] =	dma.local [hbm:s9], s8  }
0xa1: {  	_ =	swait.ge [sflag:s10], s8  }
0xa2: {  	s8 =	ssub.s32 $0x0, s8;
	[sflag:s10] =	ssyncset.done $0x0  }
0xa3: {  	[sflag:s10] =	ssyncadd.s32 s8;
	_ =	sdelay $0x1  }
0xa4: {  	s23 =	simm.s32 $0x1B8B  }
0xa5: {  	_ =	swait.ge [sflag:s23], $0x1  }
0xa6: {  	[sflag:s23] =	ssyncset.done $0x0  }
0xa7: {  	[sflag:s23] =	ssyncadd.s32 $0xFFFFFFFF  }
0xa8: {  	s8 =	sld [smem:$0x0]  }
0xa9: {  	s9 =	sand.u32 $0xFFFFFFFE, s1  }
0xaa: {  	p0 =	sne.s32 s1, s9  }
0xab: {  	s9 =	sshll.u32 @p0 s9, $0xE  }
0xac: {  	s9 =	sadd.s32 @p0 $0x11B8D, s9;
	s10 =	sshll.u32 @p0 s8, $0x11  }
0xad: {  	s9 =	sor.u32 @p0 s10, s9  }
0xae: {  	[sflag:s9] =	ssyncadd.remote.s32 @p0 $0x1;
	_ =	sdelay $0x1  }
0xaf: {  	s9 =	simm.s32 @p0 $0x1B8D  }
0xb0: {  	_ =	swait.eq @p0 [sflag:s9], $0x1  }
0xb1: {  	[sflag:s9] =	ssyncadd.s32 @p0 $0xFFFFFFFF  }
0xb2: {  	s10 =	sshll.u32 @!p0 s1, $0xE  }
0xb3: {  	s10 =	sor.u32 @!p0 $0x4000, s10;
	s9 =	simm.s32 @!p0 $0x1B8D  }
0xb4: {  	s8 =	sshll.u32 @!p0 s8, $0x11;
	s10 =	sadd.s32 @!p0 $0x11B8D, s10;
	_ =	swait.eq @!p0 [sflag:s9], $0x1  }
0xb5: {  	s8 =	sor.u32 @!p0 s8, s10;
	[sflag:s9] =	ssyncadd.s32 @!p0 $0xFFFFFFFF  }
0xb6: {  	s25 =	simm.s32 $0x1B8E;
	s24 =	sld [smem:$0x3FFE];
	[sflag:s8] =	ssyncadd.remote.s32 @!p0 $0x1  }
0xb7: {  	s26 =	simm.s32 $execute0_lowered;
	[smem:$0x3FD2] =	sst s25  }
0xb8: {  	s9 =	sshll.u32 s26, $0x1;
	_ =	strace $0x80000049;
	[dreg:$0x1] =	wrdreg $0xFFFFFFFF  }
0xb9: {  	s28 =	simm.s32 $_size_execute0_lowered;
	s7 =	sadd.s32 s7, s9;
	[dreg:$0x0] =	wrdreg $0x0  }
0xba: {  	s9 =	sshll.u32 s28, $0x1;
	[dreg:$0x2] =	wrdreg s7  }
0xbb: {  	[dreg:$0x3] =	wrdreg s9  }
0xbc: {  	[dreg:$0x4] =	wrdreg $0xC0  }
0xbd: {  	_ =	task [dreg:s22], $0x5FFFF  }
0xbe: {  	[dreg:$0x1] =	wrdreg $0xFFFFFFFF  }
0xbf: {  	[dreg:$0x0] =	wrdreg $0x60  }
0xc0: {  	[dreg:$0x2] =	wrdreg s5  }
0xc1: {  	[dreg:$0x3] =	wrdreg s6  }
0xc2: {  	[dreg:$0x4] =	wrdreg s18  }
0xc3: {  	[dreg:$0x5] =	wrdreg s4  }
0xc4: {  	[dreg:$0x6] =	wrdreg s24  }
0xc5: {  	[dreg:$0x7] =	wrdreg $0x9  }
0xc6: {  	_ =	task.clear_ibuf [dreg:s22], $0x8FFFF;
	_ =	strace $0x90000049  }
0xc7: {  	s29 =	simm.s32 $0x9;
	_ =	strace $0x8000004B  }
0xc8: {  	_ =	swait.ge [sflag:s29], $0x1  }
0xc9: {  	[sflag:s29] =	ssyncadd.s32 $0xFFFFFFFF  }
0xca: {  	_ =	strace $0x9000004B  }
0xcb: {  	_ =	sfence  }
0xcc: {  	s30 =	sld [smem:$0x0];
	_ =	sdelay $0x2  }
0xcd: {  	s31 =	sshll.u32 s1, $0xD;
	s1 =	sshrl.u32 s1, $0x2  }
0xce: {  	s4 =	sand.u32 $0x4000, s31;
	s1 =	sadd.s32 s1, s30  }
0xcf: {  	s0 =	sor.u32 s4, s0;
	s1 =	sshll.u32 s1, $0x11  }
0xd0: {  	s0 =	sor.u32 s1, s0  }
0xd1: {  	s0 =	sadd.s32 $0x8F2B, s0  }
0xd2: {  	[sflag:s0] =	ssyncadd.remote.s32 $0x1  }
0xd3: {  	_ =	sfence.sel $0xFFFF  }
0xd4: {  	[dreg:$0x0] =	wrdreg $0xFFFFFFFF;
	(pc) =	sbr.abs _section_cstart, $3  }
0xd5: {  	[dreg:$0x1] =	wrdreg $0xFFFFFFFF  }
0xd6: {  	_ =	task.clear_ibuf [dreg:s22], $0x2FFFF;
	_ =	strace $0x9FFFFFFF  }
0xd7: {  	(tm) =	ssettm $0x7FFFFFFF  }
tec
execute0_lowered:
.L_overlay_start_1:
0x0: {  	(tag) =	ssettag $0x1  }
0x1: {  	s1 =	rddreg [dreg:$0x0]  }
0x2: {  	s0 =	rddreg [dreg:$0x2]  }
0x3: {  	s2 =	rddreg [dreg:$0x3]  }
0x4: {  	s3 =	rddreg [dreg:$0x4];
	s5 =	srdreg.scid  }
0x5: {  	s6 =	stileid.u32;
	s4 =	simm.s32 $0x0;
	s10 =	simm.s32 $0x2  }
0x6: {  	s11 =	simm.s32 $0xC000;
	s12 =	simm.s32 $0x200;
	s21 =	simm.s32 $0x1800  }
0x7: {  	s28 =	simm.s32 $0x1E00;
	s29 =	simm.s32 $0x3600;
	s30 =	simm.s32 $0x2000  }
0x8: {  	s31 =	simm.s32 $0x3800;
	s13 =	simm.s32 $0x3C00;
	s14 =	simm.s32 $0x2600  }
0x9: {  	s15 =	simm.s32 $0x3E00;
	s16 =	simm.s32 $0x1;
	s17 =	simm.s32 $0x4000  }
0xa: {  	s18 =	simm.s32 $0x8000;
	s5 =	sand.u32 $0x1, s5;
	s6 =	sshll.u32 s6, $0x1  }
0xb: {  	s19 =	simm.s32 $0x0;
	[smem:$0x7FF] =	sst s4;
	s6 =	sor.u32 s5, s6  }
0xc: {  	s5 =	ssub.s32 $0x2, s5;
	_ =	strace $0x8000004A;
	s7 =	sshll.u32 s6, $0xB  }
0xd: {  	s8 =	sshrl.u32 s5, $0x1;
	s6 =	sshll.u32 s6, $0x8;
	s3 =	sadd.s32 s7, s3  }
0xe: {  	s9 =	ssub.s32 s5, s8;
	s5 =	sadd.s32 s0, s6;
	s6 =	sadd.s32 s2, s6  }
0xf: {  	s0 =	simm.s32 $0x2200;
	s2 =	simm.s32 $0x2400;
	s7 =	sadd.s32 $0x22000, s3  }
0x10: {  	s8 =	sadd.s32 $0x32000, s3;
	s9 =	smax.u32 s9, $0x1;
	s3 =	simm.s32 $0x3A00  }
.LBB2_1:
0x11: {  	[tilespmem:s4], [sflag:$0x2] =	stream.linear.gather [hbm4b:s5+s4], $0x800, $0x38;
	[tilespmem:$0xF000] =	vst v63  }
0x12: {  	_ =	swait.ge [sflag:s10], $0x800  }
0x13: {  	[sflag:s10] =	ssyncset.done $0x0  }
0x14: {  	s20 =	simm.s32 $0x800;
	[sflag:s10] =	ssyncadd.s32 $0xFFFFF800  }
0x15: {  	[tilespmem:s20], [sflag:$0x2] =	stream.linear.gather [hbm4b:s6+s4], $0x800, $0x38;
	[tilespmem:$0xF000] =	vst v63  }
0x16: {  	_ =	swait.ge [sflag:s10], $0x800  }
0x17: {  	[sflag:s10] =	ssyncset.done $0x0  }
0x18: {  	[sflag:s10] =	ssyncadd.s32 $0xFFFFF800  }
0x19: {  	s22 =	rddreg [dreg:$0x1]  }
0x1a: {  	[tilespmem:s11], [sflag:$0x2] =	stream.linear.gather [hbm4b:s22+s4], $0x3000, $0x38;
	[tilespmem:$0xF000] =	vst v63  }
0x1b: {  	_ =	swait.ge [sflag:s10], $0x3000  }
0x1c: {  	[sflag:s10] =	ssyncset.done $0x0  }
0x1d: {  	[sflag:s10] =	ssyncadd.s32 $0xFFFFD000  }
0x1e: {  	v0 =	vld [tilespmem:s20+$0x0]  }
0x1f: {  	v1 =	vld [tilespmem:s20+$0xFFFFF800];
	_ =	sdelay $0x4  }
0x20: {  	v2 =	vshll.u32 v1, $0xC;
	v3 =	vshll.u32 v0, $0x3  }
0x21: {  	v1 =	vshll.u32 v1, $0x7;
	v2 =	vand.u32 $0xFFFF8000, v2;
	v3 =	vand.u32 $0xFFFFFC00, v3  }
0x22: {  	v1 =	vand.u32 $0x380, v1;
	v2 =	vadd.s32 v2, v3  }
0x23: {  	v0 =	vand.u32 $0x7F, v0;
	v1 =	vor.u32 v1, v2  }
0x24: {  	v0 =	vor.u32 v0, v1  }
0x25: {  	[tilespmem:s21+$0xFFFFF800] =	vst v0;
	v1 =	vadd.s32 $0x1000000, v0  }
0x26: {  	s26 =	sand.u32 $0x7F0, s4;
	v0 =	vadd.s32 $0x2000000, v0;
	[tilespmem:s21+$0x0] =	vst v1  }
0x27: {  	s23 =	simm.s32 $0x810;
	[tilespmem:s26+$0x2000] =	vst v0  }
0x28: {  	v0 =	vld [tilespmem:s23+$0x0]  }
0x29: {  	v1 =	vld [tilespmem:s23+$0xFFFFF800]  }
0x2a: {  	s24 =	simm.s32 $0x20;
	s22 =	simm.s32 $0x1800;
	s20 =	simm.s32 $0x10  }
.LBB2_2:
0x2b: {  	p0 =	sne.s32 s24, $0x7F0;
	_ =	sdelay $0x2  }
0x2c: {  	v3 =	vshll.u32 v0, $0x3;
	v2 =	vshll.u32 v1, $0xC  }
0x2d: {  	v3 =	vand.u32 $0xFFFFFC00, v3;
	v1 =	vshll.u32 v1, $0x7;
	v2 =	vand.u32 $0xFFFF8000, v2  }
0x2e: {  	v1 =	vand.u32 $0x380, v1;
	v2 =	vadd.s32 v2, v3  }
0x2f: {  	v0 =	vand.u32 $0x7F, v0;
	v1 =	vor.u32 v1, v2  }
0x30: {  	s22 =	sadd.s32 $0x10, s22;
	v0 =	vor.u32 v0, v1  }
0x31: {  	[tilespmem:s22+$0xFFFFF800] =	vst v0;
	v1 =	vadd.s32 $0x1000000, v0;
	v0 =	vadd.s32 $0x2000000, v0  }
.Ltmp0:
0x32: {  	s25 =	sand.u32 $0x7F0, s20;
	s20 =	smov.u32 s24;
	[tilespmem:s22+$0x0] =	vst v1;
	(pc) =	sbr.rel @p0 .LBB2_2-.Ltmp0, $4  }
0x33: {  	s23 =	sadd.s32 $0x10, s23;
	[tilespmem:s25+$0x2000] =	vst v0  }
0x34: {  	v0 =	vld [tilespmem:s23+$0x0]  }
0x35: {  	v1 =	vld [tilespmem:s23+$0xFFFFF800]  }
0x36: {  	s24 =	sadd.s32 $0x10, s24  }
0x37: {  	_ =	sdelay $0x2  }
0x38: {  	v3 =	vshll.u32 v0, $0x3;
	v2 =	vshll.u32 v1, $0xC  }
0x39: {  	v3 =	vand.u32 $0xFFFFFC00, v3;
	v1 =	vshll.u32 v1, $0x7;
	v2 =	vand.u32 $0xFFFF8000, v2  }
0x3a: {  	v1 =	vand.u32 $0x380, v1;
	v2 =	vadd.s32 v2, v3  }
0x3b: {  	v0 =	vand.u32 $0x7F, v0;
	v1 =	vor.u32 v1, v2  }
0x3c: {  	s22 =	sadd.s32 $0x10, s22;
	v0 =	vor.u32 v0, v1  }
0x3d: {  	[tilespmem:s22+$0xFFFFF800] =	vst v0;
	v1 =	vadd.s32 $0x1000000, v0  }
0x3e: {  	s20 =	sand.u32 $0x7F0, s20;
	v0 =	vadd.s32 $0x2000000, v0;
	[tilespmem:s22+$0x0] =	vst v1  }
0x3f: {  	s23 =	simm.s32 $0x1000;
	s24 =	simm.s32 $0x2800;
	[tilespmem:s20+$0x2000] =	vst v0  }
0x40: {  	[tilespmem:s24], [sflag:$0x1] =	stream.indirect.gather [hbm4b:s1+s12], $0x1, s23, s12, $0xb8;
	[tilespmem:$0xF000] =	vst v63  }
0x41: {  	s25 =	simm.s32 $0x1200;
	s26 =	simm.s32 $0x2A00  }
0x42: {  	[tilespmem:s26], [sflag:$0x1] =	stream.indirect.gather [hbm4b:s1+s12], $0x1, s25, s12, $0xb8;
	[tilespmem:$0xF000] =	vst v63  }
0x43: {  	s22 =	simm.s32 $0x1400;
	s23 =	simm.s32 $0x2C00  }
0x44: {  	[tilespmem:s23], [sflag:$0x1] =	stream.indirect.gather [hbm4b:s1+s12], $0x1, s22, s12, $0xb8;
	[tilespmem:$0xF000] =	vst v63  }
0x45: {  	s24 =	simm.s32 $0x1600;
	s25 =	simm.s32 $0x2E00  }
0x46: {  	[tilespmem:s25], [sflag:$0x1] =	stream.indirect.gather [hbm4b:s1+s12], $0x1, s24, s12, $0xb8;
	[tilespmem:$0xF000] =	vst v63  }
0x47: {  	s26 =	simm.s32 $0x3000  }
0x48: {  	[tilespmem:s26], [sflag:$0x1] =	stream.indirect.gather [hbm4b:s1+s12], $0x1, s21, s12, $0xb8;
	[tilespmem:$0xF000] =	vst v63  }
0x49: {  	s22 =	simm.s32 $0x1A00;
	s23 =	simm.s32 $0x3200  }
0x4a: {  	[tilespmem:s23], [sflag:$0x1] =	stream.indirect.gather [hbm4b:s1+s12], $0x1, s22, s12, $0xb8;
	[tilespmem:$0xF000] =	vst v63  }
0x4b: {  	s24 =	simm.s32 $0x1C00;
	s25 =	simm.s32 $0x3400  }
0x4c: {  	[tilespmem:s25], [sflag:$0x1] =	stream.indirect.gather [hbm4b:s1+s12], $0x1, s24, s12, $0xb8;
	[tilespmem:$0xF000] =	vst v63  }
0x4d: {  	_ = 	snop  }
0x4e: {  	[tilespmem:s29], [sflag:$0x1] =	stream.indirect.gather [hbm4b:s1+s12], $0x1, s28, s12, $0xb8;
	[tilespmem:$0xF000] =	vst v63  }
0x4f: {  	_ = 	snop  }
0x50: {  	[tilespmem:s31], [sflag:$0x1] =	stream.indirect.gather [hbm4b:s1+s12], $0x1, s30, s12, $0xb8;
	[tilespmem:$0xF000] =	vst v63  }
0x51: {  	_ = 	snop  }
0x52: {  	[tilespmem:s3], [sflag:$0x1] =	stream.indirect.gather [hbm4b:s1+s12], $0x1, s0, s12, $0xb8;
	[tilespmem:$0xF000] =	vst v63  }
0x53: {  	_ = 	snop  }
0x54: {  	[tilespmem:s13], [sflag:$0x1] =	stream.indirect.gather [hbm4b:s1+s12], $0x1, s2, s12, $0xb8;
	[tilespmem:$0xF000] =	vst v63  }
0x55: {  	s20 =	simm.s32 $0x0  }
0x56: {  	[tilespmem:s15], [sflag:$0x1] =	stream.indirect.gather [hbm4b:s1+s12], $0x1, s14, s12, $0xb8;
	[tilespmem:$0xF000] =	vst v63  }
0x57: {  	v0 =	vld [tilespmem:s20+$0x0];
	_ =	sdelay $0x7  }
0x58: {  	v1 =	vld.idx.msk [tilespmem:v0+s11+$0x0], $0xffff  }
0x59: {  	v2 =	vadd.s32 $0x1000, v0;
	_ =	sdelay $0x1  }
0x5a: {  	s26 =	sand.u32 $0x3C00, s20;
	s23 =	sand.u32 $0x70, s20;
	s24 =	sand.u32 $0x7F0, s20  }
0x5b: {  	v3 =	vld [tilespmem:s24+$0x800];
	s24 =	sor.u32 s23, s26  }
0x5c: {  	[tilespmem:s24+$0x4180] =	vst v1  }
0x5d: {  	v1 =	vld.idx.msk [tilespmem:v2+s11+$0x0], $0xffff  }
0x5e: {  	v0 =	vadd.s32 $0x2000, v0;
	_ =	sdelay $0x3  }
0x5f: {  	[tilespmem:s24+$0x4200] =	vst v1  }
0x60: {  	v0 =	vld.idx.msk [tilespmem:v0+s11+$0x0], $0xffff;
	_ =	sdelay $0x4  }
0x61: {  	[tilespmem:s24+$0x4280] =	vst v0  }
0x62: {  	v0 =	vld.idx.msk [tilespmem:v3+s11+$0x0], $0xffff  }
0x63: {  	v1 =	vadd.s32 $0x1000, v3;
	_ =	sdelay $0x3  }
0x64: {  	[tilespmem:s24+$0x4300] =	vst v0  }
0x65: {  	v0 =	vld.idx.msk [tilespmem:v1+s11+$0x0], $0xffff  }
0x66: {  	v1 =	vadd.s32 $0x2000, v3;
	_ =	sdelay $0x3  }
0x67: {  	[tilespmem:s24+$0x4380] =	vst v0  }
0x68: {  	s22 =	simm.s32 $0x10;
	s23 =	simm.s32 $0x0;
	v0 =	vld.idx.msk [tilespmem:v1+s11+$0x0], $0xffff  }
.LBB2_4:
0x69: {  	_ =	sdelay $0x3  }
0x6a: {  	p0 =	sne.s32 s22, $0x7F0;
	s20 =	sadd.s32 $0x80, s20;
	s23 =	sadd.s32 $0x10, s23;
	[tilespmem:s24+$0x8000] =	vst v0  }
0x6b: {  	s24 =	smov.u32 s22;
	s22 =	sadd.s32 $0x10, s22;
	v0 =	vld [tilespmem:s23+$0x0];
	_ =	sdelay $0x7  }
0x6c: {  	v1 =	vld.idx.msk [tilespmem:v0+s11+$0x0], $0xffff;
	_ =	sdelay $0x1  }
0x6d: {  	v2 =	vadd.s32 $0x1000, v0;
	_ =	sdelay $0x1  }
0x6e: {  	s25 =	sand.u32 $0x3C00, s20;
	s26 =	sand.u32 $0x70, s24;
	s24 =	sand.u32 $0x7F0, s24  }
0x6f: {  	v3 =	vld [tilespmem:s24+$0x800];
	s24 =	sor.u32 s26, s25  }
0x70: {  	[tilespmem:s24+$0x4180] =	vst v1  }
0x71: {  	v1 =	vld.idx.msk [tilespmem:v2+s11+$0x0], $0xffff;
	_ =	sdelay $0x1  }
0x72: {  	v0 =	vadd.s32 $0x2000, v0;
	_ =	sdelay $0x3  }
0x73: {  	[tilespmem:s24+$0x4200] =	vst v1  }
0x74: {  	v0 =	vld.idx.msk [tilespmem:v0+s11+$0x0], $0xffff;
	_ =	sdelay $0x5  }
0x75: {  	[tilespmem:s24+$0x4280] =	vst v0  }
0x76: {  	v0 =	vld.idx.msk [tilespmem:v3+s11+$0x0], $0xffff;
	_ =	sdelay $0x1  }
0x77: {  	v1 =	vadd.s32 $0x1000, v3;
	_ =	sdelay $0x3  }
0x78: {  	[tilespmem:s24+$0x4300] =	vst v0  }
0x79: {  	v0 =	vld.idx.msk [tilespmem:v1+s11+$0x0], $0xffff;
	_ =	sdelay $0x1  }
0x7a: {  	v1 =	vadd.s32 $0x2000, v3  }
.Ltmp1:
0x7b: {  	(pc) =	sbr.rel @p0 .LBB2_4-.Ltmp1, $3  }
0x7c: {  	_ =	sdelay $0x1  }
0x7d: {  	[tilespmem:s24+$0x4380] =	vst v0  }
0x7e: {  	v0 =	vld.idx.msk [tilespmem:v1+s11+$0x0], $0xffff  }
0x7f: {  	_ =	sdelay $0x3  }
0x80: {  	[tilespmem:s24+$0x8000] =	vst v0  }
0x81: {  	_ =	swait.ge [sflag:s16], $0x200  }
0x82: {  	[sflag:s16] =	ssyncset.done $0x0  }
0x83: {  	[sflag:s16] =	ssyncadd.s32 $0xFFFFFE00  }
0x84: {  	_ =	swait.ge [sflag:s16], $0x200  }
0x85: {  	[sflag:s16] =	ssyncset.done $0x0  }
0x86: {  	[sflag:s16] =	ssyncadd.s32 $0xFFFFFE00  }
0x87: {  	_ =	swait.ge [sflag:s16], $0x200  }
0x88: {  	[sflag:s16] =	ssyncset.done $0x0  }
0x89: {  	[sflag:s16] =	ssyncadd.s32 $0xFFFFFE00  }
0x8a: {  	_ =	swait.ge [sflag:s16], $0x200  }
0x8b: {  	[sflag:s16] =	ssyncset.done $0x0  }
0x8c: {  	[sflag:s16] =	ssyncadd.s32 $0xFFFFFE00  }
0x8d: {  	_ =	swait.ge [sflag:s16], $0x200  }
0x8e: {  	[sflag:s16] =	ssyncset.done $0x0  }
0x8f: {  	[sflag:s16] =	ssyncadd.s32 $0xFFFFFE00  }
0x90: {  	_ =	swait.ge [sflag:s16], $0x200  }
0x91: {  	[sflag:s16] =	ssyncset.done $0x0  }
0x92: {  	[sflag:s16] =	ssyncadd.s32 $0xFFFFFE00  }
0x93: {  	_ =	swait.ge [sflag:s16], $0x200  }
0x94: {  	[sflag:s16] =	ssyncset.done $0x0  }
0x95: {  	[sflag:s16] =	ssyncadd.s32 $0xFFFFFE00  }
0x96: {  	_ =	swait.ge [sflag:s16], $0x200  }
0x97: {  	[sflag:s16] =	ssyncset.done $0x0  }
0x98: {  	[sflag:s16] =	ssyncadd.s32 $0xFFFFFE00  }
0x99: {  	_ =	swait.ge [sflag:s16], $0x200  }
0x9a: {  	[sflag:s16] =	ssyncset.done $0x0  }
0x9b: {  	[sflag:s16] =	ssyncadd.s32 $0xFFFFFE00  }
0x9c: {  	_ =	swait.ge [sflag:s16], $0x200  }
0x9d: {  	[sflag:s16] =	ssyncset.done $0x0  }
0x9e: {  	[sflag:s16] =	ssyncadd.s32 $0xFFFFFE00  }
0x9f: {  	_ =	swait.ge [sflag:s16], $0x200  }
0xa0: {  	[sflag:s16] =	ssyncset.done $0x0  }
0xa1: {  	[sflag:s16] =	ssyncadd.s32 $0xFFFFFE00  }
0xa2: {  	_ =	swait.ge [sflag:s16], $0x200  }
0xa3: {  	[sflag:s16] =	ssyncset.done $0x0  }
0xa4: {  	s20 =	simm.s32 $0x2800;
	[sflag:s16] =	ssyncadd.s32 $0xFFFFFE00  }
0xa5: {  	v0 =	vld [tilespmem:s20+$0x0];
	_ =	sdelay $0x1  }
0xa6: {  	s20 =	simm.s32 $0x0  }
0xa7: {  	s22 =	sand.u32 $0x3C00, s20;
	s23 =	sand.u32 $0x70, s20  }
0xa8: {  	s22 =	sor.u32 s23, s22  }
0xa9: {  	s26 =	sand.u32 $0x7F0, s20;
	[tilespmem:s22+$0x4000] =	vst v0  }
0xaa: {  	v0 =	vld [tilespmem:s26+$0x3000];
	_ =	sdelay $0x4  }
0xab: {  	[tilespmem:s22+$0x4080] =	vst v0  }
0xac: {  	v0 =	vld [tilespmem:s26+$0x3800];
	_ =	sdelay $0x4  }
0xad: {  	s23 =	simm.s32 $0x2810;
	[tilespmem:s22+$0x4100] =	vst v0  }
0xae: {  	s24 =	simm.s32 $0x20;
	s22 =	simm.s32 $0x10;
	v0 =	vld [tilespmem:s23+$0x0]  }
.LBB2_6:
0xaf: {  	p0 =	sne.s32 s24, $0x7F0  }
0xb0: {  	s20 =	sadd.s32 $0x80, s20  }
0xb1: {  	s26 =	sand.u32 $0x70, s22;
	s25 =	sand.u32 $0x3C00, s20  }
0xb2: {  	s25 =	sor.u32 s26, s25  }
0xb3: {  	s26 =	sand.u32 $0x7F0, s22;
	s22 =	smov.u32 s24;
	[tilespmem:s25+$0x4000] =	vst v0  }
0xb4: {  	v0 =	vld [tilespmem:s26+$0x3000];
	_ =	sdelay $0x4  }
0xb5: {  	[tilespmem:s25+$0x4080] =	vst v0  }
0xb6: {  	v0 =	vld [tilespmem:s26+$0x3800];
	_ =	sdelay $0x1  }
.Ltmp2:
0xb7: {  	(pc) =	sbr.rel @p0 .LBB2_6-.Ltmp2, $3  }
0xb8: {  	_ =	sdelay $0x1  }
0xb9: {  	s23 =	sadd.s32 $0x10, s23;
	[tilespmem:s25+$0x4100] =	vst v0  }
0xba: {  	s24 =	sadd.s32 $0x10, s24;
	v0 =	vld [tilespmem:s23+$0x0]  }
0xbb: {  	_ = 	snop  }
0xbc: {  	s20 =	sadd.s32 $0x80, s20  }
0xbd: {  	s23 =	sand.u32 $0x70, s22;
	s20 =	sand.u32 $0x3C00, s20  }
0xbe: {  	s20 =	sor.u32 s23, s20  }
0xbf: {  	s26 =	sand.u32 $0x7F0, s22;
	[tilespmem:s20+$0x4000] =	vst v0  }
0xc0: {  	v0 =	vld [tilespmem:s26+$0x3000];
	_ =	sdelay $0x4  }
0xc1: {  	[tilespmem:s20+$0x4080] =	vst v0  }
0xc2: {  	v0 =	vld [tilespmem:s26+$0x3800];
	_ =	sdelay $0x4  }
0xc3: {  	[tilespmem:s20+$0x4100] =	vst v0  }
0xc4: {  	[hbm4b:s7+s4] =	stream.linear.scatter [tilespmem:s17], [sflag:$0x1], $0x4000, $0x38;
	[tilespmem:$0xF000] =	vst v63  }
0xc5: {  	s19 =	sadd.s32 $0x1, s19  }
0xc6: {  	[hbm4b:s8+s4] =	stream.linear.scatter [tilespmem:s18], [sflag:$0x1], $0x4000, $0x38;
	[tilespmem:$0xF000] =	vst v63  }
0xc7: {  	p0 =	sne.s32 s19, s9;
	_ =	swait.ge [sflag:s16], $0x4000  }
.Ltmp3:
0xc8: {  	[sflag:s16] =	ssyncset.done $0x0;
	(pc) =	sbr.rel @p0 .LBB2_1-.Ltmp3, $4  }
0xc9: {  	[sflag:s16] =	ssyncadd.s32 $0xFFFFC000  }
0xca: {  	_ =	swait.ge [sflag:s16], $0x4000  }
0xcb: {  	[sflag:s16] =	ssyncset.done $0x0  }
0xcc: {  	[sflag:s16] =	ssyncadd.s32 $0xFFFFC000  }
0xcd: {  	_ =	sfence.sel $0x180000  }
0xce: {  	[bflag:$0x0] =	sbarrier.arrive $0xFFFF  }
0xcf: {  	_ =	strace $0x9000004A  }
0xd0: {  	s0 =	stileid.u32;
	[bflag:$0x2] =	sbarrier.arrive $0xFFFF  }
0xd1: {  	p0 =	sne.s32 s0, $0x0;
	s0 =	rddreg [dreg:$0x5]  }
0xd2: {  	s0 =	sadd.s32 @!p0 $0x100000, s0  }
0xd3: {  	[sflag:s0] =	ssyncadd.tile.s32 @!p0 $0x1;
	_ =	shalt  }
.Lfunc_end2:
_tile_overlayer_lowered:
.L_overlay_start_2:
0xd4: {  	(tag) =	ssettag $0x2  }
0xd5: {  	s0 =	rddreg [dreg:$0x0];
	s2 =	stileid.u32  }
0xd6: {  	s1 =	rddreg [dreg:$0x1];
	p0 =	sne.s32 s2, $0x0  }
0xd7: {  	s3 =	rddreg [dreg:$0x2];
	[bflag:$0x3] =	sbarrier.arrive $0xFFFF;
	s2 =	simm.s32 @!p0 $0x1C02  }
0xd8: {  	[timem:s3], [sflag:s2] =	dma.local @!p0 [hbm:s0], s1  }
0xd9: {  	s0 =	simm.s32 @!p0 $0x2  }
0xda: {  	_ =	swait.ge @!p0 [sflag:s0], s1  }
0xdb: {  	s1 =	ssub.s32 @!p0 $0x0, s1;
	[sflag:s0] =	ssyncset.done @!p0 $0x0  }
0xdc: {  	[sflag:s0] =	ssyncadd.s32 @!p0 s1  }
0xdd: {  	[bflag:$0x3] =	sbarrier.arrive $0xFFFF  }
0xde: {  	_ =	shalt  }

</sc_bundles>
